<compile_context>
chip_gen: v7x
topology: tpu7x:2x2x1
jax: 0.10.2.dev20260603
libtpu: 0.0.44.dev20260713+nightly
codegen_flags: <defaults>
</compile_context>

<pallas_src>
import jax
import jax.numpy as jnp
from jax import lax
from jax.experimental import pallas as pl
from jax.experimental.pallas import tpu as pltpu
from jax.experimental.pallas import tpu_sc as plsc

N = 50000
E = 800000
DF = 128
H = 64
HH = H // 2
NSUB = 16
NPAD = 50048
RPT = NPAD // NSUB
EPT = E // NSUB
CH = 80
NCH = EPT // CH
BN = 2000
GRID = N // BN

_SC_MESH = plsc.VectorSubcoreMesh(core_axis_name="c", subcore_axis_name="s")
_SC_PARAMS = pltpu.CompilerParams(use_tc_tiling_on_sc=False)



def _segsum_body(y_st, src, dst, zrows, seg_st, sidx_v, didx_v, rows_v, sem, acc):
    c = lax.axis_index("c")
    s = lax.axis_index("s")
    r0 = pl.multiple_of(s * RPT, 8)
    half = c * N
    pltpu.sync_copy(zrows, acc.at[pl.ds(r0, RPT)])
    plsc.subcore_barrier()

    def chunk(i, carry):
        base = pl.multiple_of(s * EPT + i * CH, 8)
        pltpu.sync_copy(src.at[pl.ds(base, CH)], sidx_v)
        pltpu.sync_copy(dst.at[pl.ds(base, CH)], didx_v)
        for k in range(CH // 16):
            sl = pl.ds(k * 16, 16)
            sidx_v[sl] = sidx_v[sl] + half
        pltpu.async_copy(y_st.at[sidx_v], rows_v, sem).wait()
        pltpu.sync_copy(rows_v, acc.at[didx_v], add=True)
        return carry

    lax.fori_loop(0, NCH, chunk, 0)
    plsc.subcore_barrier()
    o0 = pl.multiple_of(c * NPAD + r0, 8)
    pltpu.sync_copy(acc.at[pl.ds(r0, RPT)], seg_st.at[pl.ds(o0, RPT)])


_segsum = pl.kernel(
    _segsum_body,
    mesh=_SC_MESH,
    out_type=jax.ShapeDtypeStruct((2 * NPAD, HH), jnp.float32),
    scratch_types=[pltpu.VMEM((CH,), jnp.int32),
                   pltpu.VMEM((CH,), jnp.int32),
                   pltpu.VMEM((CH, HH), jnp.float32),
                   pltpu.SemaphoreType.DMA,
                   pltpu.VMEM_SHARED((NPAD, HH), jnp.float32)],
    compiler_params=_SC_PARAMS,
)


def _counts_body(dst_st, ones_hbm, zrows, cnt_st, didx_v, ones_v, acc):
    c = lax.axis_index("c")
    s = lax.axis_index("s")
    r0 = pl.multiple_of(s * RPT, 8)
    pltpu.sync_copy(zrows, acc.at[pl.ds(r0, RPT)])
    pltpu.sync_copy(ones_hbm, ones_v)
    plsc.subcore_barrier()

    def chunk(i, carry):
        base = pl.multiple_of(c * E + s * EPT + i * CH, 8)
        pltpu.sync_copy(dst_st.at[pl.ds(base, CH)], didx_v)
        pltpu.sync_copy(ones_v, acc.at[didx_v], add=True)
        return carry

    lax.fori_loop(0, NCH, chunk, 0)
    plsc.subcore_barrier()
    o0 = pl.multiple_of(c * NPAD + r0, 8)
    pltpu.sync_copy(acc.at[pl.ds(r0, RPT)], cnt_st.at[pl.ds(o0, RPT)])


_counts = pl.kernel(
    _counts_body,
    mesh=_SC_MESH,
    out_type=jax.ShapeDtypeStruct((2 * NPAD, 16), jnp.float32),
    scratch_types=[pltpu.VMEM((CH,), jnp.int32),
                   pltpu.VMEM((CH, 16), jnp.float32),
                   pltpu.VMEM_SHARED((NPAD, 16), jnp.float32)],
    compiler_params=_SC_PARAMS,
)



def _mm(a, b):
    return jnp.dot(a, b, preferred_element_type=jnp.float32)


def _proj_writes(x_src, x_dst, Wl, Wr, b, y_st, z):
    y = _mm(x_src, Wl)
    y_st[0] = y[:, :HH]
    y_st[1] = y[:, HH:]
    z[...] = _mm(x_dst, Wr) + b


def _enc_proj_body(xu_in, xi_in, Wu, bu, Wi, bi,
                   Wl_ui, Wr_ui, b_ui, Wl_iu, Wr_iu, b_iu,
                   yui_st, yiu_st, zi, zu):
    xu = jax.nn.relu(_mm(xu_in[...], Wu[...]) + bu[...])
    xi = jax.nn.relu(_mm(xi_in[...], Wi[...]) + bi[...])
    _proj_writes(xu, xi, Wl_ui[...], Wr_ui[...], b_ui[...], yui_st, zi)
    _proj_writes(xi, xu, Wl_iu[...], Wr_iu[...], b_iu[...], yiu_st, zu)


def _combine(s_lo, s_hi, cnt, z):
    seg = jnp.concatenate([s_lo[0], s_hi[0]], axis=1)
    return jax.nn.relu(seg / jnp.maximum(cnt[0][:, :1], 1.0) + z[...])


def _comb_proj_body(sui_lo, sui_hi, siu_lo, siu_hi, cnt_ui, cnt_iu, zi_in, zu_in,
                    Wl_ui, Wr_ui, b_ui, Wl_iu, Wr_iu, b_iu,
                    yui_st, yiu_st, zi, zu):
    xi = _combine(sui_lo, sui_hi, cnt_ui, zi_in)
    xu = _combine(siu_lo, siu_hi, cnt_iu, zu_in)
    _proj_writes(xu, xi, Wl_ui[...], Wr_ui[...], b_ui[...], yui_st, zi)
    _proj_writes(xi, xu, Wl_iu[...], Wr_iu[...], b_iu[...], yiu_st, zu)


def _comb_final_body(sui_lo, sui_hi, siu_lo, siu_hi, cnt_ui, cnt_iu, zi_in, zu_in,
                     xu_out, xi_out):
    xi_out[...] = _combine(sui_lo, sui_hi, cnt_ui, zi_in)
    xu_out[...] = _combine(siu_lo, siu_hi, cnt_iu, zu_in)


def _row_spec(w):
    return pl.BlockSpec((BN, w), lambda i: (i, 0))


def _plane_spec(p, w):
    return pl.BlockSpec((1, BN, w), lambda i, _p=p: (_p, i, 0))


def _full_spec(shape):
    return pl.BlockSpec(shape, lambda i: tuple(0 for _ in shape))


_Y_OUT = [jax.ShapeDtypeStruct((2, N, HH), jnp.float32)] * 2
_Z_OUT = [jax.ShapeDtypeStruct((N, H), jnp.float32)] * 2
_W_SPECS = [_full_spec((H, H)), _full_spec((H, H)), _full_spec((1, H))] * 2
_Y_OUT_SPEC = pl.BlockSpec((2, BN, HH), lambda i: (0, i, 0))
_PROJ_OUT_SPECS = [_Y_OUT_SPEC, _Y_OUT_SPEC, _row_spec(H), _row_spec(H)]

_enc_proj = pl.pallas_call(
    _enc_proj_body,
    grid=(GRID,),
    in_specs=[_row_spec(DF), _row_spec(DF),
              _full_spec((DF, H)), _full_spec((1, H)),
              _full_spec((DF, H)), _full_spec((1, H))] + _W_SPECS,
    out_specs=_PROJ_OUT_SPECS,
    out_shape=_Y_OUT + _Z_OUT,
)

_COMB_IN_SPECS = [_plane_spec(0, HH), _plane_spec(1, HH),
                  _plane_spec(0, HH), _plane_spec(1, HH),
                  _plane_spec(0, 16), _plane_spec(1, 16),
                  _row_spec(H), _row_spec(H)]

_comb_proj = pl.pallas_call(
    _comb_proj_body,
    grid=(GRID,),
    in_specs=_COMB_IN_SPECS + _W_SPECS,
    out_specs=_PROJ_OUT_SPECS,
    out_shape=_Y_OUT + _Z_OUT,
)

_comb_final = pl.pallas_call(
    _comb_final_body,
    grid=(GRID,),
    in_specs=_COMB_IN_SPECS,
    out_specs=[_row_spec(H)] * 2,
    out_shape=[jax.ShapeDtypeStruct((N, H), jnp.float32)] * 2,
)



def _seg_pair(y, src, dst, zrows):
    seg = _segsum(y.reshape(2 * N, HH), src, dst, zrows).reshape(2, NPAD, HH)
    return seg, seg


def kernel(x_user, x_item, edge_index_ui, edge_index_iu,
           W_user, b_user, W_item, b_item,
           Wl_ui_0, Wr_ui_0, b_ui_0, Wl_iu_0, Wr_iu_0, b_iu_0,
           Wl_ui_1, Wr_ui_1, b_ui_1, Wl_iu_1, Wr_iu_1, b_iu_1):
    bu = b_user.reshape(1, H)
    bi = b_item.reshape(1, H)
    bui0 = b_ui_0.reshape(1, H)
    biu0 = b_iu_0.reshape(1, H)
    bui1 = b_ui_1.reshape(1, H)
    biu1 = b_iu_1.reshape(1, H)
    zrows = jnp.zeros((RPT, HH), jnp.float32)
    zrows16 = jnp.zeros((RPT, 16), jnp.float32)
    ones16 = jnp.ones((CH, 16), jnp.float32)
    src_ui, dst_ui = edge_index_ui[0], edge_index_ui[1]
    src_iu, dst_iu = edge_index_iu[0], edge_index_iu[1]
    dst_st = jnp.concatenate([dst_ui, dst_iu])

    cnt = _counts(dst_st, ones16, zrows16).reshape(2, NPAD, 16)

    yui, yiu, zi, zu = _enc_proj(
        x_user, x_item, W_user, bu, W_item, bi,
        Wl_ui_0, Wr_ui_0, bui0, Wl_iu_0, Wr_iu_0, biu0)

    sui, _ = _seg_pair(yui, src_ui, dst_ui, zrows)
    siu, _ = _seg_pair(yiu, src_iu, dst_iu, zrows)

    yui, yiu, zi, zu = _comb_proj(
        sui, sui, siu, siu, cnt, cnt, zi, zu,
        Wl_ui_1, Wr_ui_1, bui1, Wl_iu_1, Wr_iu_1, biu1)

    sui, _ = _seg_pair(yui, src_ui, dst_ui, zrows)
    siu, _ = _seg_pair(yiu, src_iu, dst_iu, zrows)

    xu_out, xi_out = _comb_final(
        sui, sui, siu, siu, cnt, cnt, zi, zu)
    return xu_out, xi_out

# --- scband reference (transcript-rebuilt; emitter-appended) ---
"""Pipeline reference for scband-hetero-gnn-33251636805845 (READ-ONLY COPY).

The authoritative reference and input builder live on the scoring server;
editing this copy changes nothing except your own understanding.
"""

import jax, jax.numpy as jnp
import numpy as np

NU = 50000
NI = 50000
E = 800000
DF = 128
H = 64

PARAM_NAMES = ["Wl_ui_0", "Wr_ui_0", "b_ui_0", "Wl_iu_0", "Wr_iu_0", "b_iu_0",
               "Wl_ui_1", "Wr_ui_1", "b_ui_1", "Wl_iu_1", "Wr_iu_1", "b_iu_1"]


def setup_inputs(seed: int = 0):
    key = jax.random.key(seed)
    ks = jax.random.split(key, 40)
    inp = {}
    inp["x_user"] = jax.random.normal(ks[0], (NU, DF), dtype=jnp.float32)
    inp["x_item"] = jax.random.normal(ks[1], (NI, DF), dtype=jnp.float32)
    inp["edge_index_ui"] = jax.random.randint(ks[2], (2, E), 0, NI, dtype=jnp.int32)
    inp["edge_index_iu"] = jax.random.randint(ks[3], (2, E), 0, NU, dtype=jnp.int32)
    s_in = 1.0 / np.sqrt(DF)
    inp["W_user"] = jax.random.uniform(ks[4], (DF, H), minval=-s_in, maxval=s_in, dtype=jnp.float32)
    inp["b_user"] = jax.random.uniform(ks[5], (H,), minval=-s_in, maxval=s_in, dtype=jnp.float32)
    inp["W_item"] = jax.random.uniform(ks[6], (DF, H), minval=-s_in, maxval=s_in, dtype=jnp.float32)
    inp["b_item"] = jax.random.uniform(ks[7], (H,), minval=-s_in, maxval=s_in, dtype=jnp.float32)
    s_h = 1.0 / np.sqrt(H)
    for i, name in enumerate(PARAM_NAMES):
        shape = (H,) if name.startswith("b") else (H, H)
        inp[name] = jax.random.uniform(ks[8 + i], shape, minval=-s_h, maxval=s_h, dtype=jnp.float32)
    return inp


def _sage(x_src, x_dst, ei, Wl, Wr, b):
    # PyG SAGEConv (bipartite, aggr='mean', root_weight=True):
    #   out = lin_l(mean_{j in N(i)} x_src_j) + lin_r(x_dst_i) + bias
    src = ei[0]
    dst = ei[1]
    n_dst = x_dst.shape[0]
    msgs = x_src[src]
    agg = jax.ops.segment_sum(msgs, dst, num_segments=n_dst)
    cnt = jax.ops.segment_sum(jnp.ones((src.shape[0],), dtype=x_src.dtype), dst, num_segments=n_dst)
    mean = agg / jnp.maximum(cnt, 1.0)[:, None]
    return mean @ Wl + x_dst @ Wr + b


def reference(x_user, x_item, edge_index_ui, edge_index_iu,
              W_user, b_user, W_item, b_item,
              Wl_ui_0, Wr_ui_0, b_ui_0, Wl_iu_0, Wr_iu_0, b_iu_0,
              Wl_ui_1, Wr_ui_1, b_ui_1, Wl_iu_1, Wr_iu_1, b_iu_1):
    xu = jax.nn.relu(x_user @ W_user + b_user)
    xi = jax.nn.relu(x_item @ W_item + b_item)
    layers = [(Wl_ui_0, Wr_ui_0, b_ui_0, Wl_iu_0, Wr_iu_0, b_iu_0),
              (Wl_ui_1, Wr_ui_1, b_ui_1, Wl_iu_1, Wr_iu_1, b_iu_1)]
    for (Wl_ui, Wr_ui, b_ui, Wl_iu, Wr_iu, b_iu) in layers:
        # HeteroConv: both edge types consume the same current x_dict
        new_xi = jax.nn.relu(_sage(xu, xi, edge_index_ui, Wl_ui, Wr_ui, b_ui))
        new_xu = jax.nn.relu(_sage(xi, xu, edge_index_iu, Wl_iu, Wr_iu, b_iu))
        xu, xi = new_xu, new_xi
    return (xu, xi)

if __name__ == "__main__":
    import jax
    _d = setup_inputs()
    print(jax.jit(kernel)(*tuple(_d.values())))

</pallas_src>

<mosaic_0001>
#map = affine_map<(d0, d1) -> (0)>
#map1 = affine_map<(d0, d1) -> (0, 0)>
module attributes {stable_mosaic.version = 14 : i64} {
  func.func @_counts_body(%arg0: i32, %arg1: i32, %arg2: memref<1600000xi32, #tpu.memory_space<hbm>>, %arg3: memref<80x16xf32, #tpu.memory_space<hbm>>, %arg4: memref<3128x16xf32, #tpu.memory_space<hbm>>, %arg5: memref<100096x16xf32, #tpu.memory_space<hbm>>, %arg6: memref<80xi32, #tpu.memory_space<vmem>>, %arg7: memref<80x16xf32, #tpu.memory_space<vmem>>, %arg8: memref<50048x16xf32, #tpu.memory_space<vmem_shared>>) attributes {dimension_semantics = [#tpu.dimension_semantics<core_parallel>, #tpu.dimension_semantics<subcore_parallel>], iteration_bounds = array<i64: 2, 16>, scalar_prefetch = 0 : i64, scratch_operands = 3 : i64, tpu.core_type = #tpu.core_type<sc_vector_subcore>, window_params = [{transform_indices = #map}, {transform_indices = #map1}, {transform_indices = #map1}, {transform_indices = #map1}]} {
    %mul3A = arith.constant 3128 : i32
    %mul3A_0 = arith.muli %arg1, %mul3A : i32
    %multiple_of3A = tpu.assume_multiple %mul3A_0, 8 : i32
    "tpu.region"() ({
      %run_scoped3A = tpu.sem_alloc : memref<!tpu.dma_semaphore, #tpu.memory_space<semaphore_mem>>
      %dma_start3A = arith.constant 0 : i32
      %dma_start3A_10 = tpu.memref_slice %arg8[%multiple_of3A, %dma_start3A] : memref<50048x16xf32, #tpu.memory_space<vmem_shared>> -> memref<3128x16xf32, #tpu.memory_space<vmem_shared>>
      tpu.enqueue_dma source(%arg4 : memref<3128x16xf32, #tpu.memory_space<hbm>>) target(%dma_start3A_10 : memref<3128x16xf32, #tpu.memory_space<vmem_shared>>) target_semaphore(%run_scoped3A : memref<!tpu.dma_semaphore, #tpu.memory_space<semaphore_mem>>)
      %dma_wait3A = arith.constant 0 : i32
      %dma_wait3A_11 = tpu.memref_slice %arg8[%multiple_of3A, %dma_wait3A] : memref<50048x16xf32, #tpu.memory_space<vmem_shared>> -> memref<3128x16xf32, #tpu.memory_space<vmem_shared>>
      tpu.wait_dma2 semaphore(%run_scoped3A : memref<!tpu.dma_semaphore, #tpu.memory_space<semaphore_mem>>) src(%arg4 : memref<3128x16xf32, #tpu.memory_space<hbm>>) dst(%dma_wait3A_11 : memref<3128x16xf32, #tpu.memory_space<vmem_shared>>)
      tpu.yield
    }) : () -> ()
    "tpu.region"() ({
      %run_scoped3A = tpu.sem_alloc : memref<!tpu.dma_semaphore, #tpu.memory_space<semaphore_mem>>
      tpu.enqueue_dma source(%arg3 : memref<80x16xf32, #tpu.memory_space<hbm>>) target(%arg7 : memref<80x16xf32, #tpu.memory_space<vmem>>) target_semaphore(%run_scoped3A : memref<!tpu.dma_semaphore, #tpu.memory_space<semaphore_mem>>)
      tpu.wait_dma2 semaphore(%run_scoped3A : memref<!tpu.dma_semaphore, #tpu.memory_space<semaphore_mem>>) src(%arg3 : memref<80x16xf32, #tpu.memory_space<hbm>>) dst(%arg7 : memref<80x16xf32, #tpu.memory_space<vmem>>)
      tpu.yield
    }) : () -> ()
    %barrier3A = arith.constant 0 : index
    tpu.barrier barrier_id(%barrier3A)
    %scan3A = arith.constant 0 : i32
    %scan3A_1 = arith.constant 0 : i32
    %scan3A_2 = arith.constant 625 : i32
    %scan3A_3 = arith.addi %scan3A_1, %scan3A_2 : i32
    %scan3A_4 = arith.constant 1 : i32
    scf.for %scan3A_10 = %scan3A_1 to %scan3A_3 step %scan3A_4  : i32 {
      %mul3A_11 = arith.constant 800000 : i32
      %mul3A_12 = arith.muli %arg0, %mul3A_11 : i32
      %mul3A_13 = arith.constant 50000 : i32
      %mul3A_14 = arith.muli %arg1, %mul3A_13 : i32
      %add3A_15 = arith.addi %mul3A_12, %mul3A_14 : i32
      %mul3A_16 = arith.constant 80 : i32
      %mul3A_17 = arith.muli %scan3A_10, %mul3A_16 : i32
      %add3A_18 = arith.addi %add3A_15, %mul3A_17 : i32
      %multiple_of3A_19 = tpu.assume_multiple %add3A_18, 8 : i32
      "tpu.region"() ({
        %run_scoped3A = tpu.sem_alloc : memref<!tpu.dma_semaphore, #tpu.memory_space<semaphore_mem>>
        %dma_start3A = tpu.memref_slice %arg2[%multiple_of3A_19] : memref<1600000xi32, #tpu.memory_space<hbm>> -> memref<80xi32, #tpu.memory_space<hbm>>
        %dma_start3A_20 = tpu.memref_slice %arg2[%multiple_of3A_19] : memref<1600000xi32, #tpu.memory_space<hbm>> -> memref<80xi32, #tpu.memory_space<hbm>>
        tpu.enqueue_dma source(%dma_start3A_20 : memref<80xi32, #tpu.memory_space<hbm>>) target(%arg6 : memref<80xi32, #tpu.memory_space<vmem>>) target_semaphore(%run_scoped3A : memref<!tpu.dma_semaphore, #tpu.memory_space<semaphore_mem>>)
        %dma_wait3A = tpu.memref_slice %arg2[%multiple_of3A_19] : memref<1600000xi32, #tpu.memory_space<hbm>> -> memref<80xi32, #tpu.memory_space<hbm>>
        %dma_wait3A_21 = tpu.memref_slice %arg2[%multiple_of3A_19] : memref<1600000xi32, #tpu.memory_space<hbm>> -> memref<80xi32, #tpu.memory_space<hbm>>
        tpu.wait_dma2 semaphore(%run_scoped3A : memref<!tpu.dma_semaphore, #tpu.memory_space<semaphore_mem>>) src(%dma_wait3A_21 : memref<80xi32, #tpu.memory_space<hbm>>) dst(%arg6 : memref<80xi32, #tpu.memory_space<vmem>>)
        tpu.yield
      }) : () -> ()
      "tpu.region"() ({
        %run_scoped3A = tpu.sem_alloc : memref<!tpu.dma_semaphore, #tpu.memory_space<semaphore_mem>>
        %dma_start3A = arith.constant 0 : i32
        %dma_start3A_20 = arith.constant 0 : i32
        %dma_start3A_21 = tpu.memref_slice %arg8[%dma_start3A, %dma_start3A_20] : memref<50048x16xf32, #tpu.memory_space<vmem_shared>> -> memref<50048x16xf32, #tpu.memory_space<vmem_shared>>
        tpu.enqueue_indirect_dma source(%arg7 : memref<80x16xf32, #tpu.memory_space<vmem>>) target(%dma_start3A_21 : memref<50048x16xf32, #tpu.memory_space<vmem_shared>>) offsets(%arg6 : memref<80xi32, #tpu.memory_space<vmem>>) semaphore(%run_scoped3A : memref<!tpu.dma_semaphore, #tpu.memory_space<semaphore_mem>>) {add = true}
        %dma_wait3A = arith.constant 0 : i32
        %dma_wait3A_22 = arith.constant 0 : i32
        %dma_wait3A_23 = tpu.memref_slice %arg8[%dma_wait3A, %dma_wait3A_22] : memref<50048x16xf32, #tpu.memory_space<vmem_shared>> -> memref<50048x16xf32, #tpu.memory_space<vmem_shared>>
        tpu.wait_indirect_dma semaphore(%run_scoped3A : memref<!tpu.dma_semaphore, #tpu.memory_space<semaphore_mem>>) src(%arg7 : memref<80x16xf32, #tpu.memory_space<vmem>>) dst(%dma_wait3A_23 : memref<50048x16xf32, #tpu.memory_space<vmem_shared>>)
        tpu.yield
      }) : () -> ()
    }
    %scan3A_5 = arith.constant 625 : i32
    %barrier3A_6 = arith.constant 0 : index
    tpu.barrier barrier_id(%barrier3A_6)
    %mul3A_7 = arith.constant 50048 : i32
    %mul3A_8 = arith.muli %arg0, %mul3A_7 : i32
    %add3A = arith.addi %mul3A_8, %multiple_of3A : i32
    %multiple_of3A_9 = tpu.assume_multiple %add3A, 8 : i32
    "tpu.region"() ({
      %run_scoped3A = tpu.sem_alloc : memref<!tpu.dma_semaphore, #tpu.memory_space<semaphore_mem>>
      %dma_start3A = arith.constant 0 : i32
      %dma_start3A_10 = tpu.memref_slice %arg5[%multiple_of3A_9, %dma_start3A] : memref<100096x16xf32, #tpu.memory_space<hbm>> -> memref<3128x16xf32, #tpu.memory_space<hbm>>
      %dma_start3A_11 = arith.constant 0 : i32
      %dma_start3A_12 = tpu.memref_slice %arg8[%multiple_of3A, %dma_start3A_11] : memref<50048x16xf32, #tpu.memory_space<vmem_shared>> -> memref<3128x16xf32, #tpu.memory_space<vmem_shared>>
      tpu.enqueue_dma source(%dma_start3A_12 : memref<3128x16xf32, #tpu.memory_space<vmem_shared>>) target(%dma_start3A_10 : memref<3128x16xf32, #tpu.memory_space<hbm>>) target_semaphore(%run_scoped3A : memref<!tpu.dma_semaphore, #tpu.memory_space<semaphore_mem>>)
      %dma_wait3A = arith.constant 0 : i32
      %dma_wait3A_13 = tpu.memref_slice %arg5[%multiple_of3A_9, %dma_wait3A] : memref<100096x16xf32, #tpu.memory_space<hbm>> -> memref<3128x16xf32, #tpu.memory_space<hbm>>
      %dma_wait3A_14 = arith.constant 0 : i32
      %dma_wait3A_15 = tpu.memref_slice %arg8[%multiple_of3A, %dma_wait3A_14] : memref<50048x16xf32, #tpu.memory_space<vmem_shared>> -> memref<3128x16xf32, #tpu.memory_space<vmem_shared>>
      tpu.wait_dma2 semaphore(%run_scoped3A : memref<!tpu.dma_semaphore, #tpu.memory_space<semaphore_mem>>) src(%dma_wait3A_15 : memref<3128x16xf32, #tpu.memory_space<vmem_shared>>) dst(%dma_wait3A_13 : memref<3128x16xf32, #tpu.memory_space<hbm>>)
      tpu.yield
    }) : () -> ()
    return
  }
}

#map = affine_map<(d0, d1) -> (0, 0)>
#map1 = affine_map<(d0, d1) -> (0)>
module attributes {stable_mosaic.version = 14 : i64} {
  func.func @_segsum_body(%arg0: i32, %arg1: i32, %arg2: memref<100000x32xf32, #tpu.memory_space<hbm>>, %arg3: memref<800000xi32, #tpu.memory_space<hbm>>, %arg4: memref<800000xi32, #tpu.memory_space<hbm>>, %arg5: memref<3128x32xf32, #tpu.memory_space<hbm>>, %arg6: memref<100096x32xf32, #tpu.memory_space<hbm>>, %arg7: memref<80xi32, #tpu.memory_space<vmem>>, %arg8: memref<80xi32, #tpu.memory_space<vmem>>, %arg9: memref<80x32xf32, #tpu.memory_space<vmem>>, %arg10: memref<!tpu.dma_semaphore, #tpu.memory_space<semaphore_mem>>, %arg11: memref<50048x32xf32, #tpu.memory_space<vmem_shared>>) attributes {dimension_semantics = [#tpu.dimension_semantics<core_parallel>, #tpu.dimension_semantics<subcore_parallel>], iteration_bounds = array<i64: 2, 16>, scalar_prefetch = 0 : i64, scratch_operands = 5 : i64, tpu.core_type = #tpu.core_type<sc_vector_subcore>, window_params = [{transform_indices = #map}, {transform_indices = #map1}, {transform_indices = #map1}, {transform_indices = #map}, {transform_indices = #map}]} {
    %mul3A = arith.constant 3128 : i32
    %mul3A_0 = arith.muli %arg1, %mul3A : i32
    %multiple_of3A = tpu.assume_multiple %mul3A_0, 8 : i32
    %mul3A_1 = arith.constant 50000 : i32
    %mul3A_2 = arith.muli %arg0, %mul3A_1 : i32
    "tpu.region"() ({
      %run_scoped3A = tpu.sem_alloc : memref<!tpu.dma_semaphore, #tpu.memory_space<semaphore_mem>>
      %dma_start3A = arith.constant 0 : i32
      %dma_start3A_12 = tpu.memref_slice %arg11[%multiple_of3A, %dma_start3A] : memref<50048x32xf32, #tpu.memory_space<vmem_shared>> -> memref<3128x32xf32, #tpu.memory_space<vmem_shared>>
      tpu.enqueue_dma source(%arg5 : memref<3128x32xf32, #tpu.memory_space<hbm>>) target(%dma_start3A_12 : memref<3128x32xf32, #tpu.memory_space<vmem_shared>>) target_semaphore(%run_scoped3A : memref<!tpu.dma_semaphore, #tpu.memory_space<semaphore_mem>>)
      %dma_wait3A = arith.constant 0 : i32
      %dma_wait3A_13 = tpu.memref_slice %arg11[%multiple_of3A, %dma_wait3A] : memref<50048x32xf32, #tpu.memory_space<vmem_shared>> -> memref<3128x32xf32, #tpu.memory_space<vmem_shared>>
      tpu.wait_dma2 semaphore(%run_scoped3A : memref<!tpu.dma_semaphore, #tpu.memory_space<semaphore_mem>>) src(%arg5 : memref<3128x32xf32, #tpu.memory_space<hbm>>) dst(%dma_wait3A_13 : memref<3128x32xf32, #tpu.memory_space<vmem_shared>>)
      tpu.yield
    }) : () -> ()
    %barrier3A = arith.constant 0 : index
    tpu.barrier barrier_id(%barrier3A)
    %scan3A = arith.constant 0 : i32
    %scan3A_3 = arith.constant 0 : i32
    %scan3A_4 = arith.constant 625 : i32
    %scan3A_5 = arith.addi %scan3A_3, %scan3A_4 : i32
    %scan3A_6 = arith.constant 1 : i32
    scf.for %scan3A_12 = %scan3A_3 to %scan3A_5 step %scan3A_6  : i32 {
      %mul3A_13 = arith.constant 50000 : i32
      %mul3A_14 = arith.muli %arg1, %mul3A_13 : i32
      %mul3A_15 = arith.constant 80 : i32
      %mul3A_16 = arith.muli %scan3A_12, %mul3A_15 : i32
      %add3A_17 = arith.addi %mul3A_14, %mul3A_16 : i32
      %multiple_of3A_18 = tpu.assume_multiple %add3A_17, 8 : i32
      "tpu.region"() ({
        %run_scoped3A = tpu.sem_alloc : memref<!tpu.dma_semaphore, #tpu.memory_space<semaphore_mem>>
        %dma_start3A_66 = tpu.memref_slice %arg3[%multiple_of3A_18] : memref<800000xi32, #tpu.memory_space<hbm>> -> memref<80xi32, #tpu.memory_space<hbm>>
        %dma_start3A_67 = tpu.memref_slice %arg3[%multiple_of3A_18] : memref<800000xi32, #tpu.memory_space<hbm>> -> memref<80xi32, #tpu.memory_space<hbm>>
        tpu.enqueue_dma source(%dma_start3A_67 : memref<80xi32, #tpu.memory_space<hbm>>) target(%arg7 : memref<80xi32, #tpu.memory_space<vmem>>) target_semaphore(%run_scoped3A : memref<!tpu.dma_semaphore, #tpu.memory_space<semaphore_mem>>)
        %dma_wait3A_68 = tpu.memref_slice %arg3[%multiple_of3A_18] : memref<800000xi32, #tpu.memory_space<hbm>> -> memref<80xi32, #tpu.memory_space<hbm>>
        %dma_wait3A_69 = tpu.memref_slice %arg3[%multiple_of3A_18] : memref<800000xi32, #tpu.memory_space<hbm>> -> memref<80xi32, #tpu.memory_space<hbm>>
        tpu.wait_dma2 semaphore(%run_scoped3A : memref<!tpu.dma_semaphore, #tpu.memory_space<semaphore_mem>>) src(%dma_wait3A_69 : memref<80xi32, #tpu.memory_space<hbm>>) dst(%arg7 : memref<80xi32, #tpu.memory_space<vmem>>)
        tpu.yield
      }) : () -> ()
      "tpu.region"() ({
        %run_scoped3A = tpu.sem_alloc : memref<!tpu.dma_semaphore, #tpu.memory_space<semaphore_mem>>
        %dma_start3A_66 = tpu.memref_slice %arg4[%multiple_of3A_18] : memref<800000xi32, #tpu.memory_space<hbm>> -> memref<80xi32, #tpu.memory_space<hbm>>
        %dma_start3A_67 = tpu.memref_slice %arg4[%multiple_of3A_18] : memref<800000xi32, #tpu.memory_space<hbm>> -> memref<80xi32, #tpu.memory_space<hbm>>
        tpu.enqueue_dma source(%dma_start3A_67 : memref<80xi32, #tpu.memory_space<hbm>>) target(%arg8 : memref<80xi32, #tpu.memory_space<vmem>>) target_semaphore(%run_scoped3A : memref<!tpu.dma_semaphore, #tpu.memory_space<semaphore_mem>>)
        %dma_wait3A_68 = tpu.memref_slice %arg4[%multiple_of3A_18] : memref<800000xi32, #tpu.memory_space<hbm>> -> memref<80xi32, #tpu.memory_space<hbm>>
        %dma_wait3A_69 = tpu.memref_slice %arg4[%multiple_of3A_18] : memref<800000xi32, #tpu.memory_space<hbm>> -> memref<80xi32, #tpu.memory_space<hbm>>
        tpu.wait_dma2 semaphore(%run_scoped3A : memref<!tpu.dma_semaphore, #tpu.memory_space<semaphore_mem>>) src(%dma_wait3A_69 : memref<80xi32, #tpu.memory_space<hbm>>) dst(%arg8 : memref<80xi32, #tpu.memory_space<vmem>>)
        tpu.yield
      }) : () -> ()
      %get3A = arith.constant 0 : index
      %get3A_19 = tpu.vector_load %arg7[%get3A] {strides = array<i32>} : memref<80xi32, #tpu.memory_space<vmem>>, vector<16xi32>,
      %get3A_20 = vector.shape_cast %get3A_19 : vector<16xi32> to vector<16xi32>
      %add3A_21 = vector.broadcast %mul3A_2 : i32 to vector<16xi32>
      %add3A_22 = arith.addi %get3A_20, %add3A_21 : vector<16xi32>
      %swap3A = arith.constant 0 : index
      %swap3A_23 = tpu.vector_load %arg7[%swap3A] {strides = array<i32>} : memref<80xi32, #tpu.memory_space<vmem>>, vector<16xi32>,
      %swap3A_24 = vector.shape_cast %swap3A_23 : vector<16xi32> to vector<16xi32>
      %swap3A_25 = vector.shape_cast %add3A_22 : vector<16xi32> to vector<16xi32>
      tpu.vector_store %arg7[%swap3A], %swap3A_25 {strides = array<i32>} : memref<80xi32, #tpu.memory_space<vmem>>, vector<16xi32>,
      %get3A_26 = arith.constant 16 : index
      %get3A_27 = tpu.vector_load %arg7[%get3A_26] {strides = array<i32>} : memref<80xi32, #tpu.memory_space<vmem>>, vector<16xi32>,
      %get3A_28 = vector.shape_cast %get3A_27 : vector<16xi32> to vector<16xi32>
      %add3A_29 = vector.broadcast %mul3A_2 : i32 to vector<16xi32>
      %add3A_30 = arith.addi %get3A_28, %add3A_29 : vector<16xi32>
      %swap3A_31 = arith.constant 16 : index
      %swap3A_32 = tpu.vector_load %arg7[%swap3A_31] {strides = array<i32>} : memref<80xi32, #tpu.memory_space<vmem>>, vector<16xi32>,
      %swap3A_33 = vector.shape_cast %swap3A_32 : vector<16xi32> to vector<16xi32>
      %swap3A_34 = vector.shape_cast %add3A_30 : vector<16xi32> to vector<16xi32>
      tpu.vector_store %arg7[%swap3A_31], %swap3A_34 {strides = array<i32>} : memref<80xi32, #tpu.memory_space<vmem>>, vector<16xi32>,
      %get3A_35 = arith.constant 32 : index
      %get3A_36 = tpu.vector_load %arg7[%get3A_35] {strides = array<i32>} : memref<80xi32, #tpu.memory_space<vmem>>, vector<16xi32>,
      %get3A_37 = vector.shape_cast %get3A_36 : vector<16xi32> to vector<16xi32>
      %add3A_38 = vector.broadcast %mul3A_2 : i32 to vector<16xi32>
      %add3A_39 = arith.addi %get3A_37, %add3A_38 : vector<16xi32>
      %swap3A_40 = arith.constant 32 : index
      %swap3A_41 = tpu.vector_load %arg7[%swap3A_40] {strides = array<i32>} : memref<80xi32, #tpu.memory_space<vmem>>, vector<16xi32>,
      %swap3A_42 = vector.shape_cast %swap3A_41 : vector<16xi32> to vector<16xi32>
      %swap3A_43 = vector.shape_cast %add3A_39 : vector<16xi32> to vector<16xi32>
      tpu.vector_store %arg7[%swap3A_40], %swap3A_43 {strides = array<i32>} : memref<80xi32, #tpu.memory_space<vmem>>, vector<16xi32>,
      %get3A_44 = arith.constant 48 : index
      %get3A_45 = tpu.vector_load %arg7[%get3A_44] {strides = array<i32>} : memref<80xi32, #tpu.memory_space<vmem>>, vector<16xi32>,
      %get3A_46 = vector.shape_cast %get3A_45 : vector<16xi32> to vector<16xi32>
      %add3A_47 = vector.broadcast %mul3A_2 : i32 to vector<16xi32>
      %add3A_48 = arith.addi %get3A_46, %add3A_47 : vector<16xi32>
      %swap3A_49 = arith.constant 48 : index
      %swap3A_50 = tpu.vector_load %arg7[%swap3A_49] {strides = array<i32>} : memref<80xi32, #tpu.memory_space<vmem>>, vector<16xi32>,
      %swap3A_51 = vector.shape_cast %swap3A_50 : vector<16xi32> to vector<16xi32>
      %swap3A_52 = vector.shape_cast %add3A_48 : vector<16xi32> to vector<16xi32>
      tpu.vector_store %arg7[%swap3A_49], %swap3A_52 {strides = array<i32>} : memref<80xi32, #tpu.memory_space<vmem>>, vector<16xi32>,
      %get3A_53 = arith.constant 64 : index
      %get3A_54 = tpu.vector_load %arg7[%get3A_53] {strides = array<i32>} : memref<80xi32, #tpu.memory_space<vmem>>, vector<16xi32>,
      %get3A_55 = vector.shape_cast %get3A_54 : vector<16xi32> to vector<16xi32>
      %add3A_56 = vector.broadcast %mul3A_2 : i32 to vector<16xi32>
      %add3A_57 = arith.addi %get3A_55, %add3A_56 : vector<16xi32>
      %swap3A_58 = arith.constant 64 : index
      %swap3A_59 = tpu.vector_load %arg7[%swap3A_58] {strides = array<i32>} : memref<80xi32, #tpu.memory_space<vmem>>, vector<16xi32>,
      %swap3A_60 = vector.shape_cast %swap3A_59 : vector<16xi32> to vector<16xi32>
      %swap3A_61 = vector.shape_cast %add3A_57 : vector<16xi32> to vector<16xi32>
      tpu.vector_store %arg7[%swap3A_58], %swap3A_61 {strides = array<i32>} : memref<80xi32, #tpu.memory_space<vmem>>, vector<16xi32>,
      %dma_start3A = arith.constant 0 : i32
      %dma_start3A_62 = arith.constant 0 : i32
      %dma_start3A_63 = tpu.memref_slice %arg2[%dma_start3A, %dma_start3A_62] : memref<100000x32xf32, #tpu.memory_space<hbm>> -> memref<100000x32xf32, #tpu.memory_space<hbm>>
      tpu.enqueue_indirect_dma source(%dma_start3A_63 : memref<100000x32xf32, #tpu.memory_space<hbm>>) target(%arg9 : memref<80x32xf32, #tpu.memory_space<vmem>>) offsets(%arg7 : memref<80xi32, #tpu.memory_space<vmem>>) semaphore(%arg10 : memref<!tpu.dma_semaphore, #tpu.memory_space<semaphore_mem>>)
      %dma_wait3A = arith.constant 0 : i32
      %dma_wait3A_64 = arith.constant 0 : i32
      %dma_wait3A_65 = tpu.memref_slice %arg2[%dma_wait3A, %dma_wait3A_64] : memref<100000x32xf32, #tpu.memory_space<hbm>> -> memref<100000x32xf32, #tpu.memory_space<hbm>>
      tpu.wait_indirect_dma semaphore(%arg10 : memref<!tpu.dma_semaphore, #tpu.memory_space<semaphore_mem>>) src(%dma_wait3A_65 : memref<100000x32xf32, #tpu.memory_space<hbm>>) dst(%arg9 : memref<80x32xf32, #tpu.memory_space<vmem>>)
      "tpu.region"() ({
        %run_scoped3A = tpu.sem_alloc : memref<!tpu.dma_semaphore, #tpu.memory_space<semaphore_mem>>
        %dma_start3A_66 = arith.constant 0 : i32
        %dma_start3A_67 = arith.constant 0 : i32
        %dma_start3A_68 = tpu.memref_slice %arg11[%dma_start3A_66, %dma_start3A_67] : memref<50048x32xf32, #tpu.memory_space<vmem_shared>> -> memref<50048x32xf32, #tpu.memory_space<vmem_shared>>
        tpu.enqueue_indirect_dma source(%arg9 : memref<80x32xf32, #tpu.memory_space<vmem>>) target(%dma_start3A_68 : memref<50048x32xf32, #tpu.memory_space<vmem_shared>>) offsets(%arg8 : memref<80xi32, #tpu.memory_space<vmem>>) semaphore(%run_scoped3A : memref<!tpu.dma_semaphore, #tpu.memory_space<semaphore_mem>>) {add = true}
        %dma_wait3A_69 = arith.constant 0 : i32
        %dma_wait3A_70 = arith.constant 0 : i32
        %dma_wait3A_71 = tpu.memref_slice %arg11[%dma_wait3A_69, %dma_wait3A_70] : memref<50048x32xf32, #tpu.memory_space<vmem_shared>> -> memref<50048x32xf32, #tpu.memory_space<vmem_shared>>
        tpu.wait_indirect_dma semaphore(%run_scoped3A : memref<!tpu.dma_semaphore, #tpu.memory_space<semaphore_mem>>) src(%arg9 : memref<80x32xf32, #tpu.memory_space<vmem>>) dst(%dma_wait3A_71 : memref<50048x32xf32, #tpu.memory_space<vmem_shared>>)
        tpu.yield
      }) : () -> ()
    }
    %scan3A_7 = arith.constant 625 : i32
    %barrier3A_8 = arith.constant 0 : index
    tpu.barrier barrier_id(%barrier3A_8)
    %mul3A_9 = arith.constant 50048 : i32
    %mul3A_10 = arith.muli %arg0, %mul3A_9 : i32
    %add3A = arith.addi %mul3A_10, %multiple_of3A : i32
    %multiple_of3A_11 = tpu.assume_multiple %add3A, 8 : i32
    "tpu.region"() ({
      %run_scoped3A = tpu.sem_alloc : memref<!tpu.dma_semaphore, #tpu.memory_space<semaphore_mem>>
      %dma_start3A = arith.constant 0 : i32
      %dma_start3A_12 = tpu.memref_slice %arg6[%multiple_of3A_11, %dma_start3A] : memref<100096x32xf32, #tpu.memory_space<hbm>> -> memref<3128x32xf32, #tpu.memory_space<hbm>>
      %dma_start3A_13 = arith.constant 0 : i32
      %dma_start3A_14 = tpu.memref_slice %arg11[%multiple_of3A, %dma_start3A_13] : memref<50048x32xf32, #tpu.memory_space<vmem_shared>> -> memref<3128x32xf32, #tpu.memory_space<vmem_shared>>
      tpu.enqueue_dma source(%dma_start3A_14 : memref<3128x32xf32, #tpu.memory_space<vmem_shared>>) target(%dma_start3A_12 : memref<3128x32xf32, #tpu.memory_space<hbm>>) target_semaphore(%run_scoped3A : memref<!tpu.dma_semaphore, #tpu.memory_space<semaphore_mem>>)
      %dma_wait3A = arith.constant 0 : i32
      %dma_wait3A_15 = tpu.memref_slice %arg6[%multiple_of3A_11, %dma_wait3A] : memref<100096x32xf32, #tpu.memory_space<hbm>> -> memref<3128x32xf32, #tpu.memory_space<hbm>>
      %dma_wait3A_16 = arith.constant 0 : i32
      %dma_wait3A_17 = tpu.memref_slice %arg11[%multiple_of3A, %dma_wait3A_16] : memref<50048x32xf32, #tpu.memory_space<vmem_shared>> -> memref<3128x32xf32, #tpu.memory_space<vmem_shared>>
      tpu.wait_dma2 semaphore(%run_scoped3A : memref<!tpu.dma_semaphore, #tpu.memory_space<semaphore_mem>>) src(%dma_wait3A_17 : memref<3128x32xf32, #tpu.memory_space<vmem_shared>>) dst(%dma_wait3A_15 : memref<3128x32xf32, #tpu.memory_space<hbm>>)
      tpu.yield
    }) : () -> ()
    return
  }
}

#map = affine_map<(d0, d1) -> (0, 0)>
#map1 = affine_map<(d0, d1) -> (0)>
module attributes {stable_mosaic.version = 14 : i64} {
  func.func @_segsum_body(%arg0: i32, %arg1: i32, %arg2: memref<100000x32xf32, #tpu.memory_space<hbm>>, %arg3: memref<800000xi32, #tpu.memory_space<hbm>>, %arg4: memref<800000xi32, #tpu.memory_space<hbm>>, %arg5: memref<3128x32xf32, #tpu.memory_space<hbm>>, %arg6: memref<100096x32xf32, #tpu.memory_space<hbm>>, %arg7: memref<80xi32, #tpu.memory_space<vmem>>, %arg8: memref<80xi32, #tpu.memory_space<vmem>>, %arg9: memref<80x32xf32, #tpu.memory_space<vmem>>, %arg10: memref<!tpu.dma_semaphore, #tpu.memory_space<semaphore_mem>>, %arg11: memref<50048x32xf32, #tpu.memory_space<vmem_shared>>) attributes {dimension_semantics = [#tpu.dimension_semantics<core_parallel>, #tpu.dimension_semantics<subcore_parallel>], iteration_bounds = array<i64: 2, 16>, scalar_prefetch = 0 : i64, scratch_operands = 5 : i64, tpu.core_type = #tpu.core_type<sc_vector_subcore>, window_params = [{transform_indices = #map}, {transform_indices = #map1}, {transform_indices = #map1}, {transform_indices = #map}, {transform_indices = #map}]} {
    %mul3A = arith.constant 3128 : i32
    %mul3A_0 = arith.muli %arg1, %mul3A : i32
    %multiple_of3A = tpu.assume_multiple %mul3A_0, 8 : i32
    %mul3A_1 = arith.constant 50000 : i32
    %mul3A_2 = arith.muli %arg0, %mul3A_1 : i32
    "tpu.region"() ({
      %run_scoped3A = tpu.sem_alloc : memref<!tpu.dma_semaphore, #tpu.memory_space<semaphore_mem>>
      %dma_start3A = arith.constant 0 : i32
      %dma_start3A_12 = tpu.memref_slice %arg11[%multiple_of3A, %dma_start3A] : memref<50048x32xf32, #tpu.memory_space<vmem_shared>> -> memref<3128x32xf32, #tpu.memory_space<vmem_shared>>
      tpu.enqueue_dma source(%arg5 : memref<3128x32xf32, #tpu.memory_space<hbm>>) target(%dma_start3A_12 : memref<3128x32xf32, #tpu.memory_space<vmem_shared>>) target_semaphore(%run_scoped3A : memref<!tpu.dma_semaphore, #tpu.memory_space<semaphore_mem>>)
      %dma_wait3A = arith.constant 0 : i32
      %dma_wait3A_13 = tpu.memref_slice %arg11[%multiple_of3A, %dma_wait3A] : memref<50048x32xf32, #tpu.memory_space<vmem_shared>> -> memref<3128x32xf32, #tpu.memory_space<vmem_shared>>
      tpu.wait_dma2 semaphore(%run_scoped3A : memref<!tpu.dma_semaphore, #tpu.memory_space<semaphore_mem>>) src(%arg5 : memref<3128x32xf32, #tpu.memory_space<hbm>>) dst(%dma_wait3A_13 : memref<3128x32xf32, #tpu.memory_space<vmem_shared>>)
      tpu.yield
    }) : () -> ()
    %barrier3A = arith.constant 0 : index
    tpu.barrier barrier_id(%barrier3A)
    %scan3A = arith.constant 0 : i32
    %scan3A_3 = arith.constant 0 : i32
    %scan3A_4 = arith.constant 625 : i32
    %scan3A_5 = arith.addi %scan3A_3, %scan3A_4 : i32
    %scan3A_6 = arith.constant 1 : i32
    scf.for %scan3A_12 = %scan3A_3 to %scan3A_5 step %scan3A_6  : i32 {
      %mul3A_13 = arith.constant 50000 : i32
      %mul3A_14 = arith.muli %arg1, %mul3A_13 : i32
      %mul3A_15 = arith.constant 80 : i32
      %mul3A_16 = arith.muli %scan3A_12, %mul3A_15 : i32
      %add3A_17 = arith.addi %mul3A_14, %mul3A_16 : i32
      %multiple_of3A_18 = tpu.assume_multiple %add3A_17, 8 : i32
      "tpu.region"() ({
        %run_scoped3A = tpu.sem_alloc : memref<!tpu.dma_semaphore, #tpu.memory_space<semaphore_mem>>
        %dma_start3A_66 = tpu.memref_slice %arg3[%multiple_of3A_18] : memref<800000xi32, #tpu.memory_space<hbm>> -> memref<80xi32, #tpu.memory_space<hbm>>
        %dma_start3A_67 = tpu.memref_slice %arg3[%multiple_of3A_18] : memref<800000xi32, #tpu.memory_space<hbm>> -> memref<80xi32, #tpu.memory_space<hbm>>
        tpu.enqueue_dma source(%dma_start3A_67 : memref<80xi32, #tpu.memory_space<hbm>>) target(%arg7 : memref<80xi32, #tpu.memory_space<vmem>>) target_semaphore(%run_scoped3A : memref<!tpu.dma_semaphore, #tpu.memory_space<semaphore_mem>>)
        %dma_wait3A_68 = tpu.memref_slice %arg3[%multiple_of3A_18] : memref<800000xi32, #tpu.memory_space<hbm>> -> memref<80xi32, #tpu.memory_space<hbm>>
        %dma_wait3A_69 = tpu.memref_slice %arg3[%multiple_of3A_18] : memref<800000xi32, #tpu.memory_space<hbm>> -> memref<80xi32, #tpu.memory_space<hbm>>
        tpu.wait_dma2 semaphore(%run_scoped3A : memref<!tpu.dma_semaphore, #tpu.memory_space<semaphore_mem>>) src(%dma_wait3A_69 : memref<80xi32, #tpu.memory_space<hbm>>) dst(%arg7 : memref<80xi32, #tpu.memory_space<vmem>>)
        tpu.yield
      }) : () -> ()
      "tpu.region"() ({
        %run_scoped3A = tpu.sem_alloc : memref<!tpu.dma_semaphore, #tpu.memory_space<semaphore_mem>>
        %dma_start3A_66 = tpu.memref_slice %arg4[%multiple_of3A_18] : memref<800000xi32, #tpu.memory_space<hbm>> -> memref<80xi32, #tpu.memory_space<hbm>>
        %dma_start3A_67 = tpu.memref_slice %arg4[%multiple_of3A_18] : memref<800000xi32, #tpu.memory_space<hbm>> -> memref<80xi32, #tpu.memory_space<hbm>>
        tpu.enqueue_dma source(%dma_start3A_67 : memref<80xi32, #tpu.memory_space<hbm>>) target(%arg8 : memref<80xi32, #tpu.memory_space<vmem>>) target_semaphore(%run_scoped3A : memref<!tpu.dma_semaphore, #tpu.memory_space<semaphore_mem>>)
        %dma_wait3A_68 = tpu.memref_slice %arg4[%multiple_of3A_18] : memref<800000xi32, #tpu.memory_space<hbm>> -> memref<80xi32, #tpu.memory_space<hbm>>
        %dma_wait3A_69 = tpu.memref_slice %arg4[%multiple_of3A_18] : memref<800000xi32, #tpu.memory_space<hbm>> -> memref<80xi32, #tpu.memory_space<hbm>>
        tpu.wait_dma2 semaphore(%run_scoped3A : memref<!tpu.dma_semaphore, #tpu.memory_space<semaphore_mem>>) src(%dma_wait3A_69 : memref<80xi32, #tpu.memory_space<hbm>>) dst(%arg8 : memref<80xi32, #tpu.memory_space<vmem>>)
        tpu.yield
      }) : () -> ()
      %get3A = arith.constant 0 : index
      %get3A_19 = tpu.vector_load %arg7[%get3A] {strides = array<i32>} : memref<80xi32, #tpu.memory_space<vmem>>, vector<16xi32>,
      %get3A_20 = vector.shape_cast %get3A_19 : vector<16xi32> to vector<16xi32>
      %add3A_21 = vector.broadcast %mul3A_2 : i32 to vector<16xi32>
      %add3A_22 = arith.addi %get3A_20, %add3A_21 : vector<16xi32>
      %swap3A = arith.constant 0 : index
      %swap3A_23 = tpu.vector_load %arg7[%swap3A] {strides = array<i32>} : memref<80xi32, #tpu.memory_space<vmem>>, vector<16xi32>,
      %swap3A_24 = vector.shape_cast %swap3A_23 : vector<16xi32> to vector<16xi32>
      %swap3A_25 = vector.shape_cast %add3A_22 : vector<16xi32> to vector<16xi32>
      tpu.vector_store %arg7[%swap3A], %swap3A_25 {strides = array<i32>} : memref<80xi32, #tpu.memory_space<vmem>>, vector<16xi32>,
      %get3A_26 = arith.constant 16 : index
      %get3A_27 = tpu.vector_load %arg7[%get3A_26] {strides = array<i32>} : memref<80xi32, #tpu.memory_space<vmem>>, vector<16xi32>,
      %get3A_28 = vector.shape_cast %get3A_27 : vector<16xi32> to vector<16xi32>
      %add3A_29 = vector.broadcast %mul3A_2 : i32 to vector<16xi32>
      %add3A_30 = arith.addi %get3A_28, %add3A_29 : vector<16xi32>
      %swap3A_31 = arith.constant 16 : index
      %swap3A_32 = tpu.vector_load %arg7[%swap3A_31] {strides = array<i32>} : memref<80xi32, #tpu.memory_space<vmem>>, vector<16xi32>,
      %swap3A_33 = vector.shape_cast %swap3A_32 : vector<16xi32> to vector<16xi32>
      %swap3A_34 = vector.shape_cast %add3A_30 : vector<16xi32> to vector<16xi32>
      tpu.vector_store %arg7[%swap3A_31], %swap3A_34 {strides = array<i32>} : memref<80xi32, #tpu.memory_space<vmem>>, vector<16xi32>,
      %get3A_35 = arith.constant 32 : index
      %get3A_36 = tpu.vector_load %arg7[%get3A_35] {strides = array<i32>} : memref<80xi32, #tpu.memory_space<vmem>>, vector<16xi32>,
      %get3A_37 = vector.shape_cast %get3A_36 : vector<16xi32> to vector<16xi32>
      %add3A_38 = vector.broadcast %mul3A_2 : i32 to vector<16xi32>
      %add3A_39 = arith.addi %get3A_37, %add3A_38 : vector<16xi32>
      %swap3A_40 = arith.constant 32 : index
      %swap3A_41 = tpu.vector_load %arg7[%swap3A_40] {strides = array<i32>} : memref<80xi32, #tpu.memory_space<vmem>>, vector<16xi32>,
      %swap3A_42 = vector.shape_cast %swap3A_41 : vector<16xi32> to vector<16xi32>
      %swap3A_43 = vector.shape_cast %add3A_39 : vector<16xi32> to vector<16xi32>
      tpu.vector_store %arg7[%swap3A_40], %swap3A_43 {strides = array<i32>} : memref<80xi32, #tpu.memory_space<vmem>>, vector<16xi32>,
      %get3A_44 = arith.constant 48 : index
      %get3A_45 = tpu.vector_load %arg7[%get3A_44] {strides = array<i32>} : memref<80xi32, #tpu.memory_space<vmem>>, vector<16xi32>,
      %get3A_46 = vector.shape_cast %get3A_45 : vector<16xi32> to vector<16xi32>
      %add3A_47 = vector.broadcast %mul3A_2 : i32 to vector<16xi32>
      %add3A_48 = arith.addi %get3A_46, %add3A_47 : vector<16xi32>
      %swap3A_49 = arith.constant 48 : index
      %swap3A_50 = tpu.vector_load %arg7[%swap3A_49] {strides = array<i32>} : memref<80xi32, #tpu.memory_space<vmem>>, vector<16xi32>,
      %swap3A_51 = vector.shape_cast %swap3A_50 : vector<16xi32> to vector<16xi32>
      %swap3A_52 = vector.shape_cast %add3A_48 : vector<16xi32> to vector<16xi32>
      tpu.vector_store %arg7[%swap3A_49], %swap3A_52 {strides = array<i32>} : memref<80xi32, #tpu.memory_space<vmem>>, vector<16xi32>,
      %get3A_53 = arith.constant 64 : index
      %get3A_54 = tpu.vector_load %arg7[%get3A_53] {strides = array<i32>} : memref<80xi32, #tpu.memory_space<vmem>>, vector<16xi32>,
      %get3A_55 = vector.shape_cast %get3A_54 : vector<16xi32> to vector<16xi32>
      %add3A_56 = vector.broadcast %mul3A_2 : i32 to vector<16xi32>
      %add3A_57 = arith.addi %get3A_55, %add3A_56 : vector<16xi32>
      %swap3A_58 = arith.constant 64 : index
      %swap3A_59 = tpu.vector_load %arg7[%swap3A_58] {strides = array<i32>} : memref<80xi32, #tpu.memory_space<vmem>>, vector<16xi32>,
      %swap3A_60 = vector.shape_cast %swap3A_59 : vector<16xi32> to vector<16xi32>
      %swap3A_61 = vector.shape_cast %add3A_57 : vector<16xi32> to vector<16xi32>
      tpu.vector_store %arg7[%swap3A_58], %swap3A_61 {strides = array<i32>} : memref<80xi32, #tpu.memory_space<vmem>>, vector<16xi32>,
      %dma_start3A = arith.constant 0 : i32
      %dma_start3A_62 = arith.constant 0 : i32
      %dma_start3A_63 = tpu.memref_slice %arg2[%dma_start3A, %dma_start3A_62] : memref<100000x32xf32, #tpu.memory_space<hbm>> -> memref<100000x32xf32, #tpu.memory_space<hbm>>
      tpu.enqueue_indirect_dma source(%dma_start3A_63 : memref<100000x32xf32, #tpu.memory_space<hbm>>) target(%arg9 : memref<80x32xf32, #tpu.memory_space<vmem>>) offsets(%arg7 : memref<80xi32, #tpu.memory_space<vmem>>) semaphore(%arg10 : memref<!tpu.dma_semaphore, #tpu.memory_space<semaphore_mem>>)
      %dma_wait3A = arith.constant 0 : i32
      %dma_wait3A_64 = arith.constant 0 : i32
      %dma_wait3A_65 = tpu.memref_slice %arg2[%dma_wait3A, %dma_wait3A_64] : memref<100000x32xf32, #tpu.memory_space<hbm>> -> memref<100000x32xf32, #tpu.memory_space<hbm>>
      tpu.wait_indirect_dma semaphore(%arg10 : memref<!tpu.dma_semaphore, #tpu.memory_space<semaphore_mem>>) src(%dma_wait3A_65 : memref<100000x32xf32, #tpu.memory_space<hbm>>) dst(%arg9 : memref<80x32xf32, #tpu.memory_space<vmem>>)
      "tpu.region"() ({
        %run_scoped3A = tpu.sem_alloc : memref<!tpu.dma_semaphore, #tpu.memory_space<semaphore_mem>>
        %dma_start3A_66 = arith.constant 0 : i32
        %dma_start3A_67 = arith.constant 0 : i32
        %dma_start3A_68 = tpu.memref_slice %arg11[%dma_start3A_66, %dma_start3A_67] : memref<50048x32xf32, #tpu.memory_space<vmem_shared>> -> memref<50048x32xf32, #tpu.memory_space<vmem_shared>>
        tpu.enqueue_indirect_dma source(%arg9 : memref<80x32xf32, #tpu.memory_space<vmem>>) target(%dma_start3A_68 : memref<50048x32xf32, #tpu.memory_space<vmem_shared>>) offsets(%arg8 : memref<80xi32, #tpu.memory_space<vmem>>) semaphore(%run_scoped3A : memref<!tpu.dma_semaphore, #tpu.memory_space<semaphore_mem>>) {add = true}
        %dma_wait3A_69 = arith.constant 0 : i32
        %dma_wait3A_70 = arith.constant 0 : i32
        %dma_wait3A_71 = tpu.memref_slice %arg11[%dma_wait3A_69, %dma_wait3A_70] : memref<50048x32xf32, #tpu.memory_space<vmem_shared>> -> memref<50048x32xf32, #tpu.memory_space<vmem_shared>>
        tpu.wait_indirect_dma semaphore(%run_scoped3A : memref<!tpu.dma_semaphore, #tpu.memory_space<semaphore_mem>>) src(%arg9 : memref<80x32xf32, #tpu.memory_space<vmem>>) dst(%dma_wait3A_71 : memref<50048x32xf32, #tpu.memory_space<vmem_shared>>)
        tpu.yield
      }) : () -> ()
    }
    %scan3A_7 = arith.constant 625 : i32
    %barrier3A_8 = arith.constant 0 : index
    tpu.barrier barrier_id(%barrier3A_8)
    %mul3A_9 = arith.constant 50048 : i32
    %mul3A_10 = arith.muli %arg0, %mul3A_9 : i32
    %add3A = arith.addi %mul3A_10, %multiple_of3A : i32
    %multiple_of3A_11 = tpu.assume_multiple %add3A, 8 : i32
    "tpu.region"() ({
      %run_scoped3A = tpu.sem_alloc : memref<!tpu.dma_semaphore, #tpu.memory_space<semaphore_mem>>
      %dma_start3A = arith.constant 0 : i32
      %dma_start3A_12 = tpu.memref_slice %arg6[%multiple_of3A_11, %dma_start3A] : memref<100096x32xf32, #tpu.memory_space<hbm>> -> memref<3128x32xf32, #tpu.memory_space<hbm>>
      %dma_start3A_13 = arith.constant 0 : i32
      %dma_start3A_14 = tpu.memref_slice %arg11[%multiple_of3A, %dma_start3A_13] : memref<50048x32xf32, #tpu.memory_space<vmem_shared>> -> memref<3128x32xf32, #tpu.memory_space<vmem_shared>>
      tpu.enqueue_dma source(%dma_start3A_14 : memref<3128x32xf32, #tpu.memory_space<vmem_shared>>) target(%dma_start3A_12 : memref<3128x32xf32, #tpu.memory_space<hbm>>) target_semaphore(%run_scoped3A : memref<!tpu.dma_semaphore, #tpu.memory_space<semaphore_mem>>)
      %dma_wait3A = arith.constant 0 : i32
      %dma_wait3A_15 = tpu.memref_slice %arg6[%multiple_of3A_11, %dma_wait3A] : memref<100096x32xf32, #tpu.memory_space<hbm>> -> memref<3128x32xf32, #tpu.memory_space<hbm>>
      %dma_wait3A_16 = arith.constant 0 : i32
      %dma_wait3A_17 = tpu.memref_slice %arg11[%multiple_of3A, %dma_wait3A_16] : memref<50048x32xf32, #tpu.memory_space<vmem_shared>> -> memref<3128x32xf32, #tpu.memory_space<vmem_shared>>
      tpu.wait_dma2 semaphore(%run_scoped3A : memref<!tpu.dma_semaphore, #tpu.memory_space<semaphore_mem>>) src(%dma_wait3A_17 : memref<3128x32xf32, #tpu.memory_space<vmem_shared>>) dst(%dma_wait3A_15 : memref<3128x32xf32, #tpu.memory_space<hbm>>)
      tpu.yield
    }) : () -> ()
    return
  }
}

#map = affine_map<(d0, d1) -> (0, 0)>
#map1 = affine_map<(d0, d1) -> (0)>
module attributes {stable_mosaic.version = 14 : i64} {
  func.func @_segsum_body(%arg0: i32, %arg1: i32, %arg2: memref<100000x32xf32, #tpu.memory_space<hbm>>, %arg3: memref<800000xi32, #tpu.memory_space<hbm>>, %arg4: memref<800000xi32, #tpu.memory_space<hbm>>, %arg5: memref<3128x32xf32, #tpu.memory_space<hbm>>, %arg6: memref<100096x32xf32, #tpu.memory_space<hbm>>, %arg7: memref<80xi32, #tpu.memory_space<vmem>>, %arg8: memref<80xi32, #tpu.memory_space<vmem>>, %arg9: memref<80x32xf32, #tpu.memory_space<vmem>>, %arg10: memref<!tpu.dma_semaphore, #tpu.memory_space<semaphore_mem>>, %arg11: memref<50048x32xf32, #tpu.memory_space<vmem_shared>>) attributes {dimension_semantics = [#tpu.dimension_semantics<core_parallel>, #tpu.dimension_semantics<subcore_parallel>], iteration_bounds = array<i64: 2, 16>, scalar_prefetch = 0 : i64, scratch_operands = 5 : i64, tpu.core_type = #tpu.core_type<sc_vector_subcore>, window_params = [{transform_indices = #map}, {transform_indices = #map1}, {transform_indices = #map1}, {transform_indices = #map}, {transform_indices = #map}]} {
    %mul3A = arith.constant 3128 : i32
    %mul3A_0 = arith.muli %arg1, %mul3A : i32
    %multiple_of3A = tpu.assume_multiple %mul3A_0, 8 : i32
    %mul3A_1 = arith.constant 50000 : i32
    %mul3A_2 = arith.muli %arg0, %mul3A_1 : i32
    "tpu.region"() ({
      %run_scoped3A = tpu.sem_alloc : memref<!tpu.dma_semaphore, #tpu.memory_space<semaphore_mem>>
      %dma_start3A = arith.constant 0 : i32
      %dma_start3A_12 = tpu.memref_slice %arg11[%multiple_of3A, %dma_start3A] : memref<50048x32xf32, #tpu.memory_space<vmem_shared>> -> memref<3128x32xf32, #tpu.memory_space<vmem_shared>>
      tpu.enqueue_dma source(%arg5 : memref<3128x32xf32, #tpu.memory_space<hbm>>) target(%dma_start3A_12 : memref<3128x32xf32, #tpu.memory_space<vmem_shared>>) target_semaphore(%run_scoped3A : memref<!tpu.dma_semaphore, #tpu.memory_space<semaphore_mem>>)
      %dma_wait3A = arith.constant 0 : i32
      %dma_wait3A_13 = tpu.memref_slice %arg11[%multiple_of3A, %dma_wait3A] : memref<50048x32xf32, #tpu.memory_space<vmem_shared>> -> memref<3128x32xf32, #tpu.memory_space<vmem_shared>>
      tpu.wait_dma2 semaphore(%run_scoped3A : memref<!tpu.dma_semaphore, #tpu.memory_space<semaphore_mem>>) src(%arg5 : memref<3128x32xf32, #tpu.memory_space<hbm>>) dst(%dma_wait3A_13 : memref<3128x32xf32, #tpu.memory_space<vmem_shared>>)
      tpu.yield
    }) : () -> ()
    %barrier3A = arith.constant 0 : index
    tpu.barrier barrier_id(%barrier3A)
    %scan3A = arith.constant 0 : i32
    %scan3A_3 = arith.constant 0 : i32
    %scan3A_4 = arith.constant 625 : i32
    %scan3A_5 = arith.addi %scan3A_3, %scan3A_4 : i32
    %scan3A_6 = arith.constant 1 : i32
    scf.for %scan3A_12 = %scan3A_3 to %scan3A_5 step %scan3A_6  : i32 {
      %mul3A_13 = arith.constant 50000 : i32
      %mul3A_14 = arith.muli %arg1, %mul3A_13 : i32
      %mul3A_15 = arith.constant 80 : i32
      %mul3A_16 = arith.muli %scan3A_12, %mul3A_15 : i32
      %add3A_17 = arith.addi %mul3A_14, %mul3A_16 : i32
      %multiple_of3A_18 = tpu.assume_multiple %add3A_17, 8 : i32
      "tpu.region"() ({
        %run_scoped3A = tpu.sem_alloc : memref<!tpu.dma_semaphore, #tpu.memory_space<semaphore_mem>>
        %dma_start3A_66 = tpu.memref_slice %arg3[%multiple_of3A_18] : memref<800000xi32, #tpu.memory_space<hbm>> -> memref<80xi32, #tpu.memory_space<hbm>>
        %dma_start3A_67 = tpu.memref_slice %arg3[%multiple_of3A_18] : memref<800000xi32, #tpu.memory_space<hbm>> -> memref<80xi32, #tpu.memory_space<hbm>>
        tpu.enqueue_dma source(%dma_start3A_67 : memref<80xi32, #tpu.memory_space<hbm>>) target(%arg7 : memref<80xi32, #tpu.memory_space<vmem>>) target_semaphore(%run_scoped3A : memref<!tpu.dma_semaphore, #tpu.memory_space<semaphore_mem>>)
        %dma_wait3A_68 = tpu.memref_slice %arg3[%multiple_of3A_18] : memref<800000xi32, #tpu.memory_space<hbm>> -> memref<80xi32, #tpu.memory_space<hbm>>
        %dma_wait3A_69 = tpu.memref_slice %arg3[%multiple_of3A_18] : memref<800000xi32, #tpu.memory_space<hbm>> -> memref<80xi32, #tpu.memory_space<hbm>>
        tpu.wait_dma2 semaphore(%run_scoped3A : memref<!tpu.dma_semaphore, #tpu.memory_space<semaphore_mem>>) src(%dma_wait3A_69 : memref<80xi32, #tpu.memory_space<hbm>>) dst(%arg7 : memref<80xi32, #tpu.memory_space<vmem>>)
        tpu.yield
      }) : () -> ()
      "tpu.region"() ({
        %run_scoped3A = tpu.sem_alloc : memref<!tpu.dma_semaphore, #tpu.memory_space<semaphore_mem>>
        %dma_start3A_66 = tpu.memref_slice %arg4[%multiple_of3A_18] : memref<800000xi32, #tpu.memory_space<hbm>> -> memref<80xi32, #tpu.memory_space<hbm>>
        %dma_start3A_67 = tpu.memref_slice %arg4[%multiple_of3A_18] : memref<800000xi32, #tpu.memory_space<hbm>> -> memref<80xi32, #tpu.memory_space<hbm>>
        tpu.enqueue_dma source(%dma_start3A_67 : memref<80xi32, #tpu.memory_space<hbm>>) target(%arg8 : memref<80xi32, #tpu.memory_space<vmem>>) target_semaphore(%run_scoped3A : memref<!tpu.dma_semaphore, #tpu.memory_space<semaphore_mem>>)
        %dma_wait3A_68 = tpu.memref_slice %arg4[%multiple_of3A_18] : memref<800000xi32, #tpu.memory_space<hbm>> -> memref<80xi32, #tpu.memory_space<hbm>>
        %dma_wait3A_69 = tpu.memref_slice %arg4[%multiple_of3A_18] : memref<800000xi32, #tpu.memory_space<hbm>> -> memref<80xi32, #tpu.memory_space<hbm>>
        tpu.wait_dma2 semaphore(%run_scoped3A : memref<!tpu.dma_semaphore, #tpu.memory_space<semaphore_mem>>) src(%dma_wait3A_69 : memref<80xi32, #tpu.memory_space<hbm>>) dst(%arg8 : memref<80xi32, #tpu.memory_space<vmem>>)
        tpu.yield
      }) : () -> ()
      %get3A = arith.constant 0 : index
      %get3A_19 = tpu.vector_load %arg7[%get3A] {strides = array<i32>} : memref<80xi32, #tpu.memory_space<vmem>>, vector<16xi32>,
      %get3A_20 = vector.shape_cast %get3A_19 : vector<16xi32> to vector<16xi32>
      %add3A_21 = vector.broadcast %mul3A_2 : i32 to vector<16xi32>
      %add3A_22 = arith.addi %get3A_20, %add3A_21 : vector<16xi32>
      %swap3A = arith.constant 0 : index
      %swap3A_23 = tpu.vector_load %arg7[%swap3A] {strides = array<i32>} : memref<80xi32, #tpu.memory_space<vmem>>, vector<16xi32>,
      %swap3A_24 = vector.shape_cast %swap3A_23 : vector<16xi32> to vector<16xi32>
      %swap3A_25 = vector.shape_cast %add3A_22 : vector<16xi32> to vector<16xi32>
      tpu.vector_store %arg7[%swap3A], %swap3A_25 {strides = array<i32>} : memref<80xi32, #tpu.memory_space<vmem>>, vector<16xi32>,
      %get3A_26 = arith.constant 16 : index
      %get3A_27 = tpu.vector_load %arg7[%get3A_26] {strides = array<i32>} : memref<80xi32, #tpu.memory_space<vmem>>, vector<16xi32>,
      %get3A_28 = vector.shape_cast %get3A_27 : vector<16xi32> to vector<16xi32>
      %add3A_29 = vector.broadcast %mul3A_2 : i32 to vector<16xi32>
      %add3A_30 = arith.addi %get3A_28, %add3A_29 : vector<16xi32>
      %swap3A_31 = arith.constant 16 : index
      %swap3A_32 = tpu.vector_load %arg7[%swap3A_31] {strides = array<i32>} : memref<80xi32, #tpu.memory_space<vmem>>, vector<16xi32>,
      %swap3A_33 = vector.shape_cast %swap3A_32 : vector<16xi32> to vector<16xi32>
      %swap3A_34 = vector.shape_cast %add3A_30 : vector<16xi32> to vector<16xi32>
      tpu.vector_store %arg7[%swap3A_31], %swap3A_34 {strides = array<i32>} : memref<80xi32, #tpu.memory_space<vmem>>, vector<16xi32>,
      %get3A_35 = arith.constant 32 : index
      %get3A_36 = tpu.vector_load %arg7[%get3A_35] {strides = array<i32>} : memref<80xi32, #tpu.memory_space<vmem>>, vector<16xi32>,
      %get3A_37 = vector.shape_cast %get3A_36 : vector<16xi32> to vector<16xi32>
      %add3A_38 = vector.broadcast %mul3A_2 : i32 to vector<16xi32>
      %add3A_39 = arith.addi %get3A_37, %add3A_38 : vector<16xi32>
      %swap3A_40 = arith.constant 32 : index
      %swap3A_41 = tpu.vector_load %arg7[%swap3A_40] {strides = array<i32>} : memref<80xi32, #tpu.memory_space<vmem>>, vector<16xi32>,
      %swap3A_42 = vector.shape_cast %swap3A_41 : vector<16xi32> to vector<16xi32>
      %swap3A_43 = vector.shape_cast %add3A_39 : vector<16xi32> to vector<16xi32>
      tpu.vector_store %arg7[%swap3A_40], %swap3A_43 {strides = array<i32>} : memref<80xi32, #tpu.memory_space<vmem>>, vector<16xi32>,
      %get3A_44 = arith.constant 48 : index
      %get3A_45 = tpu.vector_load %arg7[%get3A_44] {strides = array<i32>} : memref<80xi32, #tpu.memory_space<vmem>>, vector<16xi32>,
      %get3A_46 = vector.shape_cast %get3A_45 : vector<16xi32> to vector<16xi32>
      %add3A_47 = vector.broadcast %mul3A_2 : i32 to vector<16xi32>
      %add3A_48 = arith.addi %get3A_46, %add3A_47 : vector<16xi32>
      %swap3A_49 = arith.constant 48 : index
      %swap3A_50 = tpu.vector_load %arg7[%swap3A_49] {strides = array<i32>} : memref<80xi32, #tpu.memory_space<vmem>>, vector<16xi32>,
      %swap3A_51 = vector.shape_cast %swap3A_50 : vector<16xi32> to vector<16xi32>
      %swap3A_52 = vector.shape_cast %add3A_48 : vector<16xi32> to vector<16xi32>
      tpu.vector_store %arg7[%swap3A_49], %swap3A_52 {strides = array<i32>} : memref<80xi32, #tpu.memory_space<vmem>>, vector<16xi32>,
      %get3A_53 = arith.constant 64 : index
      %get3A_54 = tpu.vector_load %arg7[%get3A_53] {strides = array<i32>} : memref<80xi32, #tpu.memory_space<vmem>>, vector<16xi32>,
      %get3A_55 = vector.shape_cast %get3A_54 : vector<16xi32> to vector<16xi32>
      %add3A_56 = vector.broadcast %mul3A_2 : i32 to vector<16xi32>
      %add3A_57 = arith.addi %get3A_55, %add3A_56 : vector<16xi32>
      %swap3A_58 = arith.constant 64 : index
      %swap3A_59 = tpu.vector_load %arg7[%swap3A_58] {strides = array<i32>} : memref<80xi32, #tpu.memory_space<vmem>>, vector<16xi32>,
      %swap3A_60 = vector.shape_cast %swap3A_59 : vector<16xi32> to vector<16xi32>
      %swap3A_61 = vector.shape_cast %add3A_57 : vector<16xi32> to vector<16xi32>
      tpu.vector_store %arg7[%swap3A_58], %swap3A_61 {strides = array<i32>} : memref<80xi32, #tpu.memory_space<vmem>>, vector<16xi32>,
      %dma_start3A = arith.constant 0 : i32
      %dma_start3A_62 = arith.constant 0 : i32
      %dma_start3A_63 = tpu.memref_slice %arg2[%dma_start3A, %dma_start3A_62] : memref<100000x32xf32, #tpu.memory_space<hbm>> -> memref<100000x32xf32, #tpu.memory_space<hbm>>
      tpu.enqueue_indirect_dma source(%dma_start3A_63 : memref<100000x32xf32, #tpu.memory_space<hbm>>) target(%arg9 : memref<80x32xf32, #tpu.memory_space<vmem>>) offsets(%arg7 : memref<80xi32, #tpu.memory_space<vmem>>) semaphore(%arg10 : memref<!tpu.dma_semaphore, #tpu.memory_space<semaphore_mem>>)
      %dma_wait3A = arith.constant 0 : i32
      %dma_wait3A_64 = arith.constant 0 : i32
      %dma_wait3A_65 = tpu.memref_slice %arg2[%dma_wait3A, %dma_wait3A_64] : memref<100000x32xf32, #tpu.memory_space<hbm>> -> memref<100000x32xf32, #tpu.memory_space<hbm>>
      tpu.wait_indirect_dma semaphore(%arg10 : memref<!tpu.dma_semaphore, #tpu.memory_space<semaphore_mem>>) src(%dma_wait3A_65 : memref<100000x32xf32, #tpu.memory_space<hbm>>) dst(%arg9 : memref<80x32xf32, #tpu.memory_space<vmem>>)
      "tpu.region"() ({
        %run_scoped3A = tpu.sem_alloc : memref<!tpu.dma_semaphore, #tpu.memory_space<semaphore_mem>>
        %dma_start3A_66 = arith.constant 0 : i32
        %dma_start3A_67 = arith.constant 0 : i32
        %dma_start3A_68 = tpu.memref_slice %arg11[%dma_start3A_66, %dma_start3A_67] : memref<50048x32xf32, #tpu.memory_space<vmem_shared>> -> memref<50048x32xf32, #tpu.memory_space<vmem_shared>>
        tpu.enqueue_indirect_dma source(%arg9 : memref<80x32xf32, #tpu.memory_space<vmem>>) target(%dma_start3A_68 : memref<50048x32xf32, #tpu.memory_space<vmem_shared>>) offsets(%arg8 : memref<80xi32, #tpu.memory_space<vmem>>) semaphore(%run_scoped3A : memref<!tpu.dma_semaphore, #tpu.memory_space<semaphore_mem>>) {add = true}
        %dma_wait3A_69 = arith.constant 0 : i32
        %dma_wait3A_70 = arith.constant 0 : i32
        %dma_wait3A_71 = tpu.memref_slice %arg11[%dma_wait3A_69, %dma_wait3A_70] : memref<50048x32xf32, #tpu.memory_space<vmem_shared>> -> memref<50048x32xf32, #tpu.memory_space<vmem_shared>>
        tpu.wait_indirect_dma semaphore(%run_scoped3A : memref<!tpu.dma_semaphore, #tpu.memory_space<semaphore_mem>>) src(%arg9 : memref<80x32xf32, #tpu.memory_space<vmem>>) dst(%dma_wait3A_71 : memref<50048x32xf32, #tpu.memory_space<vmem_shared>>)
        tpu.yield
      }) : () -> ()
    }
    %scan3A_7 = arith.constant 625 : i32
    %barrier3A_8 = arith.constant 0 : index
    tpu.barrier barrier_id(%barrier3A_8)
    %mul3A_9 = arith.constant 50048 : i32
    %mul3A_10 = arith.muli %arg0, %mul3A_9 : i32
    %add3A = arith.addi %mul3A_10, %multiple_of3A : i32
    %multiple_of3A_11 = tpu.assume_multiple %add3A, 8 : i32
    "tpu.region"() ({
      %run_scoped3A = tpu.sem_alloc : memref<!tpu.dma_semaphore, #tpu.memory_space<semaphore_mem>>
      %dma_start3A = arith.constant 0 : i32
      %dma_start3A_12 = tpu.memref_slice %arg6[%multiple_of3A_11, %dma_start3A] : memref<100096x32xf32, #tpu.memory_space<hbm>> -> memref<3128x32xf32, #tpu.memory_space<hbm>>
      %dma_start3A_13 = arith.constant 0 : i32
      %dma_start3A_14 = tpu.memref_slice %arg11[%multiple_of3A, %dma_start3A_13] : memref<50048x32xf32, #tpu.memory_space<vmem_shared>> -> memref<3128x32xf32, #tpu.memory_space<vmem_shared>>
      tpu.enqueue_dma source(%dma_start3A_14 : memref<3128x32xf32, #tpu.memory_space<vmem_shared>>) target(%dma_start3A_12 : memref<3128x32xf32, #tpu.memory_space<hbm>>) target_semaphore(%run_scoped3A : memref<!tpu.dma_semaphore, #tpu.memory_space<semaphore_mem>>)
      %dma_wait3A = arith.constant 0 : i32
      %dma_wait3A_15 = tpu.memref_slice %arg6[%multiple_of3A_11, %dma_wait3A] : memref<100096x32xf32, #tpu.memory_space<hbm>> -> memref<3128x32xf32, #tpu.memory_space<hbm>>
      %dma_wait3A_16 = arith.constant 0 : i32
      %dma_wait3A_17 = tpu.memref_slice %arg11[%multiple_of3A, %dma_wait3A_16] : memref<50048x32xf32, #tpu.memory_space<vmem_shared>> -> memref<3128x32xf32, #tpu.memory_space<vmem_shared>>
      tpu.wait_dma2 semaphore(%run_scoped3A : memref<!tpu.dma_semaphore, #tpu.memory_space<semaphore_mem>>) src(%dma_wait3A_17 : memref<3128x32xf32, #tpu.memory_space<vmem_shared>>) dst(%dma_wait3A_15 : memref<3128x32xf32, #tpu.memory_space<hbm>>)
      tpu.yield
    }) : () -> ()
    return
  }
}

#map = affine_map<(d0, d1) -> (0, 0)>
#map1 = affine_map<(d0, d1) -> (0)>
module attributes {stable_mosaic.version = 14 : i64} {
  func.func @_segsum_body(%arg0: i32, %arg1: i32, %arg2: memref<100000x32xf32, #tpu.memory_space<hbm>>, %arg3: memref<800000xi32, #tpu.memory_space<hbm>>, %arg4: memref<800000xi32, #tpu.memory_space<hbm>>, %arg5: memref<3128x32xf32, #tpu.memory_space<hbm>>, %arg6: memref<100096x32xf32, #tpu.memory_space<hbm>>, %arg7: memref<80xi32, #tpu.memory_space<vmem>>, %arg8: memref<80xi32, #tpu.memory_space<vmem>>, %arg9: memref<80x32xf32, #tpu.memory_space<vmem>>, %arg10: memref<!tpu.dma_semaphore, #tpu.memory_space<semaphore_mem>>, %arg11: memref<50048x32xf32, #tpu.memory_space<vmem_shared>>) attributes {dimension_semantics = [#tpu.dimension_semantics<core_parallel>, #tpu.dimension_semantics<subcore_parallel>], iteration_bounds = array<i64: 2, 16>, scalar_prefetch = 0 : i64, scratch_operands = 5 : i64, tpu.core_type = #tpu.core_type<sc_vector_subcore>, window_params = [{transform_indices = #map}, {transform_indices = #map1}, {transform_indices = #map1}, {transform_indices = #map}, {transform_indices = #map}]} {
    %mul3A = arith.constant 3128 : i32
    %mul3A_0 = arith.muli %arg1, %mul3A : i32
    %multiple_of3A = tpu.assume_multiple %mul3A_0, 8 : i32
    %mul3A_1 = arith.constant 50000 : i32
    %mul3A_2 = arith.muli %arg0, %mul3A_1 : i32
    "tpu.region"() ({
      %run_scoped3A = tpu.sem_alloc : memref<!tpu.dma_semaphore, #tpu.memory_space<semaphore_mem>>
      %dma_start3A = arith.constant 0 : i32
      %dma_start3A_12 = tpu.memref_slice %arg11[%multiple_of3A, %dma_start3A] : memref<50048x32xf32, #tpu.memory_space<vmem_shared>> -> memref<3128x32xf32, #tpu.memory_space<vmem_shared>>
      tpu.enqueue_dma source(%arg5 : memref<3128x32xf32, #tpu.memory_space<hbm>>) target(%dma_start3A_12 : memref<3128x32xf32, #tpu.memory_space<vmem_shared>>) target_semaphore(%run_scoped3A : memref<!tpu.dma_semaphore, #tpu.memory_space<semaphore_mem>>)
      %dma_wait3A = arith.constant 0 : i32
      %dma_wait3A_13 = tpu.memref_slice %arg11[%multiple_of3A, %dma_wait3A] : memref<50048x32xf32, #tpu.memory_space<vmem_shared>> -> memref<3128x32xf32, #tpu.memory_space<vmem_shared>>
      tpu.wait_dma2 semaphore(%run_scoped3A : memref<!tpu.dma_semaphore, #tpu.memory_space<semaphore_mem>>) src(%arg5 : memref<3128x32xf32, #tpu.memory_space<hbm>>) dst(%dma_wait3A_13 : memref<3128x32xf32, #tpu.memory_space<vmem_shared>>)
      tpu.yield
    }) : () -> ()
    %barrier3A = arith.constant 0 : index
    tpu.barrier barrier_id(%barrier3A)
    %scan3A = arith.constant 0 : i32
    %scan3A_3 = arith.constant 0 : i32
    %scan3A_4 = arith.constant 625 : i32
    %scan3A_5 = arith.addi %scan3A_3, %scan3A_4 : i32
    %scan3A_6 = arith.constant 1 : i32
    scf.for %scan3A_12 = %scan3A_3 to %scan3A_5 step %scan3A_6  : i32 {
      %mul3A_13 = arith.constant 50000 : i32
      %mul3A_14 = arith.muli %arg1, %mul3A_13 : i32
      %mul3A_15 = arith.constant 80 : i32
      %mul3A_16 = arith.muli %scan3A_12, %mul3A_15 : i32
      %add3A_17 = arith.addi %mul3A_14, %mul3A_16 : i32
      %multiple_of3A_18 = tpu.assume_multiple %add3A_17, 8 : i32
      "tpu.region"() ({
        %run_scoped3A = tpu.sem_alloc : memref<!tpu.dma_semaphore, #tpu.memory_space<semaphore_mem>>
        %dma_start3A_66 = tpu.memref_slice %arg3[%multiple_of3A_18] : memref<800000xi32, #tpu.memory_space<hbm>> -> memref<80xi32, #tpu.memory_space<hbm>>
        %dma_start3A_67 = tpu.memref_slice %arg3[%multiple_of3A_18] : memref<800000xi32, #tpu.memory_space<hbm>> -> memref<80xi32, #tpu.memory_space<hbm>>
        tpu.enqueue_dma source(%dma_start3A_67 : memref<80xi32, #tpu.memory_space<hbm>>) target(%arg7 : memref<80xi32, #tpu.memory_space<vmem>>) target_semaphore(%run_scoped3A : memref<!tpu.dma_semaphore, #tpu.memory_space<semaphore_mem>>)
        %dma_wait3A_68 = tpu.memref_slice %arg3[%multiple_of3A_18] : memref<800000xi32, #tpu.memory_space<hbm>> -> memref<80xi32, #tpu.memory_space<hbm>>
        %dma_wait3A_69 = tpu.memref_slice %arg3[%multiple_of3A_18] : memref<800000xi32, #tpu.memory_space<hbm>> -> memref<80xi32, #tpu.memory_space<hbm>>
        tpu.wait_dma2 semaphore(%run_scoped3A : memref<!tpu.dma_semaphore, #tpu.memory_space<semaphore_mem>>) src(%dma_wait3A_69 : memref<80xi32, #tpu.memory_space<hbm>>) dst(%arg7 : memref<80xi32, #tpu.memory_space<vmem>>)
        tpu.yield
      }) : () -> ()
      "tpu.region"() ({
        %run_scoped3A = tpu.sem_alloc : memref<!tpu.dma_semaphore, #tpu.memory_space<semaphore_mem>>
        %dma_start3A_66 = tpu.memref_slice %arg4[%multiple_of3A_18] : memref<800000xi32, #tpu.memory_space<hbm>> -> memref<80xi32, #tpu.memory_space<hbm>>
        %dma_start3A_67 = tpu.memref_slice %arg4[%multiple_of3A_18] : memref<800000xi32, #tpu.memory_space<hbm>> -> memref<80xi32, #tpu.memory_space<hbm>>
        tpu.enqueue_dma source(%dma_start3A_67 : memref<80xi32, #tpu.memory_space<hbm>>) target(%arg8 : memref<80xi32, #tpu.memory_space<vmem>>) target_semaphore(%run_scoped3A : memref<!tpu.dma_semaphore, #tpu.memory_space<semaphore_mem>>)
        %dma_wait3A_68 = tpu.memref_slice %arg4[%multiple_of3A_18] : memref<800000xi32, #tpu.memory_space<hbm>> -> memref<80xi32, #tpu.memory_space<hbm>>
        %dma_wait3A_69 = tpu.memref_slice %arg4[%multiple_of3A_18] : memref<800000xi32, #tpu.memory_space<hbm>> -> memref<80xi32, #tpu.memory_space<hbm>>
        tpu.wait_dma2 semaphore(%run_scoped3A : memref<!tpu.dma_semaphore, #tpu.memory_space<semaphore_mem>>) src(%dma_wait3A_69 : memref<80xi32, #tpu.memory_space<hbm>>) dst(%arg8 : memref<80xi32, #tpu.memory_space<vmem>>)
        tpu.yield
      }) : () -> ()
      %get3A = arith.constant 0 : index
      %get3A_19 = tpu.vector_load %arg7[%get3A] {strides = array<i32>} : memref<80xi32, #tpu.memory_space<vmem>>, vector<16xi32>,
      %get3A_20 = vector.shape_cast %get3A_19 : vector<16xi32> to vector<16xi32>
      %add3A_21 = vector.broadcast %mul3A_2 : i32 to vector<16xi32>
      %add3A_22 = arith.addi %get3A_20, %add3A_21 : vector<16xi32>
      %swap3A = arith.constant 0 : index
      %swap3A_23 = tpu.vector_load %arg7[%swap3A] {strides = array<i32>} : memref<80xi32, #tpu.memory_space<vmem>>, vector<16xi32>,
      %swap3A_24 = vector.shape_cast %swap3A_23 : vector<16xi32> to vector<16xi32>
      %swap3A_25 = vector.shape_cast %add3A_22 : vector<16xi32> to vector<16xi32>
      tpu.vector_store %arg7[%swap3A], %swap3A_25 {strides = array<i32>} : memref<80xi32, #tpu.memory_space<vmem>>, vector<16xi32>,
      %get3A_26 = arith.constant 16 : index
      %get3A_27 = tpu.vector_load %arg7[%get3A_26] {strides = array<i32>} : memref<80xi32, #tpu.memory_space<vmem>>, vector<16xi32>,
      %get3A_28 = vector.shape_cast %get3A_27 : vector<16xi32> to vector<16xi32>
      %add3A_29 = vector.broadcast %mul3A_2 : i32 to vector<16xi32>
      %add3A_30 = arith.addi %get3A_28, %add3A_29 : vector<16xi32>
      %swap3A_31 = arith.constant 16 : index
      %swap3A_32 = tpu.vector_load %arg7[%swap3A_31] {strides = array<i32>} : memref<80xi32, #tpu.memory_space<vmem>>, vector<16xi32>,
      %swap3A_33 = vector.shape_cast %swap3A_32 : vector<16xi32> to vector<16xi32>
      %swap3A_34 = vector.shape_cast %add3A_30 : vector<16xi32> to vector<16xi32>
      tpu.vector_store %arg7[%swap3A_31], %swap3A_34 {strides = array<i32>} : memref<80xi32, #tpu.memory_space<vmem>>, vector<16xi32>,
      %get3A_35 = arith.constant 32 : index
      %get3A_36 = tpu.vector_load %arg7[%get3A_35] {strides = array<i32>} : memref<80xi32, #tpu.memory_space<vmem>>, vector<16xi32>,
      %get3A_37 = vector.shape_cast %get3A_36 : vector<16xi32> to vector<16xi32>
      %add3A_38 = vector.broadcast %mul3A_2 : i32 to vector<16xi32>
      %add3A_39 = arith.addi %get3A_37, %add3A_38 : vector<16xi32>
      %swap3A_40 = arith.constant 32 : index
      %swap3A_41 = tpu.vector_load %arg7[%swap3A_40] {strides = array<i32>} : memref<80xi32, #tpu.memory_space<vmem>>, vector<16xi32>,
      %swap3A_42 = vector.shape_cast %swap3A_41 : vector<16xi32> to vector<16xi32>
      %swap3A_43 = vector.shape_cast %add3A_39 : vector<16xi32> to vector<16xi32>
      tpu.vector_store %arg7[%swap3A_40], %swap3A_43 {strides = array<i32>} : memref<80xi32, #tpu.memory_space<vmem>>, vector<16xi32>,
      %get3A_44 = arith.constant 48 : index
      %get3A_45 = tpu.vector_load %arg7[%get3A_44] {strides = array<i32>} : memref<80xi32, #tpu.memory_space<vmem>>, vector<16xi32>,
      %get3A_46 = vector.shape_cast %get3A_45 : vector<16xi32> to vector<16xi32>
      %add3A_47 = vector.broadcast %mul3A_2 : i32 to vector<16xi32>
      %add3A_48 = arith.addi %get3A_46, %add3A_47 : vector<16xi32>
      %swap3A_49 = arith.constant 48 : index
      %swap3A_50 = tpu.vector_load %arg7[%swap3A_49] {strides = array<i32>} : memref<80xi32, #tpu.memory_space<vmem>>, vector<16xi32>,
      %swap3A_51 = vector.shape_cast %swap3A_50 : vector<16xi32> to vector<16xi32>
      %swap3A_52 = vector.shape_cast %add3A_48 : vector<16xi32> to vector<16xi32>
      tpu.vector_store %arg7[%swap3A_49], %swap3A_52 {strides = array<i32>} : memref<80xi32, #tpu.memory_space<vmem>>, vector<16xi32>,
      %get3A_53 = arith.constant 64 : index
      %get3A_54 = tpu.vector_load %arg7[%get3A_53] {strides = array<i32>} : memref<80xi32, #tpu.memory_space<vmem>>, vector<16xi32>,
      %get3A_55 = vector.shape_cast %get3A_54 : vector<16xi32> to vector<16xi32>
      %add3A_56 = vector.broadcast %mul3A_2 : i32 to vector<16xi32>
      %add3A_57 = arith.addi %get3A_55, %add3A_56 : vector<16xi32>
      %swap3A_58 = arith.constant 64 : index
      %swap3A_59 = tpu.vector_load %arg7[%swap3A_58] {strides = array<i32>} : memref<80xi32, #tpu.memory_space<vmem>>, vector<16xi32>,
      %swap3A_60 = vector.shape_cast %swap3A_59 : vector<16xi32> to vector<16xi32>
      %swap3A_61 = vector.shape_cast %add3A_57 : vector<16xi32> to vector<16xi32>
      tpu.vector_store %arg7[%swap3A_58], %swap3A_61 {strides = array<i32>} : memref<80xi32, #tpu.memory_space<vmem>>, vector<16xi32>,
      %dma_start3A = arith.constant 0 : i32
      %dma_start3A_62 = arith.constant 0 : i32
      %dma_start3A_63 = tpu.memref_slice %arg2[%dma_start3A, %dma_start3A_62] : memref<100000x32xf32, #tpu.memory_space<hbm>> -> memref<100000x32xf32, #tpu.memory_space<hbm>>
      tpu.enqueue_indirect_dma source(%dma_start3A_63 : memref<100000x32xf32, #tpu.memory_space<hbm>>) target(%arg9 : memref<80x32xf32, #tpu.memory_space<vmem>>) offsets(%arg7 : memref<80xi32, #tpu.memory_space<vmem>>) semaphore(%arg10 : memref<!tpu.dma_semaphore, #tpu.memory_space<semaphore_mem>>)
      %dma_wait3A = arith.constant 0 : i32
      %dma_wait3A_64 = arith.constant 0 : i32
      %dma_wait3A_65 = tpu.memref_slice %arg2[%dma_wait3A, %dma_wait3A_64] : memref<100000x32xf32, #tpu.memory_space<hbm>> -> memref<100000x32xf32, #tpu.memory_space<hbm>>
      tpu.wait_indirect_dma semaphore(%arg10 : memref<!tpu.dma_semaphore, #tpu.memory_space<semaphore_mem>>) src(%dma_wait3A_65 : memref<100000x32xf32, #tpu.memory_space<hbm>>) dst(%arg9 : memref<80x32xf32, #tpu.memory_space<vmem>>)
      "tpu.region"() ({
        %run_scoped3A = tpu.sem_alloc : memref<!tpu.dma_semaphore, #tpu.memory_space<semaphore_mem>>
        %dma_start3A_66 = arith.constant 0 : i32
        %dma_start3A_67 = arith.constant 0 : i32
        %dma_start3A_68 = tpu.memref_slice %arg11[%dma_start3A_66, %dma_start3A_67] : memref<50048x32xf32, #tpu.memory_space<vmem_shared>> -> memref<50048x32xf32, #tpu.memory_space<vmem_shared>>
        tpu.enqueue_indirect_dma source(%arg9 : memref<80x32xf32, #tpu.memory_space<vmem>>) target(%dma_start3A_68 : memref<50048x32xf32, #tpu.memory_space<vmem_shared>>) offsets(%arg8 : memref<80xi32, #tpu.memory_space<vmem>>) semaphore(%run_scoped3A : memref<!tpu.dma_semaphore, #tpu.memory_space<semaphore_mem>>) {add = true}
        %dma_wait3A_69 = arith.constant 0 : i32
        %dma_wait3A_70 = arith.constant 0 : i32
        %dma_wait3A_71 = tpu.memref_slice %arg11[%dma_wait3A_69, %dma_wait3A_70] : memref<50048x32xf32, #tpu.memory_space<vmem_shared>> -> memref<50048x32xf32, #tpu.memory_space<vmem_shared>>
        tpu.wait_indirect_dma semaphore(%run_scoped3A : memref<!tpu.dma_semaphore, #tpu.memory_space<semaphore_mem>>) src(%arg9 : memref<80x32xf32, #tpu.memory_space<vmem>>) dst(%dma_wait3A_71 : memref<50048x32xf32, #tpu.memory_space<vmem_shared>>)
        tpu.yield
      }) : () -> ()
    }
    %scan3A_7 = arith.constant 625 : i32
    %barrier3A_8 = arith.constant 0 : index
    tpu.barrier barrier_id(%barrier3A_8)
    %mul3A_9 = arith.constant 50048 : i32
    %mul3A_10 = arith.muli %arg0, %mul3A_9 : i32
    %add3A = arith.addi %mul3A_10, %multiple_of3A : i32
    %multiple_of3A_11 = tpu.assume_multiple %add3A, 8 : i32
    "tpu.region"() ({
      %run_scoped3A = tpu.sem_alloc : memref<!tpu.dma_semaphore, #tpu.memory_space<semaphore_mem>>
      %dma_start3A = arith.constant 0 : i32
      %dma_start3A_12 = tpu.memref_slice %arg6[%multiple_of3A_11, %dma_start3A] : memref<100096x32xf32, #tpu.memory_space<hbm>> -> memref<3128x32xf32, #tpu.memory_space<hbm>>
      %dma_start3A_13 = arith.constant 0 : i32
      %dma_start3A_14 = tpu.memref_slice %arg11[%multiple_of3A, %dma_start3A_13] : memref<50048x32xf32, #tpu.memory_space<vmem_shared>> -> memref<3128x32xf32, #tpu.memory_space<vmem_shared>>
      tpu.enqueue_dma source(%dma_start3A_14 : memref<3128x32xf32, #tpu.memory_space<vmem_shared>>) target(%dma_start3A_12 : memref<3128x32xf32, #tpu.memory_space<hbm>>) target_semaphore(%run_scoped3A : memref<!tpu.dma_semaphore, #tpu.memory_space<semaphore_mem>>)
      %dma_wait3A = arith.constant 0 : i32
      %dma_wait3A_15 = tpu.memref_slice %arg6[%multiple_of3A_11, %dma_wait3A] : memref<100096x32xf32, #tpu.memory_space<hbm>> -> memref<3128x32xf32, #tpu.memory_space<hbm>>
      %dma_wait3A_16 = arith.constant 0 : i32
      %dma_wait3A_17 = tpu.memref_slice %arg11[%multiple_of3A, %dma_wait3A_16] : memref<50048x32xf32, #tpu.memory_space<vmem_shared>> -> memref<3128x32xf32, #tpu.memory_space<vmem_shared>>
      tpu.wait_dma2 semaphore(%run_scoped3A : memref<!tpu.dma_semaphore, #tpu.memory_space<semaphore_mem>>) src(%dma_wait3A_17 : memref<3128x32xf32, #tpu.memory_space<vmem_shared>>) dst(%dma_wait3A_15 : memref<3128x32xf32, #tpu.memory_space<hbm>>)
      tpu.yield
    }) : () -> ()
    return
  }
}

module attributes {stable_mosaic.version = 14 : i64} {
  func.func @_enc_proj_body(%arg0: i32, %arg1: memref<2000x128xf32, #tpu.memory_space<vmem>>, %arg2: memref<2000x128xf32, #tpu.memory_space<vmem>>, %arg3: memref<128x64xf32, #tpu.memory_space<vmem>>, %arg4: memref<1x64xf32, #tpu.memory_space<vmem>>, %arg5: memref<128x64xf32, #tpu.memory_space<vmem>>, %arg6: memref<1x64xf32, #tpu.memory_space<vmem>>, %arg7: memref<64x64xf32, #tpu.memory_space<vmem>>, %arg8: memref<64x64xf32, #tpu.memory_space<vmem>>, %arg9: memref<1x64xf32, #tpu.memory_space<vmem>>, %arg10: memref<64x64xf32, #tpu.memory_space<vmem>>, %arg11: memref<64x64xf32, #tpu.memory_space<vmem>>, %arg12: memref<1x64xf32, #tpu.memory_space<vmem>>, %arg13: memref<2x2000x32xf32, #tpu.memory_space<vmem>>, %arg14: memref<2x2000x32xf32, #tpu.memory_space<vmem>>, %arg15: memref<2000x64xf32, #tpu.memory_space<vmem>>, %arg16: memref<2000x64xf32, #tpu.memory_space<vmem>>) attributes {dimension_semantics = [#tpu.dimension_semantics<arbitrary>], iteration_bounds = array<i64: 25>, scalar_prefetch = 0 : i64, scratch_operands = 0 : i64, tpu.core_type = #tpu.core_type<tc>, window_params = [{transform_indices = @transform_0, window_bounds = array<i64: 2000, 128>}, {transform_indices = @transform_1, window_bounds = array<i64: 2000, 128>}, {pipeline_mode = #tpu.pipeline_mode<synchronous>, transform_indices = @transform_2, window_bounds = array<i64: 128, 64>}, {pipeline_mode = #tpu.pipeline_mode<synchronous>, transform_indices = @transform_3, window_bounds = array<i64: 1, 64>}, {pipeline_mode = #tpu.pipeline_mode<synchronous>, transform_indices = @transform_4, window_bounds = array<i64: 128, 64>}, {pipeline_mode = #tpu.pipeline_mode<synchronous>, transform_indices = @transform_5, window_bounds = array<i64: 1, 64>}, {pipeline_mode = #tpu.pipeline_mode<synchronous>, transform_indices = @transform_6, window_bounds = array<i64: 64, 64>}, {pipeline_mode = #tpu.pipeline_mode<synchronous>, transform_indices = @transform_7, window_bounds = array<i64: 64, 64>}, {pipeline_mode = #tpu.pipeline_mode<synchronous>, transform_indices = @transform_8, window_bounds = array<i64: 1, 64>}, {pipeline_mode = #tpu.pipeline_mode<synchronous>, transform_indices = @transform_9, window_bounds = array<i64: 64, 64>}, {pipeline_mode = #tpu.pipeline_mode<synchronous>, transform_indices = @transform_10, window_bounds = array<i64: 64, 64>}, {pipeline_mode = #tpu.pipeline_mode<synchronous>, transform_indices = @transform_11, window_bounds = array<i64: 1, 64>}, {transform_indices = @transform_12, window_bounds = array<i64: 2, 2000, 32>}, {transform_indices = @transform_13, window_bounds = array<i64: 2, 2000, 32>}, {transform_indices = @transform_14, window_bounds = array<i64: 2000, 64>}, {transform_indices = @transform_15, window_bounds = array<i64: 2000, 64>}]} {
    %get3A = arith.constant 0 : index
    %get3A_0 = arith.constant 0 : index
    %get3A_1 = vector.load %arg1[%get3A, %get3A_0] : memref<2000x128xf32, #tpu.memory_space<vmem>>, vector<2000x128xf32>
    %get3A_2 = arith.constant 0 : index
    %get3A_3 = arith.constant 0 : index
    %get3A_4 = vector.load %arg3[%get3A_2, %get3A_3] : memref<128x64xf32, #tpu.memory_space<vmem>>, vector<128x64xf32>
    %dot_general3A = arith.constant dense<0.000000e+00> : vector<2000x64xf32>
    %dot_general3A_5 = tpu.matmul %get3A_1, %get3A_4, %dot_general3A {dimension_numbers = #tpu.dot_dimension_numbers<[1], [0], [0], [1], [0, 0, 1, 1], [], []>, transpose_lhs_hint = false} : vector<2000x128xf32>, vector<128x64xf32>, vector<2000x64xf32> -> vector<2000x64xf32>
    %get3A_6 = arith.constant 0 : index
    %get3A_7 = arith.constant 0 : index
    %get3A_8 = vector.load %arg4[%get3A_6, %get3A_7] : memref<1x64xf32, #tpu.memory_space<vmem>>, vector<1x64xf32>
    %add3A = vector.broadcast %get3A_8 : vector<1x64xf32> to vector<2000x64xf32>
    %add3A_9 = arith.addf %dot_general3A_5, %add3A : vector<2000x64xf32>
    %max3A = arith.constant 0.000000e+00 : f32
    %max3A_10 = vector.broadcast %max3A : f32 to vector<2000x64xf32>
    %max3A_11 = arith.maximumf %add3A_9, %max3A_10 : vector<2000x64xf32>
    %get3A_12 = arith.constant 0 : index
    %get3A_13 = arith.constant 0 : index
    %get3A_14 = vector.load %arg2[%get3A_12, %get3A_13] : memref<2000x128xf32, #tpu.memory_space<vmem>>, vector<2000x128xf32>
    %get3A_15 = arith.constant 0 : index
    %get3A_16 = arith.constant 0 : index
    %get3A_17 = vector.load %arg5[%get3A_15, %get3A_16] : memref<128x64xf32, #tpu.memory_space<vmem>>, vector<128x64xf32>
    %dot_general3A_18 = arith.constant dense<0.000000e+00> : vector<2000x64xf32>
    %dot_general3A_19 = tpu.matmul %get3A_14, %get3A_17, %dot_general3A_18 {dimension_numbers = #tpu.dot_dimension_numbers<[1], [0], [0], [1], [0, 0, 1, 1], [], []>, transpose_lhs_hint = false} : vector<2000x128xf32>, vector<128x64xf32>, vector<2000x64xf32> -> vector<2000x64xf32>
    %get3A_20 = arith.constant 0 : index
    %get3A_21 = arith.constant 0 : index
    %get3A_22 = vector.load %arg6[%get3A_20, %get3A_21] : memref<1x64xf32, #tpu.memory_space<vmem>>, vector<1x64xf32>
    %add3A_23 = vector.broadcast %get3A_22 : vector<1x64xf32> to vector<2000x64xf32>
    %add3A_24 = arith.addf %dot_general3A_19, %add3A_23 : vector<2000x64xf32>
    %max3A_25 = arith.constant 0.000000e+00 : f32
    %max3A_26 = vector.broadcast %max3A_25 : f32 to vector<2000x64xf32>
    %max3A_27 = arith.maximumf %add3A_24, %max3A_26 : vector<2000x64xf32>
    %get3A_28 = arith.constant 0 : index
    %get3A_29 = arith.constant 0 : index
    %get3A_30 = vector.load %arg7[%get3A_28, %get3A_29] : memref<64x64xf32, #tpu.memory_space<vmem>>, vector<64x64xf32>
    %get3A_31 = arith.constant 0 : index
    %get3A_32 = arith.constant 0 : index
    %get3A_33 = vector.load %arg8[%get3A_31, %get3A_32] : memref<64x64xf32, #tpu.memory_space<vmem>>, vector<64x64xf32>
    %get3A_34 = arith.constant 0 : index
    %get3A_35 = arith.constant 0 : index
    %get3A_36 = vector.load %arg9[%get3A_34, %get3A_35] : memref<1x64xf32, #tpu.memory_space<vmem>>, vector<1x64xf32>
    %dot_general3A_37 = arith.constant dense<0.000000e+00> : vector<2000x64xf32>
    %dot_general3A_38 = tpu.matmul %max3A_11, %get3A_30, %dot_general3A_37 {dimension_numbers = #tpu.dot_dimension_numbers<[1], [0], [0], [1], [0, 0, 1, 1], [], []>, transpose_lhs_hint = false} : vector<2000x64xf32>, vector<64x64xf32>, vector<2000x64xf32> -> vector<2000x64xf32>
    %slice3A = vector.extract_strided_slice %dot_general3A_38 {offsets = [0, 0], sizes = [2000, 32], strides = [1, 1]} : vector<2000x64xf32> to vector<2000x32xf32>
    %swap3A = arith.constant 0 : index
    %swap3A_39 = arith.constant 0 : index
    %swap3A_40 = arith.constant 0 : index
    %swap3A_41 = vector.load %arg13[%swap3A, %swap3A_39, %swap3A_40] : memref<2x2000x32xf32, #tpu.memory_space<vmem>>, vector<1x2000x32xf32>
    %swap3A_42 = vector.shape_cast %swap3A_41 : vector<1x2000x32xf32> to vector<2000x32xf32>
    %swap3A_43 = vector.shape_cast %slice3A : vector<2000x32xf32> to vector<1x2000x32xf32>
    tpu.vector_store %arg13[%swap3A, %swap3A_39, %swap3A_40], %swap3A_43 {strides = array<i32>} : memref<2x2000x32xf32, #tpu.memory_space<vmem>>, vector<1x2000x32xf32>,
    %slice3A_44 = vector.extract_strided_slice %dot_general3A_38 {offsets = [0, 32], sizes = [2000, 32], strides = [1, 1]} : vector<2000x64xf32> to vector<2000x32xf32>
    %swap3A_45 = arith.constant 1 : index
    %swap3A_46 = arith.constant 0 : index
    %swap3A_47 = arith.constant 0 : index
    %swap3A_48 = vector.load %arg13[%swap3A_45, %swap3A_46, %swap3A_47] : memref<2x2000x32xf32, #tpu.memory_space<vmem>>, vector<1x2000x32xf32>
    %swap3A_49 = vector.shape_cast %swap3A_48 : vector<1x2000x32xf32> to vector<2000x32xf32>
    %swap3A_50 = vector.shape_cast %slice3A_44 : vector<2000x32xf32> to vector<1x2000x32xf32>
    tpu.vector_store %arg13[%swap3A_45, %swap3A_46, %swap3A_47], %swap3A_50 {strides = array<i32>} : memref<2x2000x32xf32, #tpu.memory_space<vmem>>, vector<1x2000x32xf32>,
    %dot_general3A_51 = arith.constant dense<0.000000e+00> : vector<2000x64xf32>
    %dot_general3A_52 = tpu.matmul %max3A_27, %get3A_33, %dot_general3A_51 {dimension_numbers = #tpu.dot_dimension_numbers<[1], [0], [0], [1], [0, 0, 1, 1], [], []>, transpose_lhs_hint = false} : vector<2000x64xf32>, vector<64x64xf32>, vector<2000x64xf32> -> vector<2000x64xf32>
    %add3A_53 = vector.broadcast %get3A_36 : vector<1x64xf32> to vector<2000x64xf32>
    %add3A_54 = arith.addf %dot_general3A_52, %add3A_53 : vector<2000x64xf32>
    %swap3A_55 = arith.constant 0 : index
    %swap3A_56 = arith.constant 0 : index
    %swap3A_57 = vector.load %arg15[%swap3A_55, %swap3A_56] : memref<2000x64xf32, #tpu.memory_space<vmem>>, vector<2000x64xf32>
    tpu.vector_store %arg15[%swap3A_55, %swap3A_56], %add3A_54 {strides = array<i32>} : memref<2000x64xf32, #tpu.memory_space<vmem>>, vector<2000x64xf32>,
    %get3A_58 = arith.constant 0 : index
    %get3A_59 = arith.constant 0 : index
    %get3A_60 = vector.load %arg10[%get3A_58, %get3A_59] : memref<64x64xf32, #tpu.memory_space<vmem>>, vector<64x64xf32>
    %get3A_61 = arith.constant 0 : index
    %get3A_62 = arith.constant 0 : index
    %get3A_63 = vector.load %arg11[%get3A_61, %get3A_62] : memref<64x64xf32, #tpu.memory_space<vmem>>, vector<64x64xf32>
    %get3A_64 = arith.constant 0 : index
    %get3A_65 = arith.constant 0 : index
    %get3A_66 = vector.load %arg12[%get3A_64, %get3A_65] : memref<1x64xf32, #tpu.memory_space<vmem>>, vector<1x64xf32>
    %dot_general3A_67 = arith.constant dense<0.000000e+00> : vector<2000x64xf32>
    %dot_general3A_68 = tpu.matmul %max3A_27, %get3A_60, %dot_general3A_67 {dimension_numbers = #tpu.dot_dimension_numbers<[1], [0], [0], [1], [0, 0, 1, 1], [], []>, transpose_lhs_hint = false} : vector<2000x64xf32>, vector<64x64xf32>, vector<2000x64xf32> -> vector<2000x64xf32>
    %slice3A_69 = vector.extract_strided_slice %dot_general3A_68 {offsets = [0, 0], sizes = [2000, 32], strides = [1, 1]} : vector<2000x64xf32> to vector<2000x32xf32>
    %swap3A_70 = arith.constant 0 : index
    %swap3A_71 = arith.constant 0 : index
    %swap3A_72 = arith.constant 0 : index
    %swap3A_73 = vector.load %arg14[%swap3A_70, %swap3A_71, %swap3A_72] : memref<2x2000x32xf32, #tpu.memory_space<vmem>>, vector<1x2000x32xf32>
    %swap3A_74 = vector.shape_cast %swap3A_73 : vector<1x2000x32xf32> to vector<2000x32xf32>
    %swap3A_75 = vector.shape_cast %slice3A_69 : vector<2000x32xf32> to vector<1x2000x32xf32>
    tpu.vector_store %arg14[%swap3A_70, %swap3A_71, %swap3A_72], %swap3A_75 {strides = array<i32>} : memref<2x2000x32xf32, #tpu.memory_space<vmem>>, vector<1x2000x32xf32>,
    %slice3A_76 = vector.extract_strided_slice %dot_general3A_68 {offsets = [0, 32], sizes = [2000, 32], strides = [1, 1]} : vector<2000x64xf32> to vector<2000x32xf32>
    %swap3A_77 = arith.constant 1 : index
    %swap3A_78 = arith.constant 0 : index
    %swap3A_79 = arith.constant 0 : index
    %swap3A_80 = vector.load %arg14[%swap3A_77, %swap3A_78, %swap3A_79] : memref<2x2000x32xf32, #tpu.memory_space<vmem>>, vector<1x2000x32xf32>
    %swap3A_81 = vector.shape_cast %swap3A_80 : vector<1x2000x32xf32> to vector<2000x32xf32>
    %swap3A_82 = vector.shape_cast %slice3A_76 : vector<2000x32xf32> to vector<1x2000x32xf32>
    tpu.vector_store %arg14[%swap3A_77, %swap3A_78, %swap3A_79], %swap3A_82 {strides = array<i32>} : memref<2x2000x32xf32, #tpu.memory_space<vmem>>, vector<1x2000x32xf32>,
    %dot_general3A_83 = arith.constant dense<0.000000e+00> : vector<2000x64xf32>
    %dot_general3A_84 = tpu.matmul %max3A_11, %get3A_63, %dot_general3A_83 {dimension_numbers = #tpu.dot_dimension_numbers<[1], [0], [0], [1], [0, 0, 1, 1], [], []>, transpose_lhs_hint = false} : vector<2000x64xf32>, vector<64x64xf32>, vector<2000x64xf32> -> vector<2000x64xf32>
    %add3A_85 = vector.broadcast %get3A_66 : vector<1x64xf32> to vector<2000x64xf32>
    %add3A_86 = arith.addf %dot_general3A_84, %add3A_85 : vector<2000x64xf32>
    %swap3A_87 = arith.constant 0 : index
    %swap3A_88 = arith.constant 0 : index
    %swap3A_89 = vector.load %arg16[%swap3A_87, %swap3A_88] : memref<2000x64xf32, #tpu.memory_space<vmem>>, vector<2000x64xf32>
    tpu.vector_store %arg16[%swap3A_87, %swap3A_88], %add3A_86 {strides = array<i32>} : memref<2000x64xf32, #tpu.memory_space<vmem>>, vector<2000x64xf32>,
    return
  }
  func.func @transform_0(%arg0: i32) -> (i32, i32) {
    %c0_i32 = arith.constant 0 : i32
    %c0_i32_0 = arith.constant 0 : i32
    return %arg0, %c0_i32 : i32, i32
  }
  func.func @transform_1(%arg0: i32) -> (i32, i32) {
    %c0_i32 = arith.constant 0 : i32
    %c0_i32_0 = arith.constant 0 : i32
    return %arg0, %c0_i32 : i32, i32
  }
  func.func @transform_2(%arg0: i32) -> (i32, i32) {
    %c0_i32 = arith.constant 0 : i32
    %c0_i32_0 = arith.constant 0 : i32
    %c0_i32_1 = arith.constant 0 : i32
    return %c0_i32, %c0_i32_0 : i32, i32
  }
  func.func @transform_3(%arg0: i32) -> (i32, i32) {
    %c0_i32 = arith.constant 0 : i32
    %c0_i32_0 = arith.constant 0 : i32
    %c0_i32_1 = arith.constant 0 : i32
    return %c0_i32, %c0_i32_0 : i32, i32
  }
  func.func @transform_4(%arg0: i32) -> (i32, i32) {
    %c0_i32 = arith.constant 0 : i32
    %c0_i32_0 = arith.constant 0 : i32
    %c0_i32_1 = arith.constant 0 : i32
    return %c0_i32, %c0_i32_0 : i32, i32
  }
  func.func @transform_5(%arg0: i32) -> (i32, i32) {
    %c0_i32 = arith.constant 0 : i32
    %c0_i32_0 = arith.constant 0 : i32
    %c0_i32_1 = arith.constant 0 : i32
    return %c0_i32, %c0_i32_0 : i32, i32
  }
  func.func @transform_6(%arg0: i32) -> (i32, i32) {
    %c0_i32 = arith.constant 0 : i32
    %c0_i32_0 = arith.constant 0 : i32
    %c0_i32_1 = arith.constant 0 : i32
    return %c0_i32, %c0_i32_0 : i32, i32
  }
  func.func @transform_7(%arg0: i32) -> (i32, i32) {
    %c0_i32 = arith.constant 0 : i32
    %c0_i32_0 = arith.constant 0 : i32
    %c0_i32_1 = arith.constant 0 : i32
    return %c0_i32, %c0_i32_0 : i32, i32
  }
  func.func @transform_8(%arg0: i32) -> (i32, i32) {
    %c0_i32 = arith.constant 0 : i32
    %c0_i32_0 = arith.constant 0 : i32
    %c0_i32_1 = arith.constant 0 : i32
    return %c0_i32, %c0_i32_0 : i32, i32
  }
  func.func @transform_9(%arg0: i32) -> (i32, i32) {
    %c0_i32 = arith.constant 0 : i32
    %c0_i32_0 = arith.constant 0 : i32
    %c0_i32_1 = arith.constant 0 : i32
    return %c0_i32, %c0_i32_0 : i32, i32
  }
  func.func @transform_10(%arg0: i32) -> (i32, i32) {
    %c0_i32 = arith.constant 0 : i32
    %c0_i32_0 = arith.constant 0 : i32
    %c0_i32_1 = arith.constant 0 : i32
    return %c0_i32, %c0_i32_0 : i32, i32
  }
  func.func @transform_11(%arg0: i32) -> (i32, i32) {
    %c0_i32 = arith.constant 0 : i32
    %c0_i32_0 = arith.constant 0 : i32
    %c0_i32_1 = arith.constant 0 : i32
    return %c0_i32, %c0_i32_0 : i32, i32
  }
  func.func @transform_12(%arg0: i32) -> (i32, i32, i32) {
    %c0_i32 = arith.constant 0 : i32
    %c0_i32_0 = arith.constant 0 : i32
    %c0_i32_1 = arith.constant 0 : i32
    return %c0_i32, %arg0, %c0_i32_0 : i32, i32, i32
  }
  func.func @transform_13(%arg0: i32) -> (i32, i32, i32) {
    %c0_i32 = arith.constant 0 : i32
    %c0_i32_0 = arith.constant 0 : i32
    %c0_i32_1 = arith.constant 0 : i32
    return %c0_i32, %arg0, %c0_i32_0 : i32, i32, i32
  }
  func.func @transform_14(%arg0: i32) -> (i32, i32) {
    %c0_i32 = arith.constant 0 : i32
    %c0_i32_0 = arith.constant 0 : i32
    return %arg0, %c0_i32 : i32, i32
  }
  func.func @transform_15(%arg0: i32) -> (i32, i32) {
    %c0_i32 = arith.constant 0 : i32
    %c0_i32_0 = arith.constant 0 : i32
    return %arg0, %c0_i32 : i32, i32
  }
}

module attributes {stable_mosaic.version = 14 : i64} {
  func.func @_comb_proj_body(%arg0: i32, %arg1: memref<1x2000x32xf32, #tpu.memory_space<vmem>>, %arg2: memref<1x2000x32xf32, #tpu.memory_space<vmem>>, %arg3: memref<1x2000x32xf32, #tpu.memory_space<vmem>>, %arg4: memref<1x2000x32xf32, #tpu.memory_space<vmem>>, %arg5: memref<1x2000x16xf32, #tpu.memory_space<vmem>>, %arg6: memref<1x2000x16xf32, #tpu.memory_space<vmem>>, %arg7: memref<2000x64xf32, #tpu.memory_space<vmem>>, %arg8: memref<2000x64xf32, #tpu.memory_space<vmem>>, %arg9: memref<64x64xf32, #tpu.memory_space<vmem>>, %arg10: memref<64x64xf32, #tpu.memory_space<vmem>>, %arg11: memref<1x64xf32, #tpu.memory_space<vmem>>, %arg12: memref<64x64xf32, #tpu.memory_space<vmem>>, %arg13: memref<64x64xf32, #tpu.memory_space<vmem>>, %arg14: memref<1x64xf32, #tpu.memory_space<vmem>>, %arg15: memref<2x2000x32xf32, #tpu.memory_space<vmem>>, %arg16: memref<2x2000x32xf32, #tpu.memory_space<vmem>>, %arg17: memref<2000x64xf32, #tpu.memory_space<vmem>>, %arg18: memref<2000x64xf32, #tpu.memory_space<vmem>>) attributes {dimension_semantics = [#tpu.dimension_semantics<arbitrary>], iteration_bounds = array<i64: 25>, scalar_prefetch = 0 : i64, scratch_operands = 0 : i64, tpu.core_type = #tpu.core_type<tc>, window_params = [{transform_indices = @transform_0, window_bounds = array<i64: 1, 2000, 32>}, {transform_indices = @transform_1, window_bounds = array<i64: 1, 2000, 32>}, {transform_indices = @transform_2, window_bounds = array<i64: 1, 2000, 32>}, {transform_indices = @transform_3, window_bounds = array<i64: 1, 2000, 32>}, {transform_indices = @transform_4, window_bounds = array<i64: 1, 2000, 16>}, {transform_indices = @transform_5, window_bounds = array<i64: 1, 2000, 16>}, {transform_indices = @transform_6, window_bounds = array<i64: 2000, 64>}, {transform_indices = @transform_7, window_bounds = array<i64: 2000, 64>}, {pipeline_mode = #tpu.pipeline_mode<synchronous>, transform_indices = @transform_8, window_bounds = array<i64: 64, 64>}, {pipeline_mode = #tpu.pipeline_mode<synchronous>, transform_indices = @transform_9, window_bounds = array<i64: 64, 64>}, {pipeline_mode = #tpu.pipeline_mode<synchronous>, transform_indices = @transform_10, window_bounds = array<i64: 1, 64>}, {pipeline_mode = #tpu.pipeline_mode<synchronous>, transform_indices = @transform_11, window_bounds = array<i64: 64, 64>}, {pipeline_mode = #tpu.pipeline_mode<synchronous>, transform_indices = @transform_12, window_bounds = array<i64: 64, 64>}, {pipeline_mode = #tpu.pipeline_mode<synchronous>, transform_indices = @transform_13, window_bounds = array<i64: 1, 64>}, {transform_indices = @transform_14, window_bounds = array<i64: 2, 2000, 32>}, {transform_indices = @transform_15, window_bounds = array<i64: 2, 2000, 32>}, {transform_indices = @transform_16, window_bounds = array<i64: 2000, 64>}, {transform_indices = @transform_17, window_bounds = array<i64: 2000, 64>}]} {
    %get3A = arith.constant 0 : index
    %get3A_0 = arith.constant 0 : index
    %get3A_1 = arith.constant 0 : index
    %get3A_2 = vector.load %arg1[%get3A, %get3A_0, %get3A_1] : memref<1x2000x32xf32, #tpu.memory_space<vmem>>, vector<1x2000x32xf32>
    %get3A_3 = vector.shape_cast %get3A_2 : vector<1x2000x32xf32> to vector<2000x32xf32>
    %get3A_4 = arith.constant 0 : index
    %get3A_5 = arith.constant 0 : index
    %get3A_6 = arith.constant 0 : index
    %get3A_7 = vector.load %arg2[%get3A_4, %get3A_5, %get3A_6] : memref<1x2000x32xf32, #tpu.memory_space<vmem>>, vector<1x2000x32xf32>
    %get3A_8 = vector.shape_cast %get3A_7 : vector<1x2000x32xf32> to vector<2000x32xf32>
    %concatenate3A = tpu.concatenate %get3A_3, %get3A_8 in 1 : vector<2000x32xf32>, vector<2000x32xf32> -> vector<2000x64xf32>
    %get3A_9 = arith.constant 0 : index
    %get3A_10 = arith.constant 0 : index
    %get3A_11 = arith.constant 0 : index
    %get3A_12 = vector.load %arg5[%get3A_9, %get3A_10, %get3A_11] : memref<1x2000x16xf32, #tpu.memory_space<vmem>>, vector<1x2000x16xf32>
    %get3A_13 = vector.shape_cast %get3A_12 : vector<1x2000x16xf32> to vector<2000x16xf32>
    %slice3A = vector.extract_strided_slice %get3A_13 {offsets = [0, 0], sizes = [2000, 1], strides = [1, 1]} : vector<2000x16xf32> to vector<2000x1xf32>
    %max3A = arith.constant 1.000000e+00 : f32
    %max3A_14 = vector.broadcast %max3A : f32 to vector<2000x1xf32>
    %max3A_15 = arith.maximumf %slice3A, %max3A_14 : vector<2000x1xf32>
    %div3A = vector.broadcast %max3A_15 : vector<2000x1xf32> to vector<2000x64xf32>
    %div3A_16 = arith.divf %concatenate3A, %div3A : vector<2000x64xf32>
    %get3A_17 = arith.constant 0 : index
    %get3A_18 = arith.constant 0 : index
    %get3A_19 = vector.load %arg7[%get3A_17, %get3A_18] : memref<2000x64xf32, #tpu.memory_space<vmem>>, vector<2000x64xf32>
    %add3A = arith.addf %div3A_16, %get3A_19 : vector<2000x64xf32>
    %max3A_20 = arith.constant 0.000000e+00 : f32
    %max3A_21 = vector.broadcast %max3A_20 : f32 to vector<2000x64xf32>
    %max3A_22 = arith.maximumf %add3A, %max3A_21 : vector<2000x64xf32>
    %get3A_23 = arith.constant 0 : index
    %get3A_24 = arith.constant 0 : index
    %get3A_25 = arith.constant 0 : index
    %get3A_26 = vector.load %arg3[%get3A_23, %get3A_24, %get3A_25] : memref<1x2000x32xf32, #tpu.memory_space<vmem>>, vector<1x2000x32xf32>
    %get3A_27 = vector.shape_cast %get3A_26 : vector<1x2000x32xf32> to vector<2000x32xf32>
    %get3A_28 = arith.constant 0 : index
    %get3A_29 = arith.constant 0 : index
    %get3A_30 = arith.constant 0 : index
    %get3A_31 = vector.load %arg4[%get3A_28, %get3A_29, %get3A_30] : memref<1x2000x32xf32, #tpu.memory_space<vmem>>, vector<1x2000x32xf32>
    %get3A_32 = vector.shape_cast %get3A_31 : vector<1x2000x32xf32> to vector<2000x32xf32>
    %concatenate3A_33 = tpu.concatenate %get3A_27, %get3A_32 in 1 : vector<2000x32xf32>, vector<2000x32xf32> -> vector<2000x64xf32>
    %get3A_34 = arith.constant 0 : index
    %get3A_35 = arith.constant 0 : index
    %get3A_36 = arith.constant 0 : index
    %get3A_37 = vector.load %arg6[%get3A_34, %get3A_35, %get3A_36] : memref<1x2000x16xf32, #tpu.memory_space<vmem>>, vector<1x2000x16xf32>
    %get3A_38 = vector.shape_cast %get3A_37 : vector<1x2000x16xf32> to vector<2000x16xf32>
    %slice3A_39 = vector.extract_strided_slice %get3A_38 {offsets = [0, 0], sizes = [2000, 1], strides = [1, 1]} : vector<2000x16xf32> to vector<2000x1xf32>
    %max3A_40 = arith.constant 1.000000e+00 : f32
    %max3A_41 = vector.broadcast %max3A_40 : f32 to vector<2000x1xf32>
    %max3A_42 = arith.maximumf %slice3A_39, %max3A_41 : vector<2000x1xf32>
    %div3A_43 = vector.broadcast %max3A_42 : vector<2000x1xf32> to vector<2000x64xf32>
    %div3A_44 = arith.divf %concatenate3A_33, %div3A_43 : vector<2000x64xf32>
    %get3A_45 = arith.constant 0 : index
    %get3A_46 = arith.constant 0 : index
    %get3A_47 = vector.load %arg8[%get3A_45, %get3A_46] : memref<2000x64xf32, #tpu.memory_space<vmem>>, vector<2000x64xf32>
    %add3A_48 = arith.addf %div3A_44, %get3A_47 : vector<2000x64xf32>
    %max3A_49 = arith.constant 0.000000e+00 : f32
    %max3A_50 = vector.broadcast %max3A_49 : f32 to vector<2000x64xf32>
    %max3A_51 = arith.maximumf %add3A_48, %max3A_50 : vector<2000x64xf32>
    %get3A_52 = arith.constant 0 : index
    %get3A_53 = arith.constant 0 : index
    %get3A_54 = vector.load %arg9[%get3A_52, %get3A_53] : memref<64x64xf32, #tpu.memory_space<vmem>>, vector<64x64xf32>
    %get3A_55 = arith.constant 0 : index
    %get3A_56 = arith.constant 0 : index
    %get3A_57 = vector.load %arg10[%get3A_55, %get3A_56] : memref<64x64xf32, #tpu.memory_space<vmem>>, vector<64x64xf32>
    %get3A_58 = arith.constant 0 : index
    %get3A_59 = arith.constant 0 : index
    %get3A_60 = vector.load %arg11[%get3A_58, %get3A_59] : memref<1x64xf32, #tpu.memory_space<vmem>>, vector<1x64xf32>
    %dot_general3A = arith.constant dense<0.000000e+00> : vector<2000x64xf32>
    %dot_general3A_61 = tpu.matmul %max3A_51, %get3A_54, %dot_general3A {dimension_numbers = #tpu.dot_dimension_numbers<[1], [0], [0], [1], [0, 0, 1, 1], [], []>, transpose_lhs_hint = false} : vector<2000x64xf32>, vector<64x64xf32>, vector<2000x64xf32> -> vector<2000x64xf32>
    %slice3A_62 = vector.extract_strided_slice %dot_general3A_61 {offsets = [0, 0], sizes = [2000, 32], strides = [1, 1]} : vector<2000x64xf32> to vector<2000x32xf32>
    %swap3A = arith.constant 0 : index
    %swap3A_63 = arith.constant 0 : index
    %swap3A_64 = arith.constant 0 : index
    %swap3A_65 = vector.load %arg15[%swap3A, %swap3A_63, %swap3A_64] : memref<2x2000x32xf32, #tpu.memory_space<vmem>>, vector<1x2000x32xf32>
    %swap3A_66 = vector.shape_cast %swap3A_65 : vector<1x2000x32xf32> to vector<2000x32xf32>
    %swap3A_67 = vector.shape_cast %slice3A_62 : vector<2000x32xf32> to vector<1x2000x32xf32>
    tpu.vector_store %arg15[%swap3A, %swap3A_63, %swap3A_64], %swap3A_67 {strides = array<i32>} : memref<2x2000x32xf32, #tpu.memory_space<vmem>>, vector<1x2000x32xf32>,
    %slice3A_68 = vector.extract_strided_slice %dot_general3A_61 {offsets = [0, 32], sizes = [2000, 32], strides = [1, 1]} : vector<2000x64xf32> to vector<2000x32xf32>
    %swap3A_69 = arith.constant 1 : index
    %swap3A_70 = arith.constant 0 : index
    %swap3A_71 = arith.constant 0 : index
    %swap3A_72 = vector.load %arg15[%swap3A_69, %swap3A_70, %swap3A_71] : memref<2x2000x32xf32, #tpu.memory_space<vmem>>, vector<1x2000x32xf32>
    %swap3A_73 = vector.shape_cast %swap3A_72 : vector<1x2000x32xf32> to vector<2000x32xf32>
    %swap3A_74 = vector.shape_cast %slice3A_68 : vector<2000x32xf32> to vector<1x2000x32xf32>
    tpu.vector_store %arg15[%swap3A_69, %swap3A_70, %swap3A_71], %swap3A_74 {strides = array<i32>} : memref<2x2000x32xf32, #tpu.memory_space<vmem>>, vector<1x2000x32xf32>,
    %dot_general3A_75 = arith.constant dense<0.000000e+00> : vector<2000x64xf32>
    %dot_general3A_76 = tpu.matmul %max3A_22, %get3A_57, %dot_general3A_75 {dimension_numbers = #tpu.dot_dimension_numbers<[1], [0], [0], [1], [0, 0, 1, 1], [], []>, transpose_lhs_hint = false} : vector<2000x64xf32>, vector<64x64xf32>, vector<2000x64xf32> -> vector<2000x64xf32>
    %add3A_77 = vector.broadcast %get3A_60 : vector<1x64xf32> to vector<2000x64xf32>
    %add3A_78 = arith.addf %dot_general3A_76, %add3A_77 : vector<2000x64xf32>
    %swap3A_79 = arith.constant 0 : index
    %swap3A_80 = arith.constant 0 : index
    %swap3A_81 = vector.load %arg17[%swap3A_79, %swap3A_80] : memref<2000x64xf32, #tpu.memory_space<vmem>>, vector<2000x64xf32>
    tpu.vector_store %arg17[%swap3A_79, %swap3A_80], %add3A_78 {strides = array<i32>} : memref<2000x64xf32, #tpu.memory_space<vmem>>, vector<2000x64xf32>,
    %get3A_82 = arith.constant 0 : index
    %get3A_83 = arith.constant 0 : index
    %get3A_84 = vector.load %arg12[%get3A_82, %get3A_83] : memref<64x64xf32, #tpu.memory_space<vmem>>, vector<64x64xf32>
    %get3A_85 = arith.constant 0 : index
    %get3A_86 = arith.constant 0 : index
    %get3A_87 = vector.load %arg13[%get3A_85, %get3A_86] : memref<64x64xf32, #tpu.memory_space<vmem>>, vector<64x64xf32>
    %get3A_88 = arith.constant 0 : index
    %get3A_89 = arith.constant 0 : index
    %get3A_90 = vector.load %arg14[%get3A_88, %get3A_89] : memref<1x64xf32, #tpu.memory_space<vmem>>, vector<1x64xf32>
    %dot_general3A_91 = arith.constant dense<0.000000e+00> : vector<2000x64xf32>
    %dot_general3A_92 = tpu.matmul %max3A_22, %get3A_84, %dot_general3A_91 {dimension_numbers = #tpu.dot_dimension_numbers<[1], [0], [0], [1], [0, 0, 1, 1], [], []>, transpose_lhs_hint = false} : vector<2000x64xf32>, vector<64x64xf32>, vector<2000x64xf32> -> vector<2000x64xf32>
    %slice3A_93 = vector.extract_strided_slice %dot_general3A_92 {offsets = [0, 0], sizes = [2000, 32], strides = [1, 1]} : vector<2000x64xf32> to vector<2000x32xf32>
    %swap3A_94 = arith.constant 0 : index
    %swap3A_95 = arith.constant 0 : index
    %swap3A_96 = arith.constant 0 : index
    %swap3A_97 = vector.load %arg16[%swap3A_94, %swap3A_95, %swap3A_96] : memref<2x2000x32xf32, #tpu.memory_space<vmem>>, vector<1x2000x32xf32>
    %swap3A_98 = vector.shape_cast %swap3A_97 : vector<1x2000x32xf32> to vector<2000x32xf32>
    %swap3A_99 = vector.shape_cast %slice3A_93 : vector<2000x32xf32> to vector<1x2000x32xf32>
    tpu.vector_store %arg16[%swap3A_94, %swap3A_95, %swap3A_96], %swap3A_99 {strides = array<i32>} : memref<2x2000x32xf32, #tpu.memory_space<vmem>>, vector<1x2000x32xf32>,
    %slice3A_100 = vector.extract_strided_slice %dot_general3A_92 {offsets = [0, 32], sizes = [2000, 32], strides = [1, 1]} : vector<2000x64xf32> to vector<2000x32xf32>
    %swap3A_101 = arith.constant 1 : index
    %swap3A_102 = arith.constant 0 : index
    %swap3A_103 = arith.constant 0 : index
    %swap3A_104 = vector.load %arg16[%swap3A_101, %swap3A_102, %swap3A_103] : memref<2x2000x32xf32, #tpu.memory_space<vmem>>, vector<1x2000x32xf32>
    %swap3A_105 = vector.shape_cast %swap3A_104 : vector<1x2000x32xf32> to vector<2000x32xf32>
    %swap3A_106 = vector.shape_cast %slice3A_100 : vector<2000x32xf32> to vector<1x2000x32xf32>
    tpu.vector_store %arg16[%swap3A_101, %swap3A_102, %swap3A_103], %swap3A_106 {strides = array<i32>} : memref<2x2000x32xf32, #tpu.memory_space<vmem>>, vector<1x2000x32xf32>,
    %dot_general3A_107 = arith.constant dense<0.000000e+00> : vector<2000x64xf32>
    %dot_general3A_108 = tpu.matmul %max3A_51, %get3A_87, %dot_general3A_107 {dimension_numbers = #tpu.dot_dimension_numbers<[1], [0], [0], [1], [0, 0, 1, 1], [], []>, transpose_lhs_hint = false} : vector<2000x64xf32>, vector<64x64xf32>, vector<2000x64xf32> -> vector<2000x64xf32>
    %add3A_109 = vector.broadcast %get3A_90 : vector<1x64xf32> to vector<2000x64xf32>
    %add3A_110 = arith.addf %dot_general3A_108, %add3A_109 : vector<2000x64xf32>
    %swap3A_111 = arith.constant 0 : index
    %swap3A_112 = arith.constant 0 : index
    %swap3A_113 = vector.load %arg18[%swap3A_111, %swap3A_112] : memref<2000x64xf32, #tpu.memory_space<vmem>>, vector<2000x64xf32>
    tpu.vector_store %arg18[%swap3A_111, %swap3A_112], %add3A_110 {strides = array<i32>} : memref<2000x64xf32, #tpu.memory_space<vmem>>, vector<2000x64xf32>,
    return
  }
  func.func @transform_0(%arg0: i32) -> (i32, i32, i32) {
    %c0_i32 = arith.constant 0 : i32
    %c0_i32_0 = arith.constant 0 : i32
    %c0_i32_1 = arith.constant 0 : i32
    return %c0_i32, %arg0, %c0_i32_0 : i32, i32, i32
  }
  func.func @transform_1(%arg0: i32) -> (i32, i32, i32) {
    %c1_i32 = arith.constant 1 : i32
    %c0_i32 = arith.constant 0 : i32
    %c0_i32_0 = arith.constant 0 : i32
    return %c1_i32, %arg0, %c0_i32 : i32, i32, i32
  }
  func.func @transform_2(%arg0: i32) -> (i32, i32, i32) {
    %c0_i32 = arith.constant 0 : i32
    %c0_i32_0 = arith.constant 0 : i32
    %c0_i32_1 = arith.constant 0 : i32
    return %c0_i32, %arg0, %c0_i32_0 : i32, i32, i32
  }
  func.func @transform_3(%arg0: i32) -> (i32, i32, i32) {
    %c1_i32 = arith.constant 1 : i32
    %c0_i32 = arith.constant 0 : i32
    %c0_i32_0 = arith.constant 0 : i32
    return %c1_i32, %arg0, %c0_i32 : i32, i32, i32
  }
  func.func @transform_4(%arg0: i32) -> (i32, i32, i32) {
    %c0_i32 = arith.constant 0 : i32
    %c0_i32_0 = arith.constant 0 : i32
    %c0_i32_1 = arith.constant 0 : i32
    return %c0_i32, %arg0, %c0_i32_0 : i32, i32, i32
  }
  func.func @transform_5(%arg0: i32) -> (i32, i32, i32) {
    %c1_i32 = arith.constant 1 : i32
    %c0_i32 = arith.constant 0 : i32
    %c0_i32_0 = arith.constant 0 : i32
    return %c1_i32, %arg0, %c0_i32 : i32, i32, i32
  }
  func.func @transform_6(%arg0: i32) -> (i32, i32) {
    %c0_i32 = arith.constant 0 : i32
    %c0_i32_0 = arith.constant 0 : i32
    return %arg0, %c0_i32 : i32, i32
  }
  func.func @transform_7(%arg0: i32) -> (i32, i32) {
    %c0_i32 = arith.constant 0 : i32
    %c0_i32_0 = arith.constant 0 : i32
    return %arg0, %c0_i32 : i32, i32
  }
  func.func @transform_8(%arg0: i32) -> (i32, i32) {
    %c0_i32 = arith.constant 0 : i32
    %c0_i32_0 = arith.constant 0 : i32
    %c0_i32_1 = arith.constant 0 : i32
    return %c0_i32, %c0_i32_0 : i32, i32
  }
  func.func @transform_9(%arg0: i32) -> (i32, i32) {
    %c0_i32 = arith.constant 0 : i32
    %c0_i32_0 = arith.constant 0 : i32
    %c0_i32_1 = arith.constant 0 : i32
    return %c0_i32, %c0_i32_0 : i32, i32
  }
  func.func @transform_10(%arg0: i32) -> (i32, i32) {
    %c0_i32 = arith.constant 0 : i32
    %c0_i32_0 = arith.constant 0 : i32
    %c0_i32_1 = arith.constant 0 : i32
    return %c0_i32, %c0_i32_0 : i32, i32
  }
  func.func @transform_11(%arg0: i32) -> (i32, i32) {
    %c0_i32 = arith.constant 0 : i32
    %c0_i32_0 = arith.constant 0 : i32
    %c0_i32_1 = arith.constant 0 : i32
    return %c0_i32, %c0_i32_0 : i32, i32
  }
  func.func @transform_12(%arg0: i32) -> (i32, i32) {
    %c0_i32 = arith.constant 0 : i32
    %c0_i32_0 = arith.constant 0 : i32
    %c0_i32_1 = arith.constant 0 : i32
    return %c0_i32, %c0_i32_0 : i32, i32
  }
  func.func @transform_13(%arg0: i32) -> (i32, i32) {
    %c0_i32 = arith.constant 0 : i32
    %c0_i32_0 = arith.constant 0 : i32
    %c0_i32_1 = arith.constant 0 : i32
    return %c0_i32, %c0_i32_0 : i32, i32
  }
  func.func @transform_14(%arg0: i32) -> (i32, i32, i32) {
    %c0_i32 = arith.constant 0 : i32
    %c0_i32_0 = arith.constant 0 : i32
    %c0_i32_1 = arith.constant 0 : i32
    return %c0_i32, %arg0, %c0_i32_0 : i32, i32, i32
  }
  func.func @transform_15(%arg0: i32) -> (i32, i32, i32) {
    %c0_i32 = arith.constant 0 : i32
    %c0_i32_0 = arith.constant 0 : i32
    %c0_i32_1 = arith.constant 0 : i32
    return %c0_i32, %arg0, %c0_i32_0 : i32, i32, i32
  }
  func.func @transform_16(%arg0: i32) -> (i32, i32) {
    %c0_i32 = arith.constant 0 : i32
    %c0_i32_0 = arith.constant 0 : i32
    return %arg0, %c0_i32 : i32, i32
  }
  func.func @transform_17(%arg0: i32) -> (i32, i32) {
    %c0_i32 = arith.constant 0 : i32
    %c0_i32_0 = arith.constant 0 : i32
    return %arg0, %c0_i32 : i32, i32
  }
}

module attributes {stable_mosaic.version = 14 : i64} {
  func.func @_comb_final_body(%arg0: i32, %arg1: memref<1x2000x32xf32, #tpu.memory_space<vmem>>, %arg2: memref<1x2000x32xf32, #tpu.memory_space<vmem>>, %arg3: memref<1x2000x32xf32, #tpu.memory_space<vmem>>, %arg4: memref<1x2000x32xf32, #tpu.memory_space<vmem>>, %arg5: memref<1x2000x16xf32, #tpu.memory_space<vmem>>, %arg6: memref<1x2000x16xf32, #tpu.memory_space<vmem>>, %arg7: memref<2000x64xf32, #tpu.memory_space<vmem>>, %arg8: memref<2000x64xf32, #tpu.memory_space<vmem>>, %arg9: memref<2000x64xf32, #tpu.memory_space<vmem>>, %arg10: memref<2000x64xf32, #tpu.memory_space<vmem>>) attributes {dimension_semantics = [#tpu.dimension_semantics<arbitrary>], iteration_bounds = array<i64: 25>, scalar_prefetch = 0 : i64, scratch_operands = 0 : i64, tpu.core_type = #tpu.core_type<tc>, window_params = [{transform_indices = @transform_0, window_bounds = array<i64: 1, 2000, 32>}, {transform_indices = @transform_1, window_bounds = array<i64: 1, 2000, 32>}, {transform_indices = @transform_2, window_bounds = array<i64: 1, 2000, 32>}, {transform_indices = @transform_3, window_bounds = array<i64: 1, 2000, 32>}, {transform_indices = @transform_4, window_bounds = array<i64: 1, 2000, 16>}, {transform_indices = @transform_5, window_bounds = array<i64: 1, 2000, 16>}, {transform_indices = @transform_6, window_bounds = array<i64: 2000, 64>}, {transform_indices = @transform_7, window_bounds = array<i64: 2000, 64>}, {transform_indices = @transform_8, window_bounds = array<i64: 2000, 64>}, {transform_indices = @transform_9, window_bounds = array<i64: 2000, 64>}]} {
    %get3A = arith.constant 0 : index
    %get3A_0 = arith.constant 0 : index
    %get3A_1 = arith.constant 0 : index
    %get3A_2 = vector.load %arg1[%get3A, %get3A_0, %get3A_1] : memref<1x2000x32xf32, #tpu.memory_space<vmem>>, vector<1x2000x32xf32>
    %get3A_3 = vector.shape_cast %get3A_2 : vector<1x2000x32xf32> to vector<2000x32xf32>
    %get3A_4 = arith.constant 0 : index
    %get3A_5 = arith.constant 0 : index
    %get3A_6 = arith.constant 0 : index
    %get3A_7 = vector.load %arg2[%get3A_4, %get3A_5, %get3A_6] : memref<1x2000x32xf32, #tpu.memory_space<vmem>>, vector<1x2000x32xf32>
    %get3A_8 = vector.shape_cast %get3A_7 : vector<1x2000x32xf32> to vector<2000x32xf32>
    %concatenate3A = tpu.concatenate %get3A_3, %get3A_8 in 1 : vector<2000x32xf32>, vector<2000x32xf32> -> vector<2000x64xf32>
    %get3A_9 = arith.constant 0 : index
    %get3A_10 = arith.constant 0 : index
    %get3A_11 = arith.constant 0 : index
    %get3A_12 = vector.load %arg5[%get3A_9, %get3A_10, %get3A_11] : memref<1x2000x16xf32, #tpu.memory_space<vmem>>, vector<1x2000x16xf32>
    %get3A_13 = vector.shape_cast %get3A_12 : vector<1x2000x16xf32> to vector<2000x16xf32>
    %slice3A = vector.extract_strided_slice %get3A_13 {offsets = [0, 0], sizes = [2000, 1], strides = [1, 1]} : vector<2000x16xf32> to vector<2000x1xf32>
    %max3A = arith.constant 1.000000e+00 : f32
    %max3A_14 = vector.broadcast %max3A : f32 to vector<2000x1xf32>
    %max3A_15 = arith.maximumf %slice3A, %max3A_14 : vector<2000x1xf32>
    %div3A = vector.broadcast %max3A_15 : vector<2000x1xf32> to vector<2000x64xf32>
    %div3A_16 = arith.divf %concatenate3A, %div3A : vector<2000x64xf32>
    %get3A_17 = arith.constant 0 : index
    %get3A_18 = arith.constant 0 : index
    %get3A_19 = vector.load %arg7[%get3A_17, %get3A_18] : memref<2000x64xf32, #tpu.memory_space<vmem>>, vector<2000x64xf32>
    %add3A = arith.addf %div3A_16, %get3A_19 : vector<2000x64xf32>
    %max3A_20 = arith.constant 0.000000e+00 : f32
    %max3A_21 = vector.broadcast %max3A_20 : f32 to vector<2000x64xf32>
    %max3A_22 = arith.maximumf %add3A, %max3A_21 : vector<2000x64xf32>
    %swap3A = arith.constant 0 : index
    %swap3A_23 = arith.constant 0 : index
    %swap3A_24 = vector.load %arg10[%swap3A, %swap3A_23] : memref<2000x64xf32, #tpu.memory_space<vmem>>, vector<2000x64xf32>
    tpu.vector_store %arg10[%swap3A, %swap3A_23], %max3A_22 {strides = array<i32>} : memref<2000x64xf32, #tpu.memory_space<vmem>>, vector<2000x64xf32>,
    %get3A_25 = arith.constant 0 : index
    %get3A_26 = arith.constant 0 : index
    %get3A_27 = arith.constant 0 : index
    %get3A_28 = vector.load %arg3[%get3A_25, %get3A_26, %get3A_27] : memref<1x2000x32xf32, #tpu.memory_space<vmem>>, vector<1x2000x32xf32>
    %get3A_29 = vector.shape_cast %get3A_28 : vector<1x2000x32xf32> to vector<2000x32xf32>
    %get3A_30 = arith.constant 0 : index
    %get3A_31 = arith.constant 0 : index
    %get3A_32 = arith.constant 0 : index
    %get3A_33 = vector.load %arg4[%get3A_30, %get3A_31, %get3A_32] : memref<1x2000x32xf32, #tpu.memory_space<vmem>>, vector<1x2000x32xf32>
    %get3A_34 = vector.shape_cast %get3A_33 : vector<1x2000x32xf32> to vector<2000x32xf32>
    %concatenate3A_35 = tpu.concatenate %get3A_29, %get3A_34 in 1 : vector<2000x32xf32>, vector<2000x32xf32> -> vector<2000x64xf32>
    %get3A_36 = arith.constant 0 : index
    %get3A_37 = arith.constant 0 : index
    %get3A_38 = arith.constant 0 : index
    %get3A_39 = vector.load %arg6[%get3A_36, %get3A_37, %get3A_38] : memref<1x2000x16xf32, #tpu.memory_space<vmem>>, vector<1x2000x16xf32>
    %get3A_40 = vector.shape_cast %get3A_39 : vector<1x2000x16xf32> to vector<2000x16xf32>
    %slice3A_41 = vector.extract_strided_slice %get3A_40 {offsets = [0, 0], sizes = [2000, 1], strides = [1, 1]} : vector<2000x16xf32> to vector<2000x1xf32>
    %max3A_42 = arith.constant 1.000000e+00 : f32
    %max3A_43 = vector.broadcast %max3A_42 : f32 to vector<2000x1xf32>
    %max3A_44 = arith.maximumf %slice3A_41, %max3A_43 : vector<2000x1xf32>
    %div3A_45 = vector.broadcast %max3A_44 : vector<2000x1xf32> to vector<2000x64xf32>
    %div3A_46 = arith.divf %concatenate3A_35, %div3A_45 : vector<2000x64xf32>
    %get3A_47 = arith.constant 0 : index
    %get3A_48 = arith.constant 0 : index
    %get3A_49 = vector.load %arg8[%get3A_47, %get3A_48] : memref<2000x64xf32, #tpu.memory_space<vmem>>, vector<2000x64xf32>
    %add3A_50 = arith.addf %div3A_46, %get3A_49 : vector<2000x64xf32>
    %max3A_51 = arith.constant 0.000000e+00 : f32
    %max3A_52 = vector.broadcast %max3A_51 : f32 to vector<2000x64xf32>
    %max3A_53 = arith.maximumf %add3A_50, %max3A_52 : vector<2000x64xf32>
    %swap3A_54 = arith.constant 0 : index
    %swap3A_55 = arith.constant 0 : index
    %swap3A_56 = vector.load %arg9[%swap3A_54, %swap3A_55] : memref<2000x64xf32, #tpu.memory_space<vmem>>, vector<2000x64xf32>
    tpu.vector_store %arg9[%swap3A_54, %swap3A_55], %max3A_53 {strides = array<i32>} : memref<2000x64xf32, #tpu.memory_space<vmem>>, vector<2000x64xf32>,
    return
  }
  func.func @transform_0(%arg0: i32) -> (i32, i32, i32) {
    %c0_i32 = arith.constant 0 : i32
    %c0_i32_0 = arith.constant 0 : i32
    %c0_i32_1 = arith.constant 0 : i32
    return %c0_i32, %arg0, %c0_i32_0 : i32, i32, i32
  }
  func.func @transform_1(%arg0: i32) -> (i32, i32, i32) {
    %c1_i32 = arith.constant 1 : i32
    %c0_i32 = arith.constant 0 : i32
    %c0_i32_0 = arith.constant 0 : i32
    return %c1_i32, %arg0, %c0_i32 : i32, i32, i32
  }
  func.func @transform_2(%arg0: i32) -> (i32, i32, i32) {
    %c0_i32 = arith.constant 0 : i32
    %c0_i32_0 = arith.constant 0 : i32
    %c0_i32_1 = arith.constant 0 : i32
    return %c0_i32, %arg0, %c0_i32_0 : i32, i32, i32
  }
  func.func @transform_3(%arg0: i32) -> (i32, i32, i32) {
    %c1_i32 = arith.constant 1 : i32
    %c0_i32 = arith.constant 0 : i32
    %c0_i32_0 = arith.constant 0 : i32
    return %c1_i32, %arg0, %c0_i32 : i32, i32, i32
  }
  func.func @transform_4(%arg0: i32) -> (i32, i32, i32) {
    %c0_i32 = arith.constant 0 : i32
    %c0_i32_0 = arith.constant 0 : i32
    %c0_i32_1 = arith.constant 0 : i32
    return %c0_i32, %arg0, %c0_i32_0 : i32, i32, i32
  }
  func.func @transform_5(%arg0: i32) -> (i32, i32, i32) {
    %c1_i32 = arith.constant 1 : i32
    %c0_i32 = arith.constant 0 : i32
    %c0_i32_0 = arith.constant 0 : i32
    return %c1_i32, %arg0, %c0_i32 : i32, i32, i32
  }
  func.func @transform_6(%arg0: i32) -> (i32, i32) {
    %c0_i32 = arith.constant 0 : i32
    %c0_i32_0 = arith.constant 0 : i32
    return %arg0, %c0_i32 : i32, i32
  }
  func.func @transform_7(%arg0: i32) -> (i32, i32) {
    %c0_i32 = arith.constant 0 : i32
    %c0_i32_0 = arith.constant 0 : i32
    return %arg0, %c0_i32 : i32, i32
  }
  func.func @transform_8(%arg0: i32) -> (i32, i32) {
    %c0_i32 = arith.constant 0 : i32
    %c0_i32_0 = arith.constant 0 : i32
    return %arg0, %c0_i32 : i32, i32
  }
  func.func @transform_9(%arg0: i32) -> (i32, i32) {
    %c0_i32 = arith.constant 0 : i32
    %c0_i32_0 = arith.constant 0 : i32
    return %arg0, %c0_i32 : i32, i32
  }
}

</mosaic_0001>

<sc_bundles>
// kernel: kernel.10.cloned.1.call-start
scs
__scs_entry_jumppad:
0x0: {  	(pc) =	sbr.rel $0x88, $3  }
0x1: {  	(tag) =	ssettag $0x0;
	lr =	simm.s32 $0x1  }
0x2: {  	[smem:$0x3F8D] =	sst lr;
	_ =	strace $0xD0000000  }
0x3: {  	_ = 	snop  }
0x4: {  	_ = 	snop  }
0x5: {  	_ = 	snop  }
0x6: {  	_ = 	snop  }
0x7: {  	_ = 	snop  }
__scs_overlays_trampoline_lowered:
0x8: {  	[smem:$0x3F9C] =	sst s0  }
0x9: {  	[smem:$0x3F9D] =	sst s1  }
0xa: {  	[smem:$0x3F9E] =	sst s2  }
0xb: {  	[smem:$0x3F9F] =	sst s3  }
0xc: {  	[smem:$0x3FA0] =	sst s4  }
0xd: {  	[smem:$0x3FA1] =	sst s5  }
0xe: {  	[smem:$0x3FA2] =	sst s6  }
0xf: {  	[smem:$0x3FA3] =	sst s7  }
0x10: {  	[smem:$0x3FA4] =	sst s8  }
0x11: {  	[smem:$0x3FA5] =	sst s9;
	s0 =	simm.s32 @!p0 $0x0  }
0x12: {  	s1 =	sld [smem:$0x3F8B];
	s0 =	simm.s32 @p0 $0x1  }
0x13: {  	[smem:$0x3FA6] =	sst s0;
	s0 =	simm.s32 @!p1 $0x0  }
0x14: {  	s2 =	sld [smem:$0x3F8A];
	s0 =	simm.s32 @p1 $0x1  }
0x15: {  	[smem:$0x3FA7] =	sst s0;
	s0 =	simm.s32 @!p2 $0x0  }
0x16: {  	s3 =	sld [smem:$0x3FDB];
	s0 =	simm.s32 @p2 $0x1  }
0x17: {  	s4 =	simm.s32 $0x1BF5;
	[smem:$0x3FA9] =	sst s0  }
0x18: {  	s0 =	sld [smem:$0x3F8C];
	_ =	swait.ge [sflag:s4], $0x0  }
0x19: {  	s7 =	sld [smem:$0x3F8D]  }
0x1a: {  	s8 =	sadd.s32 $0xFFFFE003, lr  }
0x1b: {  	s9 =	sadd.s32 $0xFFFFFEF7, lr;
	s5 =	simm.s32 $0xFFFFFFFF;
	p2 =	slt.u32 s8, $0xFFFFF086  }
0x1c: {  	p1 =	slt.u32 s9, $0xF7A;
	s5 =	simm.s32 @!p2 $0x0  }
0x1d: {  	s5 =	simm.s32 @p1 $0x1;
	p0 =	seq.s32 s7, s2  }
0x1e: {  	s7 =	smul.u32 @!p0 $0xF7A, s2;
	p2 =	seq.s32 @!p0 s5, $0x0  }
0x1f: {  	s9 =	smul.u32 $0xF7A, s1;
	s8 =	simm.s32 @!p0 $0x1BF5;
	p2 =	por !p2, p0  }
0x20: {  	[sflag:s8] =	ssyncset.s32 @!p0 $0xFFFFF086;
	s6 =	sadd.s32 @!p0 s3, s7;
	s7 =	simm.s32 @!p0 $0x108  }
0x21: {  	s3 =	sadd.s32 s3, s9;
	s6 =	sadd.s32 @!p0 $0x88, s6;
	s7 =	simm.s32 @p2 $0x1082  }
0x22: {  	[simem:s7], [sflag:s8] =	dma.local @!p0 [hbm:s6], $0xF7A  }
0x23: {  	s9 =	sor.u32 $0xD0000000, s2;
	s6 =	simm.s32 $0x108;
	_ =	swait.ge @!p0 [sflag:s8], $0x0  }
0x24: {  	s3 =	sadd.s32 $0x88, s3;
	s6 =	simm.s32 @!p1 $0x1082;
	[sflag:s4] =	ssyncset.s32 $0xFFFFF086  }
0x25: {  	[simem:s6], [sflag:s4] =	dma.local [hbm:s3], $0xF7A  }
0x26: {  	[smem:$0x3F8D] =	sst s1;
	(tag) =	ssettag s2;
	_ =	strace s9  }
0x27: {  	s1 =	sld [smem:$0x3F9D]  }
0x28: {  	s2 =	sld [smem:$0x3F9E]  }
0x29: {  	s4 =	sld [smem:$0x3FA0]  }
0x2a: {  	p0 =	seq.s32 s5, $0x0;
	s5 =	sld [smem:$0x3FA1]  }
0x2b: {  	s6 =	sld [smem:$0x3FA2]  }
0x2c: {  	s7 =	sld [smem:$0x3FA3]  }
0x2d: {  	s3 =	simm.s32 $0x108;
	s8 =	sld [smem:$0x3FA4]  }
0x2e: {  	s3 =	simm.s32 @!p0 $0x1082;
	s9 =	sld [smem:$0x3FA5]  }
0x2f: {  	lr =	sadd.s32 s0, s3;
	s0 =	sld [smem:$0x3F9C]  }
0x30: {  	s3 =	sld [smem:$0x3F9F]  }
0x31: {  	[smem:$0x3FA8] =	sst s10  }
0x32: {  	s10 =	sld [smem:$0x3FA6];
	_ =	sdelay $0x3  }
0x33: {  	p0 =	seq.s32 s10, $0x1;
	s10 =	sld [smem:$0x3FA8];
	_ =	sdelay $0x3  }
0x34: {  	[smem:$0x3FA8] =	sst s10  }
0x35: {  	s10 =	sld [smem:$0x3FA7];
	_ =	sdelay $0x3  }
0x36: {  	p1 =	seq.s32 s10, $0x1;
	s10 =	sld [smem:$0x3FA8];
	_ =	sdelay $0x3  }
0x37: {  	[smem:$0x3FA8] =	sst s10  }
0x38: {  	s10 =	sld [smem:$0x3FA9]  }
0x39: {  	_ = 	snop;
	(pc) =	sbr.ind lr, $3  }
0x3a: {  	_ = 	snop  }
0x3b: {  	_ = 	snop  }
0x3c: {  	p2 =	seq.s32 s10, $0x1;
	s10 =	sld [smem:$0x3FA8]  }
0x3d: {  	_ =	shalt  }
0x3e: {  	_ =	shalt  }
0x3f: {  	_ =	shalt  }
0x40: {  	_ =	shalt  }
0x41: {  	_ =	shalt  }
0x42: {  	_ =	shalt  }
0x43: {  	_ =	shalt  }
0x44: {  	_ =	shalt  }
0x45: {  	_ =	shalt  }
0x46: {  	_ =	shalt  }
0x47: {  	_ =	shalt  }
0x48: {  	_ =	shalt  }
0x49: {  	_ =	shalt  }
0x4a: {  	_ =	shalt  }
0x4b: {  	_ =	shalt  }
0x4c: {  	_ =	shalt  }
0x4d: {  	_ =	shalt  }
0x4e: {  	_ =	shalt  }
0x4f: {  	_ =	shalt  }
0x50: {  	_ =	shalt  }
0x51: {  	_ =	shalt  }
0x52: {  	_ =	shalt  }
0x53: {  	_ =	shalt  }
0x54: {  	_ =	shalt  }
0x55: {  	_ =	shalt  }
0x56: {  	_ =	shalt  }
0x57: {  	_ =	shalt  }
0x58: {  	_ =	shalt  }
0x59: {  	_ =	shalt  }
0x5a: {  	_ =	shalt  }
0x5b: {  	_ =	shalt  }
0x5c: {  	_ =	shalt  }
0x5d: {  	_ =	shalt  }
0x5e: {  	_ =	shalt  }
0x5f: {  	_ =	shalt  }
0x60: {  	_ =	shalt  }
0x61: {  	_ =	shalt  }
0x62: {  	_ =	shalt  }
0x63: {  	_ =	shalt  }
0x64: {  	_ =	shalt  }
0x65: {  	_ =	shalt  }
0x66: {  	_ =	shalt  }
0x67: {  	_ =	shalt  }
0x68: {  	_ =	shalt  }
0x69: {  	_ =	shalt  }
0x6a: {  	_ =	shalt  }
0x6b: {  	_ =	shalt  }
0x6c: {  	_ =	shalt  }
0x6d: {  	_ =	shalt  }
0x6e: {  	_ =	shalt  }
0x6f: {  	_ =	shalt  }
0x70: {  	_ =	shalt  }
0x71: {  	_ =	shalt  }
0x72: {  	_ =	shalt  }
0x73: {  	_ =	shalt  }
0x74: {  	_ =	shalt  }
0x75: {  	_ =	shalt  }
0x76: {  	_ =	shalt  }
0x77: {  	_ =	shalt  }
0x78: {  	_ =	shalt  }
0x79: {  	_ =	shalt  }
0x7a: {  	_ =	shalt  }
0x7b: {  	_ =	shalt  }
0x7c: {  	_ =	shalt  }
0x7d: {  	_ =	shalt  }
0x7e: {  	_ =	shalt  }
0x7f: {  	_ =	shalt  }
0x80: {  	_ =	shalt  }
0x81: {  	_ =	shalt  }
0x82: {  	_ =	shalt  }
0x83: {  	_ =	shalt  }
0x84: {  	_ =	shalt  }
0x85: {  	_ =	shalt  }
0x86: {  	_ =	shalt  }
0x87: {  	_ =	shalt  }
.Lfunc_end0:
.L_simem_size_0:
called_computation_lowered:
.L_overlay_start_0:
0x88: {  	s2 =	sld [smem:$0x3FD9]  }
0x89: {  	s3 =	sld [smem:$0x3FFE];
	_ =	sdelay $0x1  }
0x8a: {  	s1 =	srdreg.scid  }
0x8b: {  	s0 =	sand.u32 $0x1, s1  }
0x8c: {  	s16 =	sshll.u32 s0, $0xA;
	s2 =	sadd.s32 s3, s2  }
0x8d: {  	s2 =	sadd.s32 s2, s16  }
0x8e: {  	[smem:$0x3FB4] =	sst s2  }
0x8f: {  	_ = 	snop  }
0x90: {  	(tm) =	ssettm $0x1  }
0x91: {  	s17 =	sld [smem:$0x3FFB];
	_ =	sdelay $0x3  }
0x92: {  	_ =	strace s17  }
0x93: {  	s2 =	sld [smem:$0x3FFC];
	_ =	sdelay $0x3  }
0x94: {  	_ =	strace s2  }
0x95: {  	s2 =	sld [smem:$0x3FFD];
	_ =	sdelay $0x3  }
0x96: {  	_ =	strace s2  }
0x97: {  	_ =	strace $0x8FFFFFFF  }
0x98: {  	s18 =	sld [smem:$0x3FDB];
	_ =	sdelay $0x1  }
0x99: {  	s19 =	simm.s32 $_scs_section_size  }
0x9a: {  	s4 =	simm.s32 $_size__tile_overlayer_lowered;
	s5 =	simm.s32 $_tile_overlayer_lowered  }
0x9b: {  	s22 =	simm.s32 $0x1BFF;
	s21 =	sshll.u32 s5, $0x1;
	s2 =	sadd.s32 s19, s18  }
0x9c: {  	s6 =	simm.s32 $0x0;
	s20 =	sshll.u32 s4, $0x1;
	s4 =	sadd.s32 s21, s2  }
0x9d: {  	[timem:s6], [sflag:s22] =	dma.local [hbm:s4], s20  }
0x9e: {  	_ =	swait.ge [sflag:s22], s20  }
0x9f: {  	s3 =	ssub.s32 $0x0, s20;
	[sflag:s22] =	ssyncset.done $0x0  }
0xa0: {  	[sflag:s22] =	ssyncadd.s32 s3;
	_ =	sdelay $0x1  }
0xa1: {  	s23 =	simm.s32 $0x1B8B  }
0xa2: {  	_ =	swait.ge [sflag:s23], $0x1  }
0xa3: {  	[sflag:s23] =	ssyncset.done $0x0  }
0xa4: {  	s25 =	simm.s32 $0x1B8E;
	s24 =	sld [smem:$0x3FFE];
	[sflag:s23] =	ssyncadd.s32 $0xFFFFFFFF  }
0xa5: {  	s26 =	simm.s32 $execute0_lowered;
	[smem:$0x3FD2] =	sst s25  }
0xa6: {  	s4 =	sshll.u32 s26, $0x1;
	_ =	strace $0x80000046;
	[dreg:$0x1] =	wrdreg $0xFFFFFFFF  }
0xa7: {  	s28 =	simm.s32 $_size_execute0_lowered;
	s2 =	sadd.s32 s2, s4;
	[dreg:$0x0] =	wrdreg $0x0  }
0xa8: {  	s4 =	sshll.u32 s28, $0x1;
	[dreg:$0x2] =	wrdreg s2  }
0xa9: {  	[dreg:$0x3] =	wrdreg s4  }
0xaa: {  	[dreg:$0x4] =	wrdreg $0xC0  }
0xab: {  	_ =	task [dreg:s6], $0x5FFFF  }
0xac: {  	[dreg:$0x1] =	wrdreg $0xFFFFFFFF  }
0xad: {  	[dreg:$0x0] =	wrdreg $0x60  }
0xae: {  	[dreg:$0x2] =	wrdreg s24  }
0xaf: {  	[dreg:$0x3] =	wrdreg $0x5500  }
0xb0: {  	[dreg:$0x4] =	wrdreg $0x9  }
0xb1: {  	_ =	task.clear_ibuf [dreg:s6], $0x5FFFF;
	_ =	strace $0x90000046  }
0xb2: {  	s29 =	simm.s32 $0x9;
	_ =	strace $0x80000048  }
0xb3: {  	_ =	swait.ge [sflag:s29], $0x1  }
0xb4: {  	[sflag:s29] =	ssyncadd.s32 $0xFFFFFFFF  }
0xb5: {  	_ =	strace $0x90000048  }
0xb6: {  	_ =	sfence  }
0xb7: {  	s30 =	sld [smem:$0x0];
	_ =	sdelay $0x2  }
0xb8: {  	s31 =	sshll.u32 s1, $0xD;
	s1 =	sshrl.u32 s1, $0x2  }
0xb9: {  	s3 =	sand.u32 $0x4000, s31;
	s1 =	sadd.s32 s1, s30  }
0xba: {  	s0 =	sor.u32 s3, s0;
	s1 =	sshll.u32 s1, $0x11  }
0xbb: {  	s0 =	sor.u32 s1, s0  }
0xbc: {  	s0 =	sadd.s32 $0x8F2B, s0  }
0xbd: {  	[sflag:s0] =	ssyncadd.remote.s32 $0x1  }
0xbe: {  	_ =	sfence.sel $0xFFFF  }
0xbf: {  	[dreg:$0x0] =	wrdreg $0xFFFFFFFF;
	(pc) =	sbr.abs _section_cstart, $3  }
0xc0: {  	[dreg:$0x1] =	wrdreg $0xFFFFFFFF  }
0xc1: {  	_ =	task.clear_ibuf [dreg:s6], $0x2FFFF;
	_ =	strace $0x9FFFFFFF  }
0xc2: {  	(tm) =	ssettm $0x7FFFFFFF  }
0xc3: {  	_ =	shalt  }
tec
execute0_lowered:
.L_overlay_start_1:
0x0: {  	(tag) =	ssettag $0x1  }
0x1: {  	s0 =	srdreg.scid;
	s6 =	rddreg [dreg:$0x0]  }
0x2: {  	s2 =	rddreg [dreg:$0x1];
	s5 =	sand.u32 $0x1, s0  }
0x3: {  	s0 =	stileid.u32;
	s4 =	smul.u32 $0xC3500, s5  }
0x4: {  	s1 =	rddreg [dreg:$0x2];
	s7 =	smul.u32 $0xC350, s0  }
0x5: {  	s3 =	simm.s32 $0x0;
	s12 =	simm.s32 $0x50;
	s26 =	smul.u32 $0x1870, s0  }
0x6: {  	s13 =	simm.s32 $0x0;
	[smem:$0x7FF] =	sst s3;
	s8 =	smul.u32 $0x18700, s5  }
0x7: {  	_ =	strace $0x80000047;
	s28 =	ssub.s32 $0x2, s5;
	s10 =	smul.u32 $0x30E00, s0  }
0x8: {  	s5 =	sadd.s32 $0x95C00, s6;
	s31 =	sshll.u32 s0, $0x6;
	s29 =	sshrl.u32 s28, $0x1  }
0x9: {  	s4 =	sadd.s32 s7, s4;
	s7 =	sadd.s32 s26, s8;
	s8 =	ssub.s32 s28, s29  }
0xa: {  	s30 =	sshrl.u32 s10, $0x2;
	s4 =	sshrl.u32 s4, $0x3;
	s7 =	sadd.s32 s7, s6  }
0xb: {  	s11 =	sadd.s32 s30, s2;
	s8 =	smax.u32 s8, $0x1;
	s9 =	sadd.s32 s4, s6  }
0xc: {  	s4 =	sadd.s32 $0x95A00, s6;
	s6 =	sor.u32 $0x1C01, s31;
	s7 =	sadd.s32 $0x97600, s7  }
0xd: {  	s10 =	sshrl.u32 s11, $0x3;
	s11 =	simm.s32 $0x1;
	s9 =	sadd.s32 $0x64C00, s9  }
.LBB2_1:
0xe: {  	[spmem:s10], [sflag:s6] =	dma.local [hbm:s5], $0x1870  }
0xf: {  	_ =	swait.ge [sflag:s11], $0x1870  }
0x10: {  	[sflag:s11] =	ssyncset.done $0x0  }
0x11: {  	[sflag:s11] =	ssyncadd.s32 $0xFFFFE790  }
0x12: {  	[tilespmem:s12], [sflag:$0x1] =	stream.linear.gather [hbm4b:s4+s3], $0x500, $0x38;
	[tilespmem:$0xC8D0] =	vst v63  }
0x13: {  	_ =	swait.ge [sflag:s11], $0x500  }
0x14: {  	[sflag:s11] =	ssyncset.done $0x0  }
0x15: {  	[sflag:s11] =	ssyncadd.s32 $0xFFFFFB00  }
0x16: {  	s14 =	sadd.s32 $0x0, s9;
	[bflag:$0x0] =	sbarrier.arrive $0xFFFF  }
0x17: {  	[tilespmem:s3], [sflag:$0x1] =	stream.linear.gather [hbm4b:s14+s3], $0x50, $0x38;
	[tilespmem:$0xC8D0] =	vst v63  }
0x18: {  	_ =	swait.ge [sflag:s11], $0x50  }
0x19: {  	[sflag:s11] =	ssyncset.done $0x0  }
0x1a: {  	[sflag:s11] =	ssyncadd.s32 $0xFFFFFFB0  }
0x1b: {  	[spmem:s2] =	stream.indirect.scatter.add.f32 [tilespmem:s12], [sflag:$0x1], $0x10, s3, s12, $0xb8;
	[tilespmem:$0xC8D0] =	vst v63  }
0x1c: {  	_ =	swait.ge [sflag:s11], $0x500  }
0x1d: {  	s15 =	simm.s32 $0x14;
	s14 =	simm.s32 $0xA;
	[sflag:s11] =	ssyncset.done $0x0  }
.LBB2_2:
0x1e: {  	s16 =	sadd.s32 s14, s9  }
0x1f: {  	[sflag:s11] =	ssyncadd.s32 $0xFFFFFB00;
	s14 =	smov.u32 s15;
	s17 =	sadd.s32 $0xA, s15  }
0x20: {  	[tilespmem:s3], [sflag:$0x1] =	stream.linear.gather [hbm4b:s16+s3], $0x50, $0x38;
	[tilespmem:$0xC8D0] =	vst v63  }
0x21: {  	p0 =	sne.s32 s15, $0x1860;
	_ =	swait.ge [sflag:s11], $0x50  }
.Ltmp0:
0x22: {  	[sflag:s11] =	ssyncset.done $0x0;
	(pc) =	sbr.rel @p0 .LBB2_2-.Ltmp0, $4  }
0x23: {  	[sflag:s11] =	ssyncadd.s32 $0xFFFFFFB0  }
0x24: {  	[spmem:s2] =	stream.indirect.scatter.add.f32 [tilespmem:s12], [sflag:$0x1], $0x10, s3, s12, $0xb8;
	[tilespmem:$0xC8D0] =	vst v63  }
0x25: {  	_ =	swait.ge [sflag:s11], $0x500  }
0x26: {  	s15 =	smov.u32 s17;
	[sflag:s11] =	ssyncset.done $0x0  }
0x27: {  	s14 =	sadd.s32 s14, s9;
	[sflag:s11] =	ssyncadd.s32 $0xFFFFFB00  }
0x28: {  	[tilespmem:s3], [sflag:$0x1] =	stream.linear.gather [hbm4b:s14+s3], $0x50, $0x38;
	[tilespmem:$0xC8D0] =	vst v63  }
0x29: {  	_ =	swait.ge [sflag:s11], $0x50  }
0x2a: {  	[sflag:s11] =	ssyncset.done $0x0  }
0x2b: {  	[sflag:s11] =	ssyncadd.s32 $0xFFFFFFB0  }
0x2c: {  	[spmem:s2] =	stream.indirect.scatter.add.f32 [tilespmem:s12], [sflag:$0x1], $0x10, s3, s12, $0xb8;
	[tilespmem:$0xC8D0] =	vst v63  }
0x2d: {  	_ =	swait.ge [sflag:s11], $0x500  }
0x2e: {  	s13 =	sadd.s32 $0x1, s13;
	[sflag:s11] =	ssyncset.done $0x0  }
0x2f: {  	p0 =	sne.s32 s13, s8;
	[sflag:s11] =	ssyncadd.s32 $0xFFFFFB00  }
.Ltmp1:
0x30: {  	[bflag:$0x0] =	sbarrier.arrive $0xFFFF;
	(pc) =	sbr.rel @p0 .LBB2_1-.Ltmp1, $4  }
0x31: {  	[hbm:s7], [sflag:s6] =	dma.local [spmem:s10], $0x1870  }
0x32: {  	_ =	swait.ge [sflag:s11], $0x1870  }
0x33: {  	[sflag:s11] =	ssyncset.done $0x0  }
0x34: {  	[sflag:s11] =	ssyncadd.s32 $0xFFFFE790  }
0x35: {  	_ =	sfence.sel $0x180000  }
0x36: {  	[bflag:$0x0] =	sbarrier.arrive $0xFFFF  }
0x37: {  	p0 =	sne.s32 s0, $0x0;
	_ =	strace $0x90000047  }
0x38: {  	s0 =	sadd.s32 @!p0 $0x100000, s1;
	[bflag:$0x2] =	sbarrier.arrive $0xFFFF  }
0x39: {  	[sflag:s0] =	ssyncadd.tile.s32 @!p0 $0x1;
	_ =	shalt  }
.Lfunc_end2:
_tile_overlayer_lowered:
.L_overlay_start_2:
0x3a: {  	(tag) =	ssettag $0x2  }
0x3b: {  	s0 =	rddreg [dreg:$0x0];
	s2 =	stileid.u32  }
0x3c: {  	s1 =	rddreg [dreg:$0x1];
	p0 =	sne.s32 s2, $0x0  }
0x3d: {  	s3 =	rddreg [dreg:$0x2];
	[bflag:$0x3] =	sbarrier.arrive $0xFFFF;
	s2 =	simm.s32 @!p0 $0x1C01  }
0x3e: {  	[timem:s3], [sflag:s2] =	dma.local @!p0 [hbm:s0], s1  }
0x3f: {  	s0 =	simm.s32 @!p0 $0x1  }
0x40: {  	_ =	swait.ge @!p0 [sflag:s0], s1  }
0x41: {  	s1 =	ssub.s32 @!p0 $0x0, s1;
	[sflag:s0] =	ssyncset.done @!p0 $0x0  }
0x42: {  	[sflag:s0] =	ssyncadd.s32 @!p0 s1  }
0x43: {  	[bflag:$0x3] =	sbarrier.arrive $0xFFFF  }
0x44: {  	_ =	shalt  }

// kernel: kernel.13.cloned.1.call-start
scs
__scs_entry_jumppad:
0x0: {  	(pc) =	sbr.rel $0x88, $3  }
0x1: {  	(tag) =	ssettag $0x0;
	lr =	simm.s32 $0x1  }
0x2: {  	[smem:$0x3F8D] =	sst lr;
	_ =	strace $0xD0000000  }
0x3: {  	_ = 	snop  }
0x4: {  	_ = 	snop  }
0x5: {  	_ = 	snop  }
0x6: {  	_ = 	snop  }
0x7: {  	_ = 	snop  }
__scs_overlays_trampoline_lowered:
0x8: {  	[smem:$0x3F9C] =	sst s0  }
0x9: {  	[smem:$0x3F9D] =	sst s1  }
0xa: {  	[smem:$0x3F9E] =	sst s2  }
0xb: {  	[smem:$0x3F9F] =	sst s3  }
0xc: {  	[smem:$0x3FA0] =	sst s4  }
0xd: {  	[smem:$0x3FA1] =	sst s5  }
0xe: {  	[smem:$0x3FA2] =	sst s6  }
0xf: {  	[smem:$0x3FA3] =	sst s7  }
0x10: {  	[smem:$0x3FA4] =	sst s8  }
0x11: {  	[smem:$0x3FA5] =	sst s9;
	s0 =	simm.s32 @!p0 $0x0  }
0x12: {  	s1 =	sld [smem:$0x3F8B];
	s0 =	simm.s32 @p0 $0x1  }
0x13: {  	[smem:$0x3FA6] =	sst s0;
	s0 =	simm.s32 @!p1 $0x0  }
0x14: {  	s2 =	sld [smem:$0x3F8A];
	s0 =	simm.s32 @p1 $0x1  }
0x15: {  	[smem:$0x3FA7] =	sst s0;
	s0 =	simm.s32 @!p2 $0x0  }
0x16: {  	s3 =	sld [smem:$0x3FDB];
	s0 =	simm.s32 @p2 $0x1  }
0x17: {  	s4 =	simm.s32 $0x1BF5;
	[smem:$0x3FA9] =	sst s0  }
0x18: {  	s0 =	sld [smem:$0x3F8C];
	_ =	swait.ge [sflag:s4], $0x0  }
0x19: {  	s7 =	sld [smem:$0x3F8D]  }
0x1a: {  	s8 =	sadd.s32 $0xFFFFE003, lr  }
0x1b: {  	s9 =	sadd.s32 $0xFFFFFEF7, lr;
	s5 =	simm.s32 $0xFFFFFFFF;
	p2 =	slt.u32 s8, $0xFFFFF086  }
0x1c: {  	p1 =	slt.u32 s9, $0xF7A;
	s5 =	simm.s32 @!p2 $0x0  }
0x1d: {  	s5 =	simm.s32 @p1 $0x1;
	p0 =	seq.s32 s7, s2  }
0x1e: {  	s7 =	smul.u32 @!p0 $0xF7A, s2;
	p2 =	seq.s32 @!p0 s5, $0x0  }
0x1f: {  	s9 =	smul.u32 $0xF7A, s1;
	s8 =	simm.s32 @!p0 $0x1BF5;
	p2 =	por !p2, p0  }
0x20: {  	[sflag:s8] =	ssyncset.s32 @!p0 $0xFFFFF086;
	s6 =	sadd.s32 @!p0 s3, s7;
	s7 =	simm.s32 @!p0 $0x108  }
0x21: {  	s3 =	sadd.s32 s3, s9;
	s6 =	sadd.s32 @!p0 $0x88, s6;
	s7 =	simm.s32 @p2 $0x1082  }
0x22: {  	[simem:s7], [sflag:s8] =	dma.local @!p0 [hbm:s6], $0xF7A  }
0x23: {  	s9 =	sor.u32 $0xD0000000, s2;
	s6 =	simm.s32 $0x108;
	_ =	swait.ge @!p0 [sflag:s8], $0x0  }
0x24: {  	s3 =	sadd.s32 $0x88, s3;
	s6 =	simm.s32 @!p1 $0x1082;
	[sflag:s4] =	ssyncset.s32 $0xFFFFF086  }
0x25: {  	[simem:s6], [sflag:s4] =	dma.local [hbm:s3], $0xF7A  }
0x26: {  	[smem:$0x3F8D] =	sst s1;
	(tag) =	ssettag s2;
	_ =	strace s9  }
0x27: {  	s1 =	sld [smem:$0x3F9D]  }
0x28: {  	s2 =	sld [smem:$0x3F9E]  }
0x29: {  	s4 =	sld [smem:$0x3FA0]  }
0x2a: {  	p0 =	seq.s32 s5, $0x0;
	s5 =	sld [smem:$0x3FA1]  }
0x2b: {  	s6 =	sld [smem:$0x3FA2]  }
0x2c: {  	s7 =	sld [smem:$0x3FA3]  }
0x2d: {  	s3 =	simm.s32 $0x108;
	s8 =	sld [smem:$0x3FA4]  }
0x2e: {  	s3 =	simm.s32 @!p0 $0x1082;
	s9 =	sld [smem:$0x3FA5]  }
0x2f: {  	lr =	sadd.s32 s0, s3;
	s0 =	sld [smem:$0x3F9C]  }
0x30: {  	s3 =	sld [smem:$0x3F9F]  }
0x31: {  	[smem:$0x3FA8] =	sst s10  }
0x32: {  	s10 =	sld [smem:$0x3FA6];
	_ =	sdelay $0x3  }
0x33: {  	p0 =	seq.s32 s10, $0x1;
	s10 =	sld [smem:$0x3FA8];
	_ =	sdelay $0x3  }
0x34: {  	[smem:$0x3FA8] =	sst s10  }
0x35: {  	s10 =	sld [smem:$0x3FA7];
	_ =	sdelay $0x3  }
0x36: {  	p1 =	seq.s32 s10, $0x1;
	s10 =	sld [smem:$0x3FA8];
	_ =	sdelay $0x3  }
0x37: {  	[smem:$0x3FA8] =	sst s10  }
0x38: {  	s10 =	sld [smem:$0x3FA9]  }
0x39: {  	_ = 	snop;
	(pc) =	sbr.ind lr, $3  }
0x3a: {  	_ = 	snop  }
0x3b: {  	_ = 	snop  }
0x3c: {  	p2 =	seq.s32 s10, $0x1;
	s10 =	sld [smem:$0x3FA8]  }
0x3d: {  	_ =	shalt  }
0x3e: {  	_ =	shalt  }
0x3f: {  	_ =	shalt  }
0x40: {  	_ =	shalt  }
0x41: {  	_ =	shalt  }
0x42: {  	_ =	shalt  }
0x43: {  	_ =	shalt  }
0x44: {  	_ =	shalt  }
0x45: {  	_ =	shalt  }
0x46: {  	_ =	shalt  }
0x47: {  	_ =	shalt  }
0x48: {  	_ =	shalt  }
0x49: {  	_ =	shalt  }
0x4a: {  	_ =	shalt  }
0x4b: {  	_ =	shalt  }
0x4c: {  	_ =	shalt  }
0x4d: {  	_ =	shalt  }
0x4e: {  	_ =	shalt  }
0x4f: {  	_ =	shalt  }
0x50: {  	_ =	shalt  }
0x51: {  	_ =	shalt  }
0x52: {  	_ =	shalt  }
0x53: {  	_ =	shalt  }
0x54: {  	_ =	shalt  }
0x55: {  	_ =	shalt  }
0x56: {  	_ =	shalt  }
0x57: {  	_ =	shalt  }
0x58: {  	_ =	shalt  }
0x59: {  	_ =	shalt  }
0x5a: {  	_ =	shalt  }
0x5b: {  	_ =	shalt  }
0x5c: {  	_ =	shalt  }
0x5d: {  	_ =	shalt  }
0x5e: {  	_ =	shalt  }
0x5f: {  	_ =	shalt  }
0x60: {  	_ =	shalt  }
0x61: {  	_ =	shalt  }
0x62: {  	_ =	shalt  }
0x63: {  	_ =	shalt  }
0x64: {  	_ =	shalt  }
0x65: {  	_ =	shalt  }
0x66: {  	_ =	shalt  }
0x67: {  	_ =	shalt  }
0x68: {  	_ =	shalt  }
0x69: {  	_ =	shalt  }
0x6a: {  	_ =	shalt  }
0x6b: {  	_ =	shalt  }
0x6c: {  	_ =	shalt  }
0x6d: {  	_ =	shalt  }
0x6e: {  	_ =	shalt  }
0x6f: {  	_ =	shalt  }
0x70: {  	_ =	shalt  }
0x71: {  	_ =	shalt  }
0x72: {  	_ =	shalt  }
0x73: {  	_ =	shalt  }
0x74: {  	_ =	shalt  }
0x75: {  	_ =	shalt  }
0x76: {  	_ =	shalt  }
0x77: {  	_ =	shalt  }
0x78: {  	_ =	shalt  }
0x79: {  	_ =	shalt  }
0x7a: {  	_ =	shalt  }
0x7b: {  	_ =	shalt  }
0x7c: {  	_ =	shalt  }
0x7d: {  	_ =	shalt  }
0x7e: {  	_ =	shalt  }
0x7f: {  	_ =	shalt  }
0x80: {  	_ =	shalt  }
0x81: {  	_ =	shalt  }
0x82: {  	_ =	shalt  }
0x83: {  	_ =	shalt  }
0x84: {  	_ =	shalt  }
0x85: {  	_ =	shalt  }
0x86: {  	_ =	shalt  }
0x87: {  	_ =	shalt  }
.Lfunc_end0:
.L_simem_size_0:
called_computation.1_lowered:
.L_overlay_start_0:
0x88: {  	s2 =	sld [smem:$0x3FD9]  }
0x89: {  	s3 =	sld [smem:$0x3FFE];
	_ =	sdelay $0x1  }
0x8a: {  	s1 =	srdreg.scid  }
0x8b: {  	s0 =	sand.u32 $0x1, s1  }
0x8c: {  	s15 =	sshll.u32 s0, $0xA;
	s2 =	sadd.s32 s3, s2  }
0x8d: {  	s2 =	sadd.s32 s2, s15  }
0x8e: {  	[smem:$0x3FB4] =	sst s2  }
0x8f: {  	_ = 	snop  }
0x90: {  	s2 =	sld [smem:$0x3FD0];
	_ =	sdelay $0x2  }
0x91: {  	s16 =	simm.s32 $0xC;
	s4 =	simm.s32 $0x10  }
0x92: {  	[smem:s4], [sflag:s16] =	dma.local [hbm:s2], $0x1  }
0x93: {  	_ =	swait.eq [sflag:s16], $0x1  }
0x94: {  	[sflag:s16] =	ssyncset.done $0x0  }
0x95: {  	[sflag:s16] =	ssyncadd.s32 $0xFFFFFFFF  }
0x96: {  	s17 =	sld [smem:$0x10];
	(tm) =	ssettm $0x1  }
0x97: {  	s18 =	sld [smem:$0x3FFB];
	_ =	sdelay $0x3  }
0x98: {  	_ =	strace s18  }
0x99: {  	s2 =	sld [smem:$0x3FFC];
	_ =	sdelay $0x3  }
0x9a: {  	_ =	strace s2  }
0x9b: {  	s2 =	sld [smem:$0x3FFD];
	_ =	sdelay $0x3  }
0x9c: {  	_ =	strace s2  }
0x9d: {  	_ =	strace $0x8FFFFFFF  }
0x9e: {  	s19 =	sld [smem:$0x3FDB];
	_ =	sdelay $0x1  }
0x9f: {  	s20 =	simm.s32 $_scs_section_size  }
0xa0: {  	s5 =	simm.s32 $_size__tile_overlayer_lowered;
	s6 =	simm.s32 $_tile_overlayer_lowered  }
0xa1: {  	s7 =	simm.s32 $0x1BFF;
	s21 =	sshll.u32 s6, $0x1;
	s4 =	sadd.s32 s20, s19  }
0xa2: {  	s22 =	simm.s32 $0x0;
	s5 =	sshll.u32 s5, $0x1;
	s6 =	sadd.s32 s21, s4  }
0xa3: {  	[timem:s22], [sflag:s7] =	dma.local [hbm:s6], s5  }
0xa4: {  	_ =	swait.ge [sflag:s7], s5  }
0xa5: {  	s5 =	ssub.s32 $0x0, s5;
	[sflag:s7] =	ssyncset.done $0x0  }
0xa6: {  	[sflag:s7] =	ssyncadd.s32 s5;
	_ =	sdelay $0x1  }
0xa7: {  	s23 =	simm.s32 $0x1B8B  }
0xa8: {  	_ =	swait.ge [sflag:s23], $0x1  }
0xa9: {  	[sflag:s23] =	ssyncset.done $0x0  }
0xaa: {  	[sflag:s23] =	ssyncadd.s32 $0xFFFFFFFF  }
0xab: {  	s5 =	sld [smem:$0x0]  }
0xac: {  	s6 =	sand.u32 $0xFFFFFFFE, s1  }
0xad: {  	p0 =	sne.s32 s1, s6  }
0xae: {  	s6 =	sshll.u32 @p0 s6, $0xE  }
0xaf: {  	s6 =	sadd.s32 @p0 $0x11B8D, s6;
	s7 =	sshll.u32 @p0 s5, $0x11  }
0xb0: {  	s6 =	sor.u32 @p0 s7, s6  }
0xb1: {  	[sflag:s6] =	ssyncadd.remote.s32 @p0 $0x1;
	_ =	sdelay $0x1  }
0xb2: {  	s6 =	simm.s32 @p0 $0x1B8D  }
0xb3: {  	_ =	swait.eq @p0 [sflag:s6], $0x1  }
0xb4: {  	[sflag:s6] =	ssyncadd.s32 @p0 $0xFFFFFFFF  }
0xb5: {  	s7 =	sshll.u32 @!p0 s1, $0xE  }
0xb6: {  	s7 =	sor.u32 @!p0 $0x4000, s7;
	s6 =	simm.s32 @!p0 $0x1B8D  }
0xb7: {  	s5 =	sshll.u32 @!p0 s5, $0x11;
	s7 =	sadd.s32 @!p0 $0x11B8D, s7;
	_ =	swait.eq @!p0 [sflag:s6], $0x1  }
0xb8: {  	s5 =	sor.u32 @!p0 s5, s7;
	[sflag:s6] =	ssyncadd.s32 @!p0 $0xFFFFFFFF  }
0xb9: {  	s25 =	simm.s32 $0x1B8E;
	s24 =	sld [smem:$0x3FFE];
	[sflag:s5] =	ssyncadd.remote.s32 @!p0 $0x1  }
0xba: {  	s26 =	simm.s32 $execute0_lowered;
	[smem:$0x3FD2] =	sst s25  }
0xbb: {  	s6 =	sshll.u32 s26, $0x1;
	_ =	strace $0x80000049;
	[dreg:$0x1] =	wrdreg $0xFFFFFFFF  }
0xbc: {  	s28 =	simm.s32 $_size_execute0_lowered;
	s4 =	sadd.s32 s4, s6;
	[dreg:$0x0] =	wrdreg $0x0  }
0xbd: {  	s6 =	sshll.u32 s28, $0x1;
	[dreg:$0x2] =	wrdreg s4  }
0xbe: {  	[dreg:$0x3] =	wrdreg s6  }
0xbf: {  	[dreg:$0x4] =	wrdreg $0xC0  }
0xc0: {  	_ =	task [dreg:s22], $0x5FFFF  }
0xc1: {  	[dreg:$0x1] =	wrdreg $0xFFFFFFFF  }
0xc2: {  	[dreg:$0x0] =	wrdreg $0x60  }
0xc3: {  	[dreg:$0x2] =	wrdreg s24  }
0xc4: {  	[dreg:$0x3] =	wrdreg s17  }
0xc5: {  	[dreg:$0x4] =	wrdreg $0xAA00  }
0xc6: {  	[dreg:$0x5] =	wrdreg $0xA  }
0xc7: {  	_ =	task.clear_ibuf [dreg:s22], $0x6FFFF;
	_ =	strace $0x90000049  }
0xc8: {  	s29 =	simm.s32 $0xA;
	_ =	strace $0x8000004B  }
0xc9: {  	_ =	swait.ge [sflag:s29], $0x1  }
0xca: {  	[sflag:s29] =	ssyncadd.s32 $0xFFFFFFFF  }
0xcb: {  	_ =	strace $0x9000004B  }
0xcc: {  	_ =	sfence  }
0xcd: {  	s30 =	sld [smem:$0x0];
	_ =	sdelay $0x2  }
0xce: {  	s31 =	sshll.u32 s1, $0xD;
	s1 =	sshrl.u32 s1, $0x2  }
0xcf: {  	s4 =	sand.u32 $0x4000, s31;
	s1 =	sadd.s32 s1, s30  }
0xd0: {  	s0 =	sor.u32 s4, s0;
	s1 =	sshll.u32 s1, $0x11  }
0xd1: {  	s0 =	sor.u32 s1, s0  }
0xd2: {  	s0 =	sadd.s32 $0x8F2B, s0  }
0xd3: {  	[sflag:s0] =	ssyncadd.remote.s32 $0x1  }
0xd4: {  	_ =	sfence.sel $0xFFFF  }
0xd5: {  	[dreg:$0x0] =	wrdreg $0xFFFFFFFF;
	(pc) =	sbr.abs _section_cstart, $3  }
0xd6: {  	[dreg:$0x1] =	wrdreg $0xFFFFFFFF  }
0xd7: {  	_ =	task.clear_ibuf [dreg:s22], $0x2FFFF;
	_ =	strace $0x9FFFFFFF  }
0xd8: {  	(tm) =	ssettm $0x7FFFFFFF  }
0xd9: {  	_ =	shalt  }
tec
execute0_lowered:
.L_overlay_start_1:
0x0: {  	(tag) =	ssettag $0x1  }
0x1: {  	s5 =	rddreg [dreg:$0x0]  }
0x2: {  	s7 =	rddreg [dreg:$0x1]  }
0x3: {  	s2 =	rddreg [dreg:$0x2]  }
0x4: {  	s0 =	rddreg [dreg:$0x3];
	s3 =	simm.s32 $0x0;
	s1 =	stileid.u32  }
0x5: {  	s4 =	srdreg.scid;
	s15 =	simm.s32 $0x1;
	s6 =	smul.u32 $0x186A, s1  }
0x6: {  	s16 =	simm.s32 $0x0;
	[smem:$0x7FF] =	sst s3;
	s9 =	smul.u32 $0x30E0, s1  }
0x7: {  	s8 =	sand.u32 $0x1, s4;
	s4 =	sadd.s32 $0x55C400, s5;
	s11 =	smul.u32 $0x61C00, s1  }
0x8: {  	s31 =	sshll.u32 s1, $0x6;
	_ =	strace $0x8000004A;
	s13 =	smul.u32 $0x30E00, s8  }
0x9: {  	s10 =	ssub.s32 $0x2, s8;
	s14 =	smul.u32 $0xC350, s8;
	s12 =	sadd.s32 s6, s5  }
0xa: {  	s29 =	sshrl.u32 s10, $0x1;
	s5 =	sadd.s32 $0xC8400, s5;
	s30 =	sshrl.u32 s11, $0x2  }
0xb: {  	s6 =	sor.u32 $0x1C02, s31;
	s10 =	ssub.s32 s10, s29;
	s9 =	sadd.s32 s9, s13  }
0xc: {  	s11 =	sadd.s32 s30, s2;
	s13 =	simm.s32 $0x50;
	v0 =	vmov s14;
	s14 =	simm.s32 $0xA0  }
0xd: {  	s7 =	sadd.s32 s7, s9;
	s8 =	smax.u32 s10, $0x1;
	s9 =	sadd.s32 $0x4C400, s12  }
0xe: {  	s10 =	sadd.s32 $0x2C00, s12;
	s11 =	sshrl.u32 s11, $0x3;
	s12 =	simm.s32 $0x2  }
.LBB2_1:
0xf: {  	[spmem:s11], [sflag:s6] =	dma.local [hbm:s5], $0x30E0  }
0x10: {  	_ =	swait.ge [sflag:s12], $0x30E0  }
0x11: {  	[sflag:s12] =	ssyncset.done $0x0  }
0x12: {  	[sflag:s12] =	ssyncadd.s32 $0xFFFFCF20  }
0x13: {  	s17 =	sadd.s32 $0x0, s10;
	[bflag:$0x0] =	sbarrier.arrive $0xFFFF  }
0x14: {  	[tilespmem:s3], [sflag:$0x2] =	stream.linear.gather [hbm4b:s17+s3], $0x50, $0x38;
	[tilespmem:$0x191A0] =	vst v63  }
0x15: {  	_ =	swait.ge [sflag:s12], $0x50  }
0x16: {  	[sflag:s12] =	ssyncset.done $0x0  }
0x17: {  	s31 =	sadd.s32 $0x0, s9;
	[sflag:s12] =	ssyncadd.s32 $0xFFFFFFB0  }
0x18: {  	[tilespmem:s13], [sflag:$0x2] =	stream.linear.gather [hbm4b:s31+s3], $0x50, $0x38;
	[tilespmem:$0x191A0] =	vst v63  }
0x19: {  	_ =	swait.ge [sflag:s12], $0x50  }
0x1a: {  	[sflag:s12] =	ssyncset.done $0x0  }
0x1b: {  	[sflag:s12] =	ssyncadd.s32 $0xFFFFFFB0  }
0x1c: {  	v1 =	vld [tilespmem:$0x40]  }
0x1d: {  	v2 =	vld [tilespmem:$0x20]  }
0x1e: {  	v3 =	vld [tilespmem:$0x30]  }
0x1f: {  	v4 =	vld [tilespmem:$0x10]  }
0x20: {  	v5 =	vld [tilespmem:$0x0]  }
0x21: {  	v1 =	vadd.s32 v0, v1  }
0x22: {  	v2 =	vadd.s32 v0, v2;
	[tilespmem:$0x40] =	vst v1  }
0x23: {  	[tilespmem:$0x20] =	vst v2;
	v1 =	vadd.s32 v0, v3  }
0x24: {  	v2 =	vadd.s32 v0, v4;
	[tilespmem:$0x30] =	vst v1  }
0x25: {  	v1 =	vadd.s32 v0, v5;
	[tilespmem:$0x10] =	vst v2  }
0x26: {  	[tilespmem:$0x0] =	vst v1  }
0x27: {  	[tilespmem:s14], [sflag:$0x1] =	stream.indirect.gather [hbm4b:s4+s13], $0x20, s3, s13, $0xb8;
	[tilespmem:$0x191A0] =	vst v63  }
0x28: {  	_ =	swait.ge [sflag:s15], $0xA00  }
0x29: {  	s17 =	simm.s32 $0xA;
	[sflag:s15] =	ssyncset.done $0x0  }
.LBB2_2:
0x2a: {  	p0 =	sne.s32 s17, $0x1860  }
0x2b: {  	[sflag:s15] =	ssyncadd.s32 $0xFFFFF600;
	s18 =	smov.u32 s17;
	s17 =	sadd.s32 $0xA, s17  }
0x2c: {  	[spmem:s2] =	stream.indirect.scatter.add.f32 [tilespmem:s14], [sflag:$0x2], $0x20, s13, s13, $0xb8;
	[tilespmem:$0x191A0] =	vst v63  }
0x2d: {  	_ =	swait.ge [sflag:s12], $0xA00  }
0x2e: {  	[sflag:s12] =	ssyncset.done $0x0  }
0x2f: {  	s19 =	sadd.s32 s18, s10;
	[sflag:s12] =	ssyncadd.s32 $0xFFFFF600  }
0x30: {  	[tilespmem:s3], [sflag:$0x2] =	stream.linear.gather [hbm4b:s19+s3], $0x50, $0x38;
	[tilespmem:$0x191A0] =	vst v63  }
0x31: {  	_ =	swait.ge [sflag:s12], $0x50  }
0x32: {  	[sflag:s12] =	ssyncset.done $0x0  }
0x33: {  	s18 =	sadd.s32 s18, s9;
	[sflag:s12] =	ssyncadd.s32 $0xFFFFFFB0  }
0x34: {  	[tilespmem:s13], [sflag:$0x2] =	stream.linear.gather [hbm4b:s18+s3], $0x50, $0x38;
	[tilespmem:$0x191A0] =	vst v63  }
0x35: {  	_ =	swait.ge [sflag:s12], $0x50  }
0x36: {  	[sflag:s12] =	ssyncset.done $0x0  }
0x37: {  	[sflag:s12] =	ssyncadd.s32 $0xFFFFFFB0  }
0x38: {  	v1 =	vld [tilespmem:$0x40]  }
0x39: {  	v2 =	vld [tilespmem:$0x20]  }
0x3a: {  	v3 =	vld [tilespmem:$0x30]  }
0x3b: {  	v4 =	vld [tilespmem:$0x10]  }
0x3c: {  	v5 =	vld [tilespmem:$0x0]  }
0x3d: {  	v1 =	vadd.s32 v0, v1  }
0x3e: {  	v2 =	vadd.s32 v0, v2;
	[tilespmem:$0x40] =	vst v1  }
0x3f: {  	[tilespmem:$0x20] =	vst v2;
	v1 =	vadd.s32 v0, v3  }
0x40: {  	v2 =	vadd.s32 v0, v4;
	[tilespmem:$0x30] =	vst v1  }
.Ltmp0:
0x41: {  	v1 =	vadd.s32 v0, v5;
	[tilespmem:$0x10] =	vst v2;
	(pc) =	sbr.rel @p0 .LBB2_2-.Ltmp0, $4  }
0x42: {  	[tilespmem:$0x0] =	vst v1  }
0x43: {  	[tilespmem:s14], [sflag:$0x1] =	stream.indirect.gather [hbm4b:s4+s13], $0x20, s3, s13, $0xb8;
	[tilespmem:$0x191A0] =	vst v63  }
0x44: {  	_ =	swait.ge [sflag:s15], $0xA00  }
0x45: {  	[sflag:s15] =	ssyncset.done $0x0  }
0x46: {  	[sflag:s15] =	ssyncadd.s32 $0xFFFFF600  }
0x47: {  	[spmem:s2] =	stream.indirect.scatter.add.f32 [tilespmem:s14], [sflag:$0x2], $0x20, s13, s13, $0xb8;
	[tilespmem:$0x191A0] =	vst v63  }
0x48: {  	_ =	swait.ge [sflag:s12], $0xA00  }
0x49: {  	s16 =	sadd.s32 $0x1, s16;
	[sflag:s12] =	ssyncset.done $0x0  }
0x4a: {  	p0 =	sne.s32 s16, s8;
	[sflag:s12] =	ssyncadd.s32 $0xFFFFF600  }
.Ltmp1:
0x4b: {  	[bflag:$0x0] =	sbarrier.arrive $0xFFFF;
	(pc) =	sbr.rel @p0 .LBB2_1-.Ltmp1, $4  }
0x4c: {  	[hbm:s7], [sflag:s6] =	dma.local [spmem:s11], $0x30E0  }
0x4d: {  	_ =	swait.ge [sflag:s12], $0x30E0  }
0x4e: {  	[sflag:s12] =	ssyncset.done $0x0  }
0x4f: {  	[sflag:s12] =	ssyncadd.s32 $0xFFFFCF20  }
0x50: {  	_ =	sfence.sel $0x180000  }
0x51: {  	[bflag:$0x0] =	sbarrier.arrive $0xFFFF  }
0x52: {  	p0 =	sne.s32 s1, $0x0;
	_ =	strace $0x9000004A  }
0x53: {  	s0 =	sadd.s32 @!p0 $0x100000, s0;
	[bflag:$0x2] =	sbarrier.arrive $0xFFFF  }
0x54: {  	[sflag:s0] =	ssyncadd.tile.s32 @!p0 $0x1;
	_ =	shalt  }
.Lfunc_end2:
_tile_overlayer_lowered:
.L_overlay_start_2:
0x55: {  	(tag) =	ssettag $0x2  }
0x56: {  	s0 =	rddreg [dreg:$0x0];
	s2 =	stileid.u32  }
0x57: {  	s1 =	rddreg [dreg:$0x1];
	p0 =	sne.s32 s2, $0x0  }
0x58: {  	s3 =	rddreg [dreg:$0x2];
	[bflag:$0x3] =	sbarrier.arrive $0xFFFF;
	s2 =	simm.s32 @!p0 $0x1C02  }
0x59: {  	[timem:s3], [sflag:s2] =	dma.local @!p0 [hbm:s0], s1  }
0x5a: {  	s0 =	simm.s32 @!p0 $0x2  }
0x5b: {  	_ =	swait.ge @!p0 [sflag:s0], s1  }
0x5c: {  	s1 =	ssub.s32 @!p0 $0x0, s1;
	[sflag:s0] =	ssyncset.done @!p0 $0x0  }
0x5d: {  	[sflag:s0] =	ssyncadd.s32 @!p0 s1  }
0x5e: {  	[bflag:$0x3] =	sbarrier.arrive $0xFFFF  }
0x5f: {  	_ =	shalt  }

// kernel: kernel.16.cloned.1.call-start
scs
__scs_entry_jumppad:
0x0: {  	(pc) =	sbr.rel $0x88, $3  }
0x1: {  	(tag) =	ssettag $0x0;
	lr =	simm.s32 $0x1  }
0x2: {  	[smem:$0x3F8D] =	sst lr;
	_ =	strace $0xD0000000  }
0x3: {  	_ = 	snop  }
0x4: {  	_ = 	snop  }
0x5: {  	_ = 	snop  }
0x6: {  	_ = 	snop  }
0x7: {  	_ = 	snop  }
__scs_overlays_trampoline_lowered:
0x8: {  	[smem:$0x3F9C] =	sst s0  }
0x9: {  	[smem:$0x3F9D] =	sst s1  }
0xa: {  	[smem:$0x3F9E] =	sst s2  }
0xb: {  	[smem:$0x3F9F] =	sst s3  }
0xc: {  	[smem:$0x3FA0] =	sst s4  }
0xd: {  	[smem:$0x3FA1] =	sst s5  }
0xe: {  	[smem:$0x3FA2] =	sst s6  }
0xf: {  	[smem:$0x3FA3] =	sst s7  }
0x10: {  	[smem:$0x3FA4] =	sst s8  }
0x11: {  	[smem:$0x3FA5] =	sst s9;
	s0 =	simm.s32 @!p0 $0x0  }
0x12: {  	s1 =	sld [smem:$0x3F8B];
	s0 =	simm.s32 @p0 $0x1  }
0x13: {  	[smem:$0x3FA6] =	sst s0;
	s0 =	simm.s32 @!p1 $0x0  }
0x14: {  	s2 =	sld [smem:$0x3F8A];
	s0 =	simm.s32 @p1 $0x1  }
0x15: {  	[smem:$0x3FA7] =	sst s0;
	s0 =	simm.s32 @!p2 $0x0  }
0x16: {  	s3 =	sld [smem:$0x3FDB];
	s0 =	simm.s32 @p2 $0x1  }
0x17: {  	s4 =	simm.s32 $0x1BF5;
	[smem:$0x3FA9] =	sst s0  }
0x18: {  	s0 =	sld [smem:$0x3F8C];
	_ =	swait.ge [sflag:s4], $0x0  }
0x19: {  	s7 =	sld [smem:$0x3F8D]  }
0x1a: {  	s8 =	sadd.s32 $0xFFFFE003, lr  }
0x1b: {  	s9 =	sadd.s32 $0xFFFFFEF7, lr;
	s5 =	simm.s32 $0xFFFFFFFF;
	p2 =	slt.u32 s8, $0xFFFFF086  }
0x1c: {  	p1 =	slt.u32 s9, $0xF7A;
	s5 =	simm.s32 @!p2 $0x0  }
0x1d: {  	s5 =	simm.s32 @p1 $0x1;
	p0 =	seq.s32 s7, s2  }
0x1e: {  	s7 =	smul.u32 @!p0 $0xF7A, s2;
	p2 =	seq.s32 @!p0 s5, $0x0  }
0x1f: {  	s9 =	smul.u32 $0xF7A, s1;
	s8 =	simm.s32 @!p0 $0x1BF5;
	p2 =	por !p2, p0  }
0x20: {  	[sflag:s8] =	ssyncset.s32 @!p0 $0xFFFFF086;
	s6 =	sadd.s32 @!p0 s3, s7;
	s7 =	simm.s32 @!p0 $0x108  }
0x21: {  	s3 =	sadd.s32 s3, s9;
	s6 =	sadd.s32 @!p0 $0x88, s6;
	s7 =	simm.s32 @p2 $0x1082  }
0x22: {  	[simem:s7], [sflag:s8] =	dma.local @!p0 [hbm:s6], $0xF7A  }
0x23: {  	s9 =	sor.u32 $0xD0000000, s2;
	s6 =	simm.s32 $0x108;
	_ =	swait.ge @!p0 [sflag:s8], $0x0  }
0x24: {  	s3 =	sadd.s32 $0x88, s3;
	s6 =	simm.s32 @!p1 $0x1082;
	[sflag:s4] =	ssyncset.s32 $0xFFFFF086  }
0x25: {  	[simem:s6], [sflag:s4] =	dma.local [hbm:s3], $0xF7A  }
0x26: {  	[smem:$0x3F8D] =	sst s1;
	(tag) =	ssettag s2;
	_ =	strace s9  }
0x27: {  	s1 =	sld [smem:$0x3F9D]  }
0x28: {  	s2 =	sld [smem:$0x3F9E]  }
0x29: {  	s4 =	sld [smem:$0x3FA0]  }
0x2a: {  	p0 =	seq.s32 s5, $0x0;
	s5 =	sld [smem:$0x3FA1]  }
0x2b: {  	s6 =	sld [smem:$0x3FA2]  }
0x2c: {  	s7 =	sld [smem:$0x3FA3]  }
0x2d: {  	s3 =	simm.s32 $0x108;
	s8 =	sld [smem:$0x3FA4]  }
0x2e: {  	s3 =	simm.s32 @!p0 $0x1082;
	s9 =	sld [smem:$0x3FA5]  }
0x2f: {  	lr =	sadd.s32 s0, s3;
	s0 =	sld [smem:$0x3F9C]  }
0x30: {  	s3 =	sld [smem:$0x3F9F]  }
0x31: {  	[smem:$0x3FA8] =	sst s10  }
0x32: {  	s10 =	sld [smem:$0x3FA6];
	_ =	sdelay $0x3  }
0x33: {  	p0 =	seq.s32 s10, $0x1;
	s10 =	sld [smem:$0x3FA8];
	_ =	sdelay $0x3  }
0x34: {  	[smem:$0x3FA8] =	sst s10  }
0x35: {  	s10 =	sld [smem:$0x3FA7];
	_ =	sdelay $0x3  }
0x36: {  	p1 =	seq.s32 s10, $0x1;
	s10 =	sld [smem:$0x3FA8];
	_ =	sdelay $0x3  }
0x37: {  	[smem:$0x3FA8] =	sst s10  }
0x38: {  	s10 =	sld [smem:$0x3FA9]  }
0x39: {  	_ = 	snop;
	(pc) =	sbr.ind lr, $3  }
0x3a: {  	_ = 	snop  }
0x3b: {  	_ = 	snop  }
0x3c: {  	p2 =	seq.s32 s10, $0x1;
	s10 =	sld [smem:$0x3FA8]  }
0x3d: {  	_ =	shalt  }
0x3e: {  	_ =	shalt  }
0x3f: {  	_ =	shalt  }
0x40: {  	_ =	shalt  }
0x41: {  	_ =	shalt  }
0x42: {  	_ =	shalt  }
0x43: {  	_ =	shalt  }
0x44: {  	_ =	shalt  }
0x45: {  	_ =	shalt  }
0x46: {  	_ =	shalt  }
0x47: {  	_ =	shalt  }
0x48: {  	_ =	shalt  }
0x49: {  	_ =	shalt  }
0x4a: {  	_ =	shalt  }
0x4b: {  	_ =	shalt  }
0x4c: {  	_ =	shalt  }
0x4d: {  	_ =	shalt  }
0x4e: {  	_ =	shalt  }
0x4f: {  	_ =	shalt  }
0x50: {  	_ =	shalt  }
0x51: {  	_ =	shalt  }
0x52: {  	_ =	shalt  }
0x53: {  	_ =	shalt  }
0x54: {  	_ =	shalt  }
0x55: {  	_ =	shalt  }
0x56: {  	_ =	shalt  }
0x57: {  	_ =	shalt  }
0x58: {  	_ =	shalt  }
0x59: {  	_ =	shalt  }
0x5a: {  	_ =	shalt  }
0x5b: {  	_ =	shalt  }
0x5c: {  	_ =	shalt  }
0x5d: {  	_ =	shalt  }
0x5e: {  	_ =	shalt  }
0x5f: {  	_ =	shalt  }
0x60: {  	_ =	shalt  }
0x61: {  	_ =	shalt  }
0x62: {  	_ =	shalt  }
0x63: {  	_ =	shalt  }
0x64: {  	_ =	shalt  }
0x65: {  	_ =	shalt  }
0x66: {  	_ =	shalt  }
0x67: {  	_ =	shalt  }
0x68: {  	_ =	shalt  }
0x69: {  	_ =	shalt  }
0x6a: {  	_ =	shalt  }
0x6b: {  	_ =	shalt  }
0x6c: {  	_ =	shalt  }
0x6d: {  	_ =	shalt  }
0x6e: {  	_ =	shalt  }
0x6f: {  	_ =	shalt  }
0x70: {  	_ =	shalt  }
0x71: {  	_ =	shalt  }
0x72: {  	_ =	shalt  }
0x73: {  	_ =	shalt  }
0x74: {  	_ =	shalt  }
0x75: {  	_ =	shalt  }
0x76: {  	_ =	shalt  }
0x77: {  	_ =	shalt  }
0x78: {  	_ =	shalt  }
0x79: {  	_ =	shalt  }
0x7a: {  	_ =	shalt  }
0x7b: {  	_ =	shalt  }
0x7c: {  	_ =	shalt  }
0x7d: {  	_ =	shalt  }
0x7e: {  	_ =	shalt  }
0x7f: {  	_ =	shalt  }
0x80: {  	_ =	shalt  }
0x81: {  	_ =	shalt  }
0x82: {  	_ =	shalt  }
0x83: {  	_ =	shalt  }
0x84: {  	_ =	shalt  }
0x85: {  	_ =	shalt  }
0x86: {  	_ =	shalt  }
0x87: {  	_ =	shalt  }
.Lfunc_end0:
.L_simem_size_0:
called_computation.2_lowered:
.L_overlay_start_0:
0x88: {  	s2 =	sld [smem:$0x3FD9]  }
0x89: {  	s3 =	sld [smem:$0x3FFE];
	_ =	sdelay $0x1  }
0x8a: {  	s1 =	srdreg.scid  }
0x8b: {  	s0 =	sand.u32 $0x1, s1  }
0x8c: {  	s15 =	sshll.u32 s0, $0xA;
	s2 =	sadd.s32 s3, s2  }
0x8d: {  	s2 =	sadd.s32 s2, s15  }
0x8e: {  	[smem:$0x3FB4] =	sst s2  }
0x8f: {  	_ = 	snop  }
0x90: {  	s2 =	sld [smem:$0x3FD0];
	_ =	sdelay $0x2  }
0x91: {  	s16 =	simm.s32 $0xC;
	s4 =	simm.s32 $0x10  }
0x92: {  	[smem:s4], [sflag:s16] =	dma.local [hbm:s2], $0x1  }
0x93: {  	_ =	swait.eq [sflag:s16], $0x1  }
0x94: {  	[sflag:s16] =	ssyncset.done $0x0  }
0x95: {  	[sflag:s16] =	ssyncadd.s32 $0xFFFFFFFF  }
0x96: {  	s17 =	sld [smem:$0x11];
	(tm) =	ssettm $0x1  }
0x97: {  	s18 =	sld [smem:$0x3FFB];
	_ =	sdelay $0x3  }
0x98: {  	_ =	strace s18  }
0x99: {  	s2 =	sld [smem:$0x3FFC];
	_ =	sdelay $0x3  }
0x9a: {  	_ =	strace s2  }
0x9b: {  	s2 =	sld [smem:$0x3FFD];
	_ =	sdelay $0x3  }
0x9c: {  	_ =	strace s2  }
0x9d: {  	_ =	strace $0x8FFFFFFF  }
0x9e: {  	s19 =	sld [smem:$0x3FDB];
	_ =	sdelay $0x1  }
0x9f: {  	s20 =	simm.s32 $_scs_section_size  }
0xa0: {  	s5 =	simm.s32 $_size__tile_overlayer_lowered;
	s6 =	simm.s32 $_tile_overlayer_lowered  }
0xa1: {  	s7 =	simm.s32 $0x1BFF;
	s21 =	sshll.u32 s6, $0x1;
	s4 =	sadd.s32 s20, s19  }
0xa2: {  	s22 =	simm.s32 $0x0;
	s5 =	sshll.u32 s5, $0x1;
	s6 =	sadd.s32 s21, s4  }
0xa3: {  	[timem:s22], [sflag:s7] =	dma.local [hbm:s6], s5  }
0xa4: {  	_ =	swait.ge [sflag:s7], s5  }
0xa5: {  	s5 =	ssub.s32 $0x0, s5;
	[sflag:s7] =	ssyncset.done $0x0  }
0xa6: {  	[sflag:s7] =	ssyncadd.s32 s5;
	_ =	sdelay $0x1  }
0xa7: {  	s23 =	simm.s32 $0x1B8B  }
0xa8: {  	_ =	swait.ge [sflag:s23], $0x1  }
0xa9: {  	[sflag:s23] =	ssyncset.done $0x0  }
0xaa: {  	[sflag:s23] =	ssyncadd.s32 $0xFFFFFFFF  }
0xab: {  	s5 =	sld [smem:$0x0]  }
0xac: {  	s6 =	sand.u32 $0xFFFFFFFE, s1  }
0xad: {  	p0 =	sne.s32 s1, s6  }
0xae: {  	s6 =	sshll.u32 @p0 s6, $0xE  }
0xaf: {  	s6 =	sadd.s32 @p0 $0x11B8D, s6;
	s7 =	sshll.u32 @p0 s5, $0x11  }
0xb0: {  	s6 =	sor.u32 @p0 s7, s6  }
0xb1: {  	[sflag:s6] =	ssyncadd.remote.s32 @p0 $0x1;
	_ =	sdelay $0x1  }
0xb2: {  	s6 =	simm.s32 @p0 $0x1B8D  }
0xb3: {  	_ =	swait.eq @p0 [sflag:s6], $0x1  }
0xb4: {  	[sflag:s6] =	ssyncadd.s32 @p0 $0xFFFFFFFF  }
0xb5: {  	s7 =	sshll.u32 @!p0 s1, $0xE  }
0xb6: {  	s7 =	sor.u32 @!p0 $0x4000, s7;
	s6 =	simm.s32 @!p0 $0x1B8D  }
0xb7: {  	s5 =	sshll.u32 @!p0 s5, $0x11;
	s7 =	sadd.s32 @!p0 $0x11B8D, s7;
	_ =	swait.eq @!p0 [sflag:s6], $0x1  }
0xb8: {  	s5 =	sor.u32 @!p0 s5, s7;
	[sflag:s6] =	ssyncadd.s32 @!p0 $0xFFFFFFFF  }
0xb9: {  	s25 =	simm.s32 $0x1B8E;
	s24 =	sld [smem:$0x3FFE];
	[sflag:s5] =	ssyncadd.remote.s32 @!p0 $0x1  }
0xba: {  	s26 =	simm.s32 $execute0_lowered;
	[smem:$0x3FD2] =	sst s25  }
0xbb: {  	s6 =	sshll.u32 s26, $0x1;
	_ =	strace $0x8000004C;
	[dreg:$0x1] =	wrdreg $0xFFFFFFFF  }
0xbc: {  	s28 =	simm.s32 $_size_execute0_lowered;
	s4 =	sadd.s32 s4, s6;
	[dreg:$0x0] =	wrdreg $0x0  }
0xbd: {  	s6 =	sshll.u32 s28, $0x1;
	[dreg:$0x2] =	wrdreg s4  }
0xbe: {  	[dreg:$0x3] =	wrdreg s6  }
0xbf: {  	[dreg:$0x4] =	wrdreg $0xC0  }
0xc0: {  	_ =	task [dreg:s22], $0x5FFFF  }
0xc1: {  	[dreg:$0x1] =	wrdreg $0xFFFFFFFF  }
0xc2: {  	[dreg:$0x0] =	wrdreg $0x60  }
0xc3: {  	[dreg:$0x2] =	wrdreg s24  }
0xc4: {  	[dreg:$0x3] =	wrdreg s17  }
0xc5: {  	[dreg:$0x4] =	wrdreg $0xAA00  }
0xc6: {  	[dreg:$0x5] =	wrdreg $0xB  }
0xc7: {  	_ =	task.clear_ibuf [dreg:s22], $0x6FFFF;
	_ =	strace $0x9000004C  }
0xc8: {  	s29 =	simm.s32 $0xB;
	_ =	strace $0x8000004E  }
0xc9: {  	_ =	swait.ge [sflag:s29], $0x1  }
0xca: {  	[sflag:s29] =	ssyncadd.s32 $0xFFFFFFFF  }
0xcb: {  	_ =	strace $0x9000004E  }
0xcc: {  	_ =	sfence  }
0xcd: {  	s30 =	sld [smem:$0x0];
	_ =	sdelay $0x2  }
0xce: {  	s31 =	sshll.u32 s1, $0xD;
	s1 =	sshrl.u32 s1, $0x2  }
0xcf: {  	s4 =	sand.u32 $0x4000, s31;
	s1 =	sadd.s32 s1, s30  }
0xd0: {  	s0 =	sor.u32 s4, s0;
	s1 =	sshll.u32 s1, $0x11  }
0xd1: {  	s0 =	sor.u32 s1, s0  }
0xd2: {  	s0 =	sadd.s32 $0x8F2B, s0  }
0xd3: {  	[sflag:s0] =	ssyncadd.remote.s32 $0x1  }
0xd4: {  	_ =	sfence.sel $0xFFFF  }
0xd5: {  	[dreg:$0x0] =	wrdreg $0xFFFFFFFF;
	(pc) =	sbr.abs _section_cstart, $3  }
0xd6: {  	[dreg:$0x1] =	wrdreg $0xFFFFFFFF  }
0xd7: {  	_ =	task.clear_ibuf [dreg:s22], $0x2FFFF;
	_ =	strace $0x9FFFFFFF  }
0xd8: {  	(tm) =	ssettm $0x7FFFFFFF  }
0xd9: {  	_ =	shalt  }
tec
execute0_lowered:
.L_overlay_start_1:
0x0: {  	(tag) =	ssettag $0x1  }
0x1: {  	s5 =	rddreg [dreg:$0x0]  }
0x2: {  	s7 =	rddreg [dreg:$0x1]  }
0x3: {  	s2 =	rddreg [dreg:$0x2]  }
0x4: {  	s0 =	rddreg [dreg:$0x3];
	s3 =	simm.s32 $0x0;
	s1 =	stileid.u32  }
0x5: {  	s4 =	srdreg.scid;
	s15 =	simm.s32 $0x1;
	s6 =	smul.u32 $0x186A, s1  }
0x6: {  	s16 =	simm.s32 $0x0;
	[smem:$0x7FF] =	sst s3;
	s9 =	smul.u32 $0x30E0, s1  }
0x7: {  	s8 =	sand.u32 $0x1, s4;
	s4 =	sadd.s32 $0xCB600, s5;
	s11 =	smul.u32 $0x61C00, s1  }
0x8: {  	s31 =	sshll.u32 s1, $0x6;
	_ =	strace $0x8000004D;
	s13 =	smul.u32 $0x30E00, s8  }
0x9: {  	s10 =	ssub.s32 $0x2, s8;
	s14 =	smul.u32 $0xC350, s8;
	s12 =	sadd.s32 s6, s5  }
0xa: {  	s29 =	sshrl.u32 s10, $0x1;
	s5 =	sadd.s32 $0xC8400, s5;
	s30 =	sshrl.u32 s11, $0x2  }
0xb: {  	s6 =	sor.u32 $0x1C02, s31;
	s10 =	ssub.s32 s10, s29;
	s9 =	sadd.s32 s9, s13  }
0xc: {  	s11 =	sadd.s32 s30, s2;
	s13 =	simm.s32 $0x50;
	v0 =	vmov s14;
	s14 =	simm.s32 $0xA0  }
0xd: {  	s7 =	sadd.s32 s7, s9;
	s8 =	smax.u32 s10, $0x1;
	s9 =	sadd.s32 $0x33C00, s12  }
0xe: {  	s10 =	sadd.s32 $0x1B400, s12;
	s11 =	sshrl.u32 s11, $0x3;
	s12 =	simm.s32 $0x2  }
.LBB2_1:
0xf: {  	[spmem:s11], [sflag:s6] =	dma.local [hbm:s5], $0x30E0  }
0x10: {  	_ =	swait.ge [sflag:s12], $0x30E0  }
0x11: {  	[sflag:s12] =	ssyncset.done $0x0  }
0x12: {  	[sflag:s12] =	ssyncadd.s32 $0xFFFFCF20  }
0x13: {  	s17 =	sadd.s32 $0x0, s10;
	[bflag:$0x0] =	sbarrier.arrive $0xFFFF  }
0x14: {  	[tilespmem:s3], [sflag:$0x2] =	stream.linear.gather [hbm4b:s17+s3], $0x50, $0x38;
	[tilespmem:$0x191A0] =	vst v63  }
0x15: {  	_ =	swait.ge [sflag:s12], $0x50  }
0x16: {  	[sflag:s12] =	ssyncset.done $0x0  }
0x17: {  	s31 =	sadd.s32 $0x0, s9;
	[sflag:s12] =	ssyncadd.s32 $0xFFFFFFB0  }
0x18: {  	[tilespmem:s13], [sflag:$0x2] =	stream.linear.gather [hbm4b:s31+s3], $0x50, $0x38;
	[tilespmem:$0x191A0] =	vst v63  }
0x19: {  	_ =	swait.ge [sflag:s12], $0x50  }
0x1a: {  	[sflag:s12] =	ssyncset.done $0x0  }
0x1b: {  	[sflag:s12] =	ssyncadd.s32 $0xFFFFFFB0  }
0x1c: {  	v1 =	vld [tilespmem:$0x40]  }
0x1d: {  	v2 =	vld [tilespmem:$0x20]  }
0x1e: {  	v3 =	vld [tilespmem:$0x30]  }
0x1f: {  	v4 =	vld [tilespmem:$0x10]  }
0x20: {  	v5 =	vld [tilespmem:$0x0]  }
0x21: {  	v1 =	vadd.s32 v0, v1  }
0x22: {  	v2 =	vadd.s32 v0, v2;
	[tilespmem:$0x40] =	vst v1  }
0x23: {  	[tilespmem:$0x20] =	vst v2;
	v1 =	vadd.s32 v0, v3  }
0x24: {  	v2 =	vadd.s32 v0, v4;
	[tilespmem:$0x30] =	vst v1  }
0x25: {  	v1 =	vadd.s32 v0, v5;
	[tilespmem:$0x10] =	vst v2  }
0x26: {  	[tilespmem:$0x0] =	vst v1  }
0x27: {  	[tilespmem:s14], [sflag:$0x1] =	stream.indirect.gather [hbm4b:s4+s13], $0x20, s3, s13, $0xb8;
	[tilespmem:$0x191A0] =	vst v63  }
0x28: {  	_ =	swait.ge [sflag:s15], $0xA00  }
0x29: {  	s17 =	simm.s32 $0xA;
	[sflag:s15] =	ssyncset.done $0x0  }
.LBB2_2:
0x2a: {  	p0 =	sne.s32 s17, $0x1860  }
0x2b: {  	[sflag:s15] =	ssyncadd.s32 $0xFFFFF600;
	s18 =	smov.u32 s17;
	s17 =	sadd.s32 $0xA, s17  }
0x2c: {  	[spmem:s2] =	stream.indirect.scatter.add.f32 [tilespmem:s14], [sflag:$0x2], $0x20, s13, s13, $0xb8;
	[tilespmem:$0x191A0] =	vst v63  }
0x2d: {  	_ =	swait.ge [sflag:s12], $0xA00  }
0x2e: {  	[sflag:s12] =	ssyncset.done $0x0  }
0x2f: {  	s19 =	sadd.s32 s18, s10;
	[sflag:s12] =	ssyncadd.s32 $0xFFFFF600  }
0x30: {  	[tilespmem:s3], [sflag:$0x2] =	stream.linear.gather [hbm4b:s19+s3], $0x50, $0x38;
	[tilespmem:$0x191A0] =	vst v63  }
0x31: {  	_ =	swait.ge [sflag:s12], $0x50  }
0x32: {  	[sflag:s12] =	ssyncset.done $0x0  }
0x33: {  	s18 =	sadd.s32 s18, s9;
	[sflag:s12] =	ssyncadd.s32 $0xFFFFFFB0  }
0x34: {  	[tilespmem:s13], [sflag:$0x2] =	stream.linear.gather [hbm4b:s18+s3], $0x50, $0x38;
	[tilespmem:$0x191A0] =	vst v63  }
0x35: {  	_ =	swait.ge [sflag:s12], $0x50  }
0x36: {  	[sflag:s12] =	ssyncset.done $0x0  }
0x37: {  	[sflag:s12] =	ssyncadd.s32 $0xFFFFFFB0  }
0x38: {  	v1 =	vld [tilespmem:$0x40]  }
0x39: {  	v2 =	vld [tilespmem:$0x20]  }
0x3a: {  	v3 =	vld [tilespmem:$0x30]  }
0x3b: {  	v4 =	vld [tilespmem:$0x10]  }
0x3c: {  	v5 =	vld [tilespmem:$0x0]  }
0x3d: {  	v1 =	vadd.s32 v0, v1  }
0x3e: {  	v2 =	vadd.s32 v0, v2;
	[tilespmem:$0x40] =	vst v1  }
0x3f: {  	[tilespmem:$0x20] =	vst v2;
	v1 =	vadd.s32 v0, v3  }
0x40: {  	v2 =	vadd.s32 v0, v4;
	[tilespmem:$0x30] =	vst v1  }
.Ltmp0:
0x41: {  	v1 =	vadd.s32 v0, v5;
	[tilespmem:$0x10] =	vst v2;
	(pc) =	sbr.rel @p0 .LBB2_2-.Ltmp0, $4  }
0x42: {  	[tilespmem:$0x0] =	vst v1  }
0x43: {  	[tilespmem:s14], [sflag:$0x1] =	stream.indirect.gather [hbm4b:s4+s13], $0x20, s3, s13, $0xb8;
	[tilespmem:$0x191A0] =	vst v63  }
0x44: {  	_ =	swait.ge [sflag:s15], $0xA00  }
0x45: {  	[sflag:s15] =	ssyncset.done $0x0  }
0x46: {  	[sflag:s15] =	ssyncadd.s32 $0xFFFFF600  }
0x47: {  	[spmem:s2] =	stream.indirect.scatter.add.f32 [tilespmem:s14], [sflag:$0x2], $0x20, s13, s13, $0xb8;
	[tilespmem:$0x191A0] =	vst v63  }
0x48: {  	_ =	swait.ge [sflag:s12], $0xA00  }
0x49: {  	s16 =	sadd.s32 $0x1, s16;
	[sflag:s12] =	ssyncset.done $0x0  }
0x4a: {  	p0 =	sne.s32 s16, s8;
	[sflag:s12] =	ssyncadd.s32 $0xFFFFF600  }
.Ltmp1:
0x4b: {  	[bflag:$0x0] =	sbarrier.arrive $0xFFFF;
	(pc) =	sbr.rel @p0 .LBB2_1-.Ltmp1, $4  }
0x4c: {  	[hbm:s7], [sflag:s6] =	dma.local [spmem:s11], $0x30E0  }
0x4d: {  	_ =	swait.ge [sflag:s12], $0x30E0  }
0x4e: {  	[sflag:s12] =	ssyncset.done $0x0  }
0x4f: {  	[sflag:s12] =	ssyncadd.s32 $0xFFFFCF20  }
0x50: {  	_ =	sfence.sel $0x180000  }
0x51: {  	[bflag:$0x0] =	sbarrier.arrive $0xFFFF  }
0x52: {  	p0 =	sne.s32 s1, $0x0;
	_ =	strace $0x9000004D  }
0x53: {  	s0 =	sadd.s32 @!p0 $0x100000, s0;
	[bflag:$0x2] =	sbarrier.arrive $0xFFFF  }
0x54: {  	[sflag:s0] =	ssyncadd.tile.s32 @!p0 $0x1;
	_ =	shalt  }
.Lfunc_end2:
_tile_overlayer_lowered:
.L_overlay_start_2:
0x55: {  	(tag) =	ssettag $0x2  }
0x56: {  	s0 =	rddreg [dreg:$0x0];
	s2 =	stileid.u32  }
0x57: {  	s1 =	rddreg [dreg:$0x1];
	p0 =	sne.s32 s2, $0x0  }
0x58: {  	s3 =	rddreg [dreg:$0x2];
	[bflag:$0x3] =	sbarrier.arrive $0xFFFF;
	s2 =	simm.s32 @!p0 $0x1C02  }
0x59: {  	[timem:s3], [sflag:s2] =	dma.local @!p0 [hbm:s0], s1  }
0x5a: {  	s0 =	simm.s32 @!p0 $0x2  }
0x5b: {  	_ =	swait.ge @!p0 [sflag:s0], s1  }
0x5c: {  	s1 =	ssub.s32 @!p0 $0x0, s1;
	[sflag:s0] =	ssyncset.done @!p0 $0x0  }
0x5d: {  	[sflag:s0] =	ssyncadd.s32 @!p0 s1  }
0x5e: {  	[bflag:$0x3] =	sbarrier.arrive $0xFFFF  }
0x5f: {  	_ =	shalt  }

// kernel: kernel.19.cloned.1.call-start
scs
__scs_entry_jumppad:
0x0: {  	(pc) =	sbr.rel $0x88, $3  }
0x1: {  	(tag) =	ssettag $0x0;
	lr =	simm.s32 $0x1  }
0x2: {  	[smem:$0x3F8D] =	sst lr;
	_ =	strace $0xD0000000  }
0x3: {  	_ = 	snop  }
0x4: {  	_ = 	snop  }
0x5: {  	_ = 	snop  }
0x6: {  	_ = 	snop  }
0x7: {  	_ = 	snop  }
__scs_overlays_trampoline_lowered:
0x8: {  	[smem:$0x3F9C] =	sst s0  }
0x9: {  	[smem:$0x3F9D] =	sst s1  }
0xa: {  	[smem:$0x3F9E] =	sst s2  }
0xb: {  	[smem:$0x3F9F] =	sst s3  }
0xc: {  	[smem:$0x3FA0] =	sst s4  }
0xd: {  	[smem:$0x3FA1] =	sst s5  }
0xe: {  	[smem:$0x3FA2] =	sst s6  }
0xf: {  	[smem:$0x3FA3] =	sst s7  }
0x10: {  	[smem:$0x3FA4] =	sst s8  }
0x11: {  	[smem:$0x3FA5] =	sst s9;
	s0 =	simm.s32 @!p0 $0x0  }
0x12: {  	s1 =	sld [smem:$0x3F8B];
	s0 =	simm.s32 @p0 $0x1  }
0x13: {  	[smem:$0x3FA6] =	sst s0;
	s0 =	simm.s32 @!p1 $0x0  }
0x14: {  	s2 =	sld [smem:$0x3F8A];
	s0 =	simm.s32 @p1 $0x1  }
0x15: {  	[smem:$0x3FA7] =	sst s0;
	s0 =	simm.s32 @!p2 $0x0  }
0x16: {  	s3 =	sld [smem:$0x3FDB];
	s0 =	simm.s32 @p2 $0x1  }
0x17: {  	s4 =	simm.s32 $0x1BF5;
	[smem:$0x3FA9] =	sst s0  }
0x18: {  	s0 =	sld [smem:$0x3F8C];
	_ =	swait.ge [sflag:s4], $0x0  }
0x19: {  	s7 =	sld [smem:$0x3F8D]  }
0x1a: {  	s8 =	sadd.s32 $0xFFFFE003, lr  }
0x1b: {  	s9 =	sadd.s32 $0xFFFFFEF7, lr;
	s5 =	simm.s32 $0xFFFFFFFF;
	p2 =	slt.u32 s8, $0xFFFFF086  }
0x1c: {  	p1 =	slt.u32 s9, $0xF7A;
	s5 =	simm.s32 @!p2 $0x0  }
0x1d: {  	s5 =	simm.s32 @p1 $0x1;
	p0 =	seq.s32 s7, s2  }
0x1e: {  	s7 =	smul.u32 @!p0 $0xF7A, s2;
	p2 =	seq.s32 @!p0 s5, $0x0  }
0x1f: {  	s9 =	smul.u32 $0xF7A, s1;
	s8 =	simm.s32 @!p0 $0x1BF5;
	p2 =	por !p2, p0  }
0x20: {  	[sflag:s8] =	ssyncset.s32 @!p0 $0xFFFFF086;
	s6 =	sadd.s32 @!p0 s3, s7;
	s7 =	simm.s32 @!p0 $0x108  }
0x21: {  	s3 =	sadd.s32 s3, s9;
	s6 =	sadd.s32 @!p0 $0x88, s6;
	s7 =	simm.s32 @p2 $0x1082  }
0x22: {  	[simem:s7], [sflag:s8] =	dma.local @!p0 [hbm:s6], $0xF7A  }
0x23: {  	s9 =	sor.u32 $0xD0000000, s2;
	s6 =	simm.s32 $0x108;
	_ =	swait.ge @!p0 [sflag:s8], $0x0  }
0x24: {  	s3 =	sadd.s32 $0x88, s3;
	s6 =	simm.s32 @!p1 $0x1082;
	[sflag:s4] =	ssyncset.s32 $0xFFFFF086  }
0x25: {  	[simem:s6], [sflag:s4] =	dma.local [hbm:s3], $0xF7A  }
0x26: {  	[smem:$0x3F8D] =	sst s1;
	(tag) =	ssettag s2;
	_ =	strace s9  }
0x27: {  	s1 =	sld [smem:$0x3F9D]  }
0x28: {  	s2 =	sld [smem:$0x3F9E]  }
0x29: {  	s4 =	sld [smem:$0x3FA0]  }
0x2a: {  	p0 =	seq.s32 s5, $0x0;
	s5 =	sld [smem:$0x3FA1]  }
0x2b: {  	s6 =	sld [smem:$0x3FA2]  }
0x2c: {  	s7 =	sld [smem:$0x3FA3]  }
0x2d: {  	s3 =	simm.s32 $0x108;
	s8 =	sld [smem:$0x3FA4]  }
0x2e: {  	s3 =	simm.s32 @!p0 $0x1082;
	s9 =	sld [smem:$0x3FA5]  }
0x2f: {  	lr =	sadd.s32 s0, s3;
	s0 =	sld [smem:$0x3F9C]  }
0x30: {  	s3 =	sld [smem:$0x3F9F]  }
0x31: {  	[smem:$0x3FA8] =	sst s10  }
0x32: {  	s10 =	sld [smem:$0x3FA6];
	_ =	sdelay $0x3  }
0x33: {  	p0 =	seq.s32 s10, $0x1;
	s10 =	sld [smem:$0x3FA8];
	_ =	sdelay $0x3  }
0x34: {  	[smem:$0x3FA8] =	sst s10  }
0x35: {  	s10 =	sld [smem:$0x3FA7];
	_ =	sdelay $0x3  }
0x36: {  	p1 =	seq.s32 s10, $0x1;
	s10 =	sld [smem:$0x3FA8];
	_ =	sdelay $0x3  }
0x37: {  	[smem:$0x3FA8] =	sst s10  }
0x38: {  	s10 =	sld [smem:$0x3FA9]  }
0x39: {  	_ = 	snop;
	(pc) =	sbr.ind lr, $3  }
0x3a: {  	_ = 	snop  }
0x3b: {  	_ = 	snop  }
0x3c: {  	p2 =	seq.s32 s10, $0x1;
	s10 =	sld [smem:$0x3FA8]  }
0x3d: {  	_ =	shalt  }
0x3e: {  	_ =	shalt  }
0x3f: {  	_ =	shalt  }
0x40: {  	_ =	shalt  }
0x41: {  	_ =	shalt  }
0x42: {  	_ =	shalt  }
0x43: {  	_ =	shalt  }
0x44: {  	_ =	shalt  }
0x45: {  	_ =	shalt  }
0x46: {  	_ =	shalt  }
0x47: {  	_ =	shalt  }
0x48: {  	_ =	shalt  }
0x49: {  	_ =	shalt  }
0x4a: {  	_ =	shalt  }
0x4b: {  	_ =	shalt  }
0x4c: {  	_ =	shalt  }
0x4d: {  	_ =	shalt  }
0x4e: {  	_ =	shalt  }
0x4f: {  	_ =	shalt  }
0x50: {  	_ =	shalt  }
0x51: {  	_ =	shalt  }
0x52: {  	_ =	shalt  }
0x53: {  	_ =	shalt  }
0x54: {  	_ =	shalt  }
0x55: {  	_ =	shalt  }
0x56: {  	_ =	shalt  }
0x57: {  	_ =	shalt  }
0x58: {  	_ =	shalt  }
0x59: {  	_ =	shalt  }
0x5a: {  	_ =	shalt  }
0x5b: {  	_ =	shalt  }
0x5c: {  	_ =	shalt  }
0x5d: {  	_ =	shalt  }
0x5e: {  	_ =	shalt  }
0x5f: {  	_ =	shalt  }
0x60: {  	_ =	shalt  }
0x61: {  	_ =	shalt  }
0x62: {  	_ =	shalt  }
0x63: {  	_ =	shalt  }
0x64: {  	_ =	shalt  }
0x65: {  	_ =	shalt  }
0x66: {  	_ =	shalt  }
0x67: {  	_ =	shalt  }
0x68: {  	_ =	shalt  }
0x69: {  	_ =	shalt  }
0x6a: {  	_ =	shalt  }
0x6b: {  	_ =	shalt  }
0x6c: {  	_ =	shalt  }
0x6d: {  	_ =	shalt  }
0x6e: {  	_ =	shalt  }
0x6f: {  	_ =	shalt  }
0x70: {  	_ =	shalt  }
0x71: {  	_ =	shalt  }
0x72: {  	_ =	shalt  }
0x73: {  	_ =	shalt  }
0x74: {  	_ =	shalt  }
0x75: {  	_ =	shalt  }
0x76: {  	_ =	shalt  }
0x77: {  	_ =	shalt  }
0x78: {  	_ =	shalt  }
0x79: {  	_ =	shalt  }
0x7a: {  	_ =	shalt  }
0x7b: {  	_ =	shalt  }
0x7c: {  	_ =	shalt  }
0x7d: {  	_ =	shalt  }
0x7e: {  	_ =	shalt  }
0x7f: {  	_ =	shalt  }
0x80: {  	_ =	shalt  }
0x81: {  	_ =	shalt  }
0x82: {  	_ =	shalt  }
0x83: {  	_ =	shalt  }
0x84: {  	_ =	shalt  }
0x85: {  	_ =	shalt  }
0x86: {  	_ =	shalt  }
0x87: {  	_ =	shalt  }
.Lfunc_end0:
.L_simem_size_0:
called_computation.3_lowered:
.L_overlay_start_0:
0x88: {  	s2 =	sld [smem:$0x3FD9]  }
0x89: {  	s3 =	sld [smem:$0x3FFE];
	_ =	sdelay $0x1  }
0x8a: {  	s1 =	srdreg.scid  }
0x8b: {  	s0 =	sand.u32 $0x1, s1  }
0x8c: {  	s14 =	sshll.u32 s0, $0xA;
	s2 =	sadd.s32 s3, s2  }
0x8d: {  	s2 =	sadd.s32 s2, s14  }
0x8e: {  	[smem:$0x3FB4] =	sst s2  }
0x8f: {  	_ = 	snop  }
0x90: {  	s2 =	sld [smem:$0x3FD0];
	_ =	sdelay $0x2  }
0x91: {  	s15 =	simm.s32 $0xC;
	s4 =	simm.s32 $0x10  }
0x92: {  	[smem:s4], [sflag:s15] =	dma.local [hbm:s2], $0x1  }
0x93: {  	_ =	swait.eq [sflag:s15], $0x1  }
0x94: {  	[sflag:s15] =	ssyncset.done $0x0  }
0x95: {  	[sflag:s15] =	ssyncadd.s32 $0xFFFFFFFF  }
0x96: {  	s16 =	sld [smem:$0x10];
	(tm) =	ssettm $0x1  }
0x97: {  	s17 =	sld [smem:$0x3FFB];
	_ =	sdelay $0x3  }
0x98: {  	_ =	strace s17  }
0x99: {  	s3 =	sld [smem:$0x3FFC];
	_ =	sdelay $0x3  }
0x9a: {  	_ =	strace s3  }
0x9b: {  	s3 =	sld [smem:$0x3FFD];
	_ =	sdelay $0x3  }
0x9c: {  	_ =	strace s3  }
0x9d: {  	_ =	strace $0x8FFFFFFF  }
0x9e: {  	s18 =	sld [smem:$0x3FDB];
	_ =	sdelay $0x1  }
0x9f: {  	s19 =	simm.s32 $_scs_section_size  }
0xa0: {  	s5 =	simm.s32 $_size__tile_overlayer_lowered;
	s6 =	simm.s32 $_tile_overlayer_lowered  }
0xa1: {  	s22 =	simm.s32 $0x1BFF;
	s21 =	sshll.u32 s6, $0x1;
	s3 =	sadd.s32 s19, s18  }
0xa2: {  	s7 =	simm.s32 $0x0;
	s20 =	sshll.u32 s5, $0x1;
	s5 =	sadd.s32 s21, s3  }
0xa3: {  	[timem:s7], [sflag:s22] =	dma.local [hbm:s5], s20  }
0xa4: {  	_ =	swait.ge [sflag:s22], s20  }
0xa5: {  	s4 =	ssub.s32 $0x0, s20;
	[sflag:s22] =	ssyncset.done $0x0  }
0xa6: {  	[sflag:s22] =	ssyncadd.s32 s4;
	_ =	sdelay $0x1  }
0xa7: {  	s23 =	simm.s32 $0x1B8B  }
0xa8: {  	_ =	swait.ge [sflag:s23], $0x1  }
0xa9: {  	[sflag:s23] =	ssyncset.done $0x0  }
0xaa: {  	s25 =	simm.s32 $0x1B8E;
	s24 =	sld [smem:$0x3FFE];
	[sflag:s23] =	ssyncadd.s32 $0xFFFFFFFF  }
0xab: {  	s26 =	simm.s32 $execute0_lowered;
	[smem:$0x3FD2] =	sst s25  }
0xac: {  	s5 =	sshll.u32 s26, $0x1;
	_ =	strace $0x8000004F;
	[dreg:$0x1] =	wrdreg $0xFFFFFFFF  }
0xad: {  	s28 =	simm.s32 $_size_execute0_lowered;
	s3 =	sadd.s32 s3, s5;
	[dreg:$0x0] =	wrdreg $0x0  }
0xae: {  	s5 =	sshll.u32 s28, $0x1;
	[dreg:$0x2] =	wrdreg s3  }
0xaf: {  	[dreg:$0x3] =	wrdreg s5  }
0xb0: {  	[dreg:$0x4] =	wrdreg $0xC0  }
0xb1: {  	_ =	task [dreg:s7], $0x5FFFF  }
0xb2: {  	[dreg:$0x1] =	wrdreg $0xFFFFFFFF  }
0xb3: {  	[dreg:$0x0] =	wrdreg $0x60  }
0xb4: {  	[dreg:$0x2] =	wrdreg s24  }
0xb5: {  	[dreg:$0x3] =	wrdreg s16  }
0xb6: {  	[dreg:$0x4] =	wrdreg $0xAA00  }
0xb7: {  	[dreg:$0x5] =	wrdreg $0x9  }
0xb8: {  	_ =	task.clear_ibuf [dreg:s7], $0x6FFFF;
	_ =	strace $0x9000004F  }
0xb9: {  	s29 =	simm.s32 $0x9;
	_ =	strace $0x80000051  }
0xba: {  	_ =	swait.ge [sflag:s29], $0x1  }
0xbb: {  	[sflag:s29] =	ssyncadd.s32 $0xFFFFFFFF  }
0xbc: {  	_ =	strace $0x90000051  }
0xbd: {  	_ =	sfence  }
0xbe: {  	s30 =	sld [smem:$0x0];
	_ =	sdelay $0x2  }
0xbf: {  	s31 =	sshll.u32 s1, $0xD;
	s1 =	sshrl.u32 s1, $0x2  }
0xc0: {  	s3 =	sand.u32 $0x4000, s31;
	s1 =	sadd.s32 s1, s30  }
0xc1: {  	s0 =	sor.u32 s3, s0;
	s1 =	sshll.u32 s1, $0x11  }
0xc2: {  	s0 =	sor.u32 s1, s0  }
0xc3: {  	s0 =	sadd.s32 $0x8F2B, s0  }
0xc4: {  	[sflag:s0] =	ssyncadd.remote.s32 $0x1  }
0xc5: {  	_ =	sfence.sel $0xFFFF  }
0xc6: {  	[dreg:$0x0] =	wrdreg $0xFFFFFFFF;
	(pc) =	sbr.abs _section_cstart, $3  }
0xc7: {  	[dreg:$0x1] =	wrdreg $0xFFFFFFFF  }
0xc8: {  	_ =	task.clear_ibuf [dreg:s7], $0x2FFFF;
	_ =	strace $0x9FFFFFFF  }
0xc9: {  	(tm) =	ssettm $0x7FFFFFFF  }
tec
execute0_lowered:
.L_overlay_start_1:
0x0: {  	(tag) =	ssettag $0x1  }
0x1: {  	s5 =	rddreg [dreg:$0x0]  }
0x2: {  	s7 =	rddreg [dreg:$0x1]  }
0x3: {  	s2 =	rddreg [dreg:$0x2]  }
0x4: {  	s0 =	rddreg [dreg:$0x3];
	s3 =	simm.s32 $0x0;
	s1 =	stileid.u32  }
0x5: {  	s4 =	srdreg.scid;
	s15 =	simm.s32 $0x1;
	s6 =	smul.u32 $0x186A, s1  }
0x6: {  	s16 =	simm.s32 $0x0;
	[smem:$0x7FF] =	sst s3;
	s9 =	smul.u32 $0x30E0, s1  }
0x7: {  	s8 =	sand.u32 $0x1, s4;
	s4 =	sadd.s32 $0xCB600, s5;
	s11 =	smul.u32 $0x61C00, s1  }
0x8: {  	s31 =	sshll.u32 s1, $0x6;
	_ =	strace $0x80000050;
	s13 =	smul.u32 $0x30E00, s8  }
0x9: {  	s10 =	ssub.s32 $0x2, s8;
	s14 =	smul.u32 $0xC350, s8;
	s12 =	sadd.s32 s6, s5  }
0xa: {  	s29 =	sshrl.u32 s10, $0x1;
	s5 =	sadd.s32 $0xC8400, s5;
	s30 =	sshrl.u32 s11, $0x2  }
0xb: {  	s6 =	sor.u32 $0x1C02, s31;
	s10 =	ssub.s32 s10, s29;
	s9 =	sadd.s32 s9, s13  }
0xc: {  	s11 =	sadd.s32 s30, s2;
	s13 =	simm.s32 $0x50;
	v0 =	vmov s14;
	s14 =	simm.s32 $0xA0  }
0xd: {  	s7 =	sadd.s32 s7, s9;
	s8 =	smax.u32 s10, $0x1;
	s9 =	sadd.s32 $0x4C400, s12  }
0xe: {  	s10 =	sadd.s32 $0x2C00, s12;
	s11 =	sshrl.u32 s11, $0x3;
	s12 =	simm.s32 $0x2  }
.LBB2_1:
0xf: {  	[spmem:s11], [sflag:s6] =	dma.local [hbm:s5], $0x30E0  }
0x10: {  	_ =	swait.ge [sflag:s12], $0x30E0  }
0x11: {  	[sflag:s12] =	ssyncset.done $0x0  }
0x12: {  	[sflag:s12] =	ssyncadd.s32 $0xFFFFCF20  }
0x13: {  	s17 =	sadd.s32 $0x0, s10;
	[bflag:$0x0] =	sbarrier.arrive $0xFFFF  }
0x14: {  	[tilespmem:s3], [sflag:$0x2] =	stream.linear.gather [hbm4b:s17+s3], $0x50, $0x38;
	[tilespmem:$0x191A0] =	vst v63  }
0x15: {  	_ =	swait.ge [sflag:s12], $0x50  }
0x16: {  	[sflag:s12] =	ssyncset.done $0x0  }
0x17: {  	s31 =	sadd.s32 $0x0, s9;
	[sflag:s12] =	ssyncadd.s32 $0xFFFFFFB0  }
0x18: {  	[tilespmem:s13], [sflag:$0x2] =	stream.linear.gather [hbm4b:s31+s3], $0x50, $0x38;
	[tilespmem:$0x191A0] =	vst v63  }
0x19: {  	_ =	swait.ge [sflag:s12], $0x50  }
0x1a: {  	[sflag:s12] =	ssyncset.done $0x0  }
0x1b: {  	[sflag:s12] =	ssyncadd.s32 $0xFFFFFFB0  }
0x1c: {  	v1 =	vld [tilespmem:$0x40]  }
0x1d: {  	v2 =	vld [tilespmem:$0x20]  }
0x1e: {  	v3 =	vld [tilespmem:$0x30]  }
0x1f: {  	v4 =	vld [tilespmem:$0x10]  }
0x20: {  	v5 =	vld [tilespmem:$0x0]  }
0x21: {  	v1 =	vadd.s32 v0, v1  }
0x22: {  	v2 =	vadd.s32 v0, v2;
	[tilespmem:$0x40] =	vst v1  }
0x23: {  	[tilespmem:$0x20] =	vst v2;
	v1 =	vadd.s32 v0, v3  }
0x24: {  	v2 =	vadd.s32 v0, v4;
	[tilespmem:$0x30] =	vst v1  }
0x25: {  	v1 =	vadd.s32 v0, v5;
	[tilespmem:$0x10] =	vst v2  }
0x26: {  	[tilespmem:$0x0] =	vst v1  }
0x27: {  	[tilespmem:s14], [sflag:$0x1] =	stream.indirect.gather [hbm4b:s4+s13], $0x20, s3, s13, $0xb8;
	[tilespmem:$0x191A0] =	vst v63  }
0x28: {  	_ =	swait.ge [sflag:s15], $0xA00  }
0x29: {  	s17 =	simm.s32 $0xA;
	[sflag:s15] =	ssyncset.done $0x0  }
.LBB2_2:
0x2a: {  	p0 =	sne.s32 s17, $0x1860  }
0x2b: {  	[sflag:s15] =	ssyncadd.s32 $0xFFFFF600;
	s18 =	smov.u32 s17;
	s17 =	sadd.s32 $0xA, s17  }
0x2c: {  	[spmem:s2] =	stream.indirect.scatter.add.f32 [tilespmem:s14], [sflag:$0x2], $0x20, s13, s13, $0xb8;
	[tilespmem:$0x191A0] =	vst v63  }
0x2d: {  	_ =	swait.ge [sflag:s12], $0xA00  }
0x2e: {  	[sflag:s12] =	ssyncset.done $0x0  }
0x2f: {  	s19 =	sadd.s32 s18, s10;
	[sflag:s12] =	ssyncadd.s32 $0xFFFFF600  }
0x30: {  	[tilespmem:s3], [sflag:$0x2] =	stream.linear.gather [hbm4b:s19+s3], $0x50, $0x38;
	[tilespmem:$0x191A0] =	vst v63  }
0x31: {  	_ =	swait.ge [sflag:s12], $0x50  }
0x32: {  	[sflag:s12] =	ssyncset.done $0x0  }
0x33: {  	s18 =	sadd.s32 s18, s9;
	[sflag:s12] =	ssyncadd.s32 $0xFFFFFFB0  }
0x34: {  	[tilespmem:s13], [sflag:$0x2] =	stream.linear.gather [hbm4b:s18+s3], $0x50, $0x38;
	[tilespmem:$0x191A0] =	vst v63  }
0x35: {  	_ =	swait.ge [sflag:s12], $0x50  }
0x36: {  	[sflag:s12] =	ssyncset.done $0x0  }
0x37: {  	[sflag:s12] =	ssyncadd.s32 $0xFFFFFFB0  }
0x38: {  	v1 =	vld [tilespmem:$0x40]  }
0x39: {  	v2 =	vld [tilespmem:$0x20]  }
0x3a: {  	v3 =	vld [tilespmem:$0x30]  }
0x3b: {  	v4 =	vld [tilespmem:$0x10]  }
0x3c: {  	v5 =	vld [tilespmem:$0x0]  }
0x3d: {  	v1 =	vadd.s32 v0, v1  }
0x3e: {  	v2 =	vadd.s32 v0, v2;
	[tilespmem:$0x40] =	vst v1  }
0x3f: {  	[tilespmem:$0x20] =	vst v2;
	v1 =	vadd.s32 v0, v3  }
0x40: {  	v2 =	vadd.s32 v0, v4;
	[tilespmem:$0x30] =	vst v1  }
.Ltmp0:
0x41: {  	v1 =	vadd.s32 v0, v5;
	[tilespmem:$0x10] =	vst v2;
	(pc) =	sbr.rel @p0 .LBB2_2-.Ltmp0, $4  }
0x42: {  	[tilespmem:$0x0] =	vst v1  }
0x43: {  	[tilespmem:s14], [sflag:$0x1] =	stream.indirect.gather [hbm4b:s4+s13], $0x20, s3, s13, $0xb8;
	[tilespmem:$0x191A0] =	vst v63  }
0x44: {  	_ =	swait.ge [sflag:s15], $0xA00  }
0x45: {  	[sflag:s15] =	ssyncset.done $0x0  }
0x46: {  	[sflag:s15] =	ssyncadd.s32 $0xFFFFF600  }
0x47: {  	[spmem:s2] =	stream.indirect.scatter.add.f32 [tilespmem:s14], [sflag:$0x2], $0x20, s13, s13, $0xb8;
	[tilespmem:$0x191A0] =	vst v63  }
0x48: {  	_ =	swait.ge [sflag:s12], $0xA00  }
0x49: {  	s16 =	sadd.s32 $0x1, s16;
	[sflag:s12] =	ssyncset.done $0x0  }
0x4a: {  	p0 =	sne.s32 s16, s8;
	[sflag:s12] =	ssyncadd.s32 $0xFFFFF600  }
.Ltmp1:
0x4b: {  	[bflag:$0x0] =	sbarrier.arrive $0xFFFF;
	(pc) =	sbr.rel @p0 .LBB2_1-.Ltmp1, $4  }
0x4c: {  	[hbm:s7], [sflag:s6] =	dma.local [spmem:s11], $0x30E0  }
0x4d: {  	_ =	swait.ge [sflag:s12], $0x30E0  }
0x4e: {  	[sflag:s12] =	ssyncset.done $0x0  }
0x4f: {  	[sflag:s12] =	ssyncadd.s32 $0xFFFFCF20  }
0x50: {  	_ =	sfence.sel $0x180000  }
0x51: {  	[bflag:$0x0] =	sbarrier.arrive $0xFFFF  }
0x52: {  	p0 =	sne.s32 s1, $0x0;
	_ =	strace $0x90000050  }
0x53: {  	s0 =	sadd.s32 @!p0 $0x100000, s0;
	[bflag:$0x2] =	sbarrier.arrive $0xFFFF  }
0x54: {  	[sflag:s0] =	ssyncadd.tile.s32 @!p0 $0x1;
	_ =	shalt  }
.Lfunc_end2:
_tile_overlayer_lowered:
.L_overlay_start_2:
0x55: {  	(tag) =	ssettag $0x2  }
0x56: {  	s0 =	rddreg [dreg:$0x0];
	s2 =	stileid.u32  }
0x57: {  	s1 =	rddreg [dreg:$0x1];
	p0 =	sne.s32 s2, $0x0  }
0x58: {  	s3 =	rddreg [dreg:$0x2];
	[bflag:$0x3] =	sbarrier.arrive $0xFFFF;
	s2 =	simm.s32 @!p0 $0x1C02  }
0x59: {  	[timem:s3], [sflag:s2] =	dma.local @!p0 [hbm:s0], s1  }
0x5a: {  	s0 =	simm.s32 @!p0 $0x2  }
0x5b: {  	_ =	swait.ge @!p0 [sflag:s0], s1  }
0x5c: {  	s1 =	ssub.s32 @!p0 $0x0, s1;
	[sflag:s0] =	ssyncset.done @!p0 $0x0  }
0x5d: {  	[sflag:s0] =	ssyncadd.s32 @!p0 s1  }
0x5e: {  	[bflag:$0x3] =	sbarrier.arrive $0xFFFF  }
0x5f: {  	_ =	shalt  }

// kernel: kernel.22.cloned.1.call-start
scs
__scs_entry_jumppad:
0x0: {  	(pc) =	sbr.rel $0x88, $3  }
0x1: {  	(tag) =	ssettag $0x0;
	lr =	simm.s32 $0x1  }
0x2: {  	[smem:$0x3F8D] =	sst lr;
	_ =	strace $0xD0000000  }
0x3: {  	_ = 	snop  }
0x4: {  	_ = 	snop  }
0x5: {  	_ = 	snop  }
0x6: {  	_ = 	snop  }
0x7: {  	_ = 	snop  }
__scs_overlays_trampoline_lowered:
0x8: {  	[smem:$0x3F9C] =	sst s0  }
0x9: {  	[smem:$0x3F9D] =	sst s1  }
0xa: {  	[smem:$0x3F9E] =	sst s2  }
0xb: {  	[smem:$0x3F9F] =	sst s3  }
0xc: {  	[smem:$0x3FA0] =	sst s4  }
0xd: {  	[smem:$0x3FA1] =	sst s5  }
0xe: {  	[smem:$0x3FA2] =	sst s6  }
0xf: {  	[smem:$0x3FA3] =	sst s7  }
0x10: {  	[smem:$0x3FA4] =	sst s8  }
0x11: {  	[smem:$0x3FA5] =	sst s9;
	s0 =	simm.s32 @!p0 $0x0  }
0x12: {  	s1 =	sld [smem:$0x3F8B];
	s0 =	simm.s32 @p0 $0x1  }
0x13: {  	[smem:$0x3FA6] =	sst s0;
	s0 =	simm.s32 @!p1 $0x0  }
0x14: {  	s2 =	sld [smem:$0x3F8A];
	s0 =	simm.s32 @p1 $0x1  }
0x15: {  	[smem:$0x3FA7] =	sst s0;
	s0 =	simm.s32 @!p2 $0x0  }
0x16: {  	s3 =	sld [smem:$0x3FDB];
	s0 =	simm.s32 @p2 $0x1  }
0x17: {  	s4 =	simm.s32 $0x1BF5;
	[smem:$0x3FA9] =	sst s0  }
0x18: {  	s0 =	sld [smem:$0x3F8C];
	_ =	swait.ge [sflag:s4], $0x0  }
0x19: {  	s7 =	sld [smem:$0x3F8D]  }
0x1a: {  	s8 =	sadd.s32 $0xFFFFE003, lr  }
0x1b: {  	s9 =	sadd.s32 $0xFFFFFEF7, lr;
	s5 =	simm.s32 $0xFFFFFFFF;
	p2 =	slt.u32 s8, $0xFFFFF086  }
0x1c: {  	p1 =	slt.u32 s9, $0xF7A;
	s5 =	simm.s32 @!p2 $0x0  }
0x1d: {  	s5 =	simm.s32 @p1 $0x1;
	p0 =	seq.s32 s7, s2  }
0x1e: {  	s7 =	smul.u32 @!p0 $0xF7A, s2;
	p2 =	seq.s32 @!p0 s5, $0x0  }
0x1f: {  	s9 =	smul.u32 $0xF7A, s1;
	s8 =	simm.s32 @!p0 $0x1BF5;
	p2 =	por !p2, p0  }
0x20: {  	[sflag:s8] =	ssyncset.s32 @!p0 $0xFFFFF086;
	s6 =	sadd.s32 @!p0 s3, s7;
	s7 =	simm.s32 @!p0 $0x108  }
0x21: {  	s3 =	sadd.s32 s3, s9;
	s6 =	sadd.s32 @!p0 $0x88, s6;
	s7 =	simm.s32 @p2 $0x1082  }
0x22: {  	[simem:s7], [sflag:s8] =	dma.local @!p0 [hbm:s6], $0xF7A  }
0x23: {  	s9 =	sor.u32 $0xD0000000, s2;
	s6 =	simm.s32 $0x108;
	_ =	swait.ge @!p0 [sflag:s8], $0x0  }
0x24: {  	s3 =	sadd.s32 $0x88, s3;
	s6 =	simm.s32 @!p1 $0x1082;
	[sflag:s4] =	ssyncset.s32 $0xFFFFF086  }
0x25: {  	[simem:s6], [sflag:s4] =	dma.local [hbm:s3], $0xF7A  }
0x26: {  	[smem:$0x3F8D] =	sst s1;
	(tag) =	ssettag s2;
	_ =	strace s9  }
0x27: {  	s1 =	sld [smem:$0x3F9D]  }
0x28: {  	s2 =	sld [smem:$0x3F9E]  }
0x29: {  	s4 =	sld [smem:$0x3FA0]  }
0x2a: {  	p0 =	seq.s32 s5, $0x0;
	s5 =	sld [smem:$0x3FA1]  }
0x2b: {  	s6 =	sld [smem:$0x3FA2]  }
0x2c: {  	s7 =	sld [smem:$0x3FA3]  }
0x2d: {  	s3 =	simm.s32 $0x108;
	s8 =	sld [smem:$0x3FA4]  }
0x2e: {  	s3 =	simm.s32 @!p0 $0x1082;
	s9 =	sld [smem:$0x3FA5]  }
0x2f: {  	lr =	sadd.s32 s0, s3;
	s0 =	sld [smem:$0x3F9C]  }
0x30: {  	s3 =	sld [smem:$0x3F9F]  }
0x31: {  	[smem:$0x3FA8] =	sst s10  }
0x32: {  	s10 =	sld [smem:$0x3FA6];
	_ =	sdelay $0x3  }
0x33: {  	p0 =	seq.s32 s10, $0x1;
	s10 =	sld [smem:$0x3FA8];
	_ =	sdelay $0x3  }
0x34: {  	[smem:$0x3FA8] =	sst s10  }
0x35: {  	s10 =	sld [smem:$0x3FA7];
	_ =	sdelay $0x3  }
0x36: {  	p1 =	seq.s32 s10, $0x1;
	s10 =	sld [smem:$0x3FA8];
	_ =	sdelay $0x3  }
0x37: {  	[smem:$0x3FA8] =	sst s10  }
0x38: {  	s10 =	sld [smem:$0x3FA9]  }
0x39: {  	_ = 	snop;
	(pc) =	sbr.ind lr, $3  }
0x3a: {  	_ = 	snop  }
0x3b: {  	_ = 	snop  }
0x3c: {  	p2 =	seq.s32 s10, $0x1;
	s10 =	sld [smem:$0x3FA8]  }
0x3d: {  	_ =	shalt  }
0x3e: {  	_ =	shalt  }
0x3f: {  	_ =	shalt  }
0x40: {  	_ =	shalt  }
0x41: {  	_ =	shalt  }
0x42: {  	_ =	shalt  }
0x43: {  	_ =	shalt  }
0x44: {  	_ =	shalt  }
0x45: {  	_ =	shalt  }
0x46: {  	_ =	shalt  }
0x47: {  	_ =	shalt  }
0x48: {  	_ =	shalt  }
0x49: {  	_ =	shalt  }
0x4a: {  	_ =	shalt  }
0x4b: {  	_ =	shalt  }
0x4c: {  	_ =	shalt  }
0x4d: {  	_ =	shalt  }
0x4e: {  	_ =	shalt  }
0x4f: {  	_ =	shalt  }
0x50: {  	_ =	shalt  }
0x51: {  	_ =	shalt  }
0x52: {  	_ =	shalt  }
0x53: {  	_ =	shalt  }
0x54: {  	_ =	shalt  }
0x55: {  	_ =	shalt  }
0x56: {  	_ =	shalt  }
0x57: {  	_ =	shalt  }
0x58: {  	_ =	shalt  }
0x59: {  	_ =	shalt  }
0x5a: {  	_ =	shalt  }
0x5b: {  	_ =	shalt  }
0x5c: {  	_ =	shalt  }
0x5d: {  	_ =	shalt  }
0x5e: {  	_ =	shalt  }
0x5f: {  	_ =	shalt  }
0x60: {  	_ =	shalt  }
0x61: {  	_ =	shalt  }
0x62: {  	_ =	shalt  }
0x63: {  	_ =	shalt  }
0x64: {  	_ =	shalt  }
0x65: {  	_ =	shalt  }
0x66: {  	_ =	shalt  }
0x67: {  	_ =	shalt  }
0x68: {  	_ =	shalt  }
0x69: {  	_ =	shalt  }
0x6a: {  	_ =	shalt  }
0x6b: {  	_ =	shalt  }
0x6c: {  	_ =	shalt  }
0x6d: {  	_ =	shalt  }
0x6e: {  	_ =	shalt  }
0x6f: {  	_ =	shalt  }
0x70: {  	_ =	shalt  }
0x71: {  	_ =	shalt  }
0x72: {  	_ =	shalt  }
0x73: {  	_ =	shalt  }
0x74: {  	_ =	shalt  }
0x75: {  	_ =	shalt  }
0x76: {  	_ =	shalt  }
0x77: {  	_ =	shalt  }
0x78: {  	_ =	shalt  }
0x79: {  	_ =	shalt  }
0x7a: {  	_ =	shalt  }
0x7b: {  	_ =	shalt  }
0x7c: {  	_ =	shalt  }
0x7d: {  	_ =	shalt  }
0x7e: {  	_ =	shalt  }
0x7f: {  	_ =	shalt  }
0x80: {  	_ =	shalt  }
0x81: {  	_ =	shalt  }
0x82: {  	_ =	shalt  }
0x83: {  	_ =	shalt  }
0x84: {  	_ =	shalt  }
0x85: {  	_ =	shalt  }
0x86: {  	_ =	shalt  }
0x87: {  	_ =	shalt  }
.Lfunc_end0:
.L_simem_size_0:
called_computation.4_lowered:
.L_overlay_start_0:
0x88: {  	s2 =	sld [smem:$0x3FD9]  }
0x89: {  	s3 =	sld [smem:$0x3FFE];
	_ =	sdelay $0x1  }
0x8a: {  	s1 =	srdreg.scid  }
0x8b: {  	s0 =	sand.u32 $0x1, s1  }
0x8c: {  	s15 =	sshll.u32 s0, $0xA;
	s2 =	sadd.s32 s3, s2  }
0x8d: {  	s2 =	sadd.s32 s2, s15  }
0x8e: {  	[smem:$0x3FB4] =	sst s2  }
0x8f: {  	_ = 	snop  }
0x90: {  	s2 =	sld [smem:$0x3FD0];
	_ =	sdelay $0x2  }
0x91: {  	s16 =	simm.s32 $0xC;
	s4 =	simm.s32 $0x10  }
0x92: {  	[smem:s4], [sflag:s16] =	dma.local [hbm:s2], $0x1  }
0x93: {  	_ =	swait.eq [sflag:s16], $0x1  }
0x94: {  	[sflag:s16] =	ssyncset.done $0x0  }
0x95: {  	[sflag:s16] =	ssyncadd.s32 $0xFFFFFFFF  }
0x96: {  	s17 =	sld [smem:$0x11];
	(tm) =	ssettm $0x1  }
0x97: {  	s18 =	sld [smem:$0x3FFB];
	_ =	sdelay $0x3  }
0x98: {  	_ =	strace s18  }
0x99: {  	s2 =	sld [smem:$0x3FFC];
	_ =	sdelay $0x3  }
0x9a: {  	_ =	strace s2  }
0x9b: {  	s2 =	sld [smem:$0x3FFD];
	_ =	sdelay $0x3  }
0x9c: {  	_ =	strace s2  }
0x9d: {  	_ =	strace $0x8FFFFFFF  }
0x9e: {  	s19 =	sld [smem:$0x3FDB];
	_ =	sdelay $0x1  }
0x9f: {  	s20 =	simm.s32 $_scs_section_size  }
0xa0: {  	s5 =	simm.s32 $_size__tile_overlayer_lowered;
	s6 =	simm.s32 $_tile_overlayer_lowered  }
0xa1: {  	s7 =	simm.s32 $0x1BFF;
	s21 =	sshll.u32 s6, $0x1;
	s4 =	sadd.s32 s20, s19  }
0xa2: {  	s22 =	simm.s32 $0x0;
	s5 =	sshll.u32 s5, $0x1;
	s6 =	sadd.s32 s21, s4  }
0xa3: {  	[timem:s22], [sflag:s7] =	dma.local [hbm:s6], s5  }
0xa4: {  	_ =	swait.ge [sflag:s7], s5  }
0xa5: {  	s5 =	ssub.s32 $0x0, s5;
	[sflag:s7] =	ssyncset.done $0x0  }
0xa6: {  	[sflag:s7] =	ssyncadd.s32 s5;
	_ =	sdelay $0x1  }
0xa7: {  	s23 =	simm.s32 $0x1B8B  }
0xa8: {  	_ =	swait.ge [sflag:s23], $0x1  }
0xa9: {  	[sflag:s23] =	ssyncset.done $0x0  }
0xaa: {  	[sflag:s23] =	ssyncadd.s32 $0xFFFFFFFF  }
0xab: {  	s5 =	sld [smem:$0x0]  }
0xac: {  	s6 =	sand.u32 $0xFFFFFFFE, s1  }
0xad: {  	p0 =	sne.s32 s1, s6  }
0xae: {  	s6 =	sshll.u32 @p0 s6, $0xE  }
0xaf: {  	s6 =	sadd.s32 @p0 $0x11B8D, s6;
	s7 =	sshll.u32 @p0 s5, $0x11  }
0xb0: {  	s6 =	sor.u32 @p0 s7, s6  }
0xb1: {  	[sflag:s6] =	ssyncadd.remote.s32 @p0 $0x1;
	_ =	sdelay $0x1  }
0xb2: {  	s6 =	simm.s32 @p0 $0x1B8D  }
0xb3: {  	_ =	swait.eq @p0 [sflag:s6], $0x1  }
0xb4: {  	[sflag:s6] =	ssyncadd.s32 @p0 $0xFFFFFFFF  }
0xb5: {  	s7 =	sshll.u32 @!p0 s1, $0xE  }
0xb6: {  	s7 =	sor.u32 @!p0 $0x4000, s7;
	s6 =	simm.s32 @!p0 $0x1B8D  }
0xb7: {  	s5 =	sshll.u32 @!p0 s5, $0x11;
	s7 =	sadd.s32 @!p0 $0x11B8D, s7;
	_ =	swait.eq @!p0 [sflag:s6], $0x1  }
0xb8: {  	s5 =	sor.u32 @!p0 s5, s7;
	[sflag:s6] =	ssyncadd.s32 @!p0 $0xFFFFFFFF  }
0xb9: {  	s25 =	simm.s32 $0x1B8E;
	s24 =	sld [smem:$0x3FFE];
	[sflag:s5] =	ssyncadd.remote.s32 @!p0 $0x1  }
0xba: {  	s26 =	simm.s32 $execute0_lowered;
	[smem:$0x3FD2] =	sst s25  }
0xbb: {  	s6 =	sshll.u32 s26, $0x1;
	_ =	strace $0x80000052;
	[dreg:$0x1] =	wrdreg $0xFFFFFFFF  }
0xbc: {  	s28 =	simm.s32 $_size_execute0_lowered;
	s4 =	sadd.s32 s4, s6;
	[dreg:$0x0] =	wrdreg $0x0  }
0xbd: {  	s6 =	sshll.u32 s28, $0x1;
	[dreg:$0x2] =	wrdreg s4  }
0xbe: {  	[dreg:$0x3] =	wrdreg s6  }
0xbf: {  	[dreg:$0x4] =	wrdreg $0xC0  }
0xc0: {  	_ =	task [dreg:s22], $0x5FFFF  }
0xc1: {  	[dreg:$0x1] =	wrdreg $0xFFFFFFFF  }
0xc2: {  	[dreg:$0x0] =	wrdreg $0x60  }
0xc3: {  	[dreg:$0x2] =	wrdreg s24  }
0xc4: {  	[dreg:$0x3] =	wrdreg s17  }
0xc5: {  	[dreg:$0x4] =	wrdreg $0xAA00  }
0xc6: {  	[dreg:$0x5] =	wrdreg $0xA  }
0xc7: {  	_ =	task.clear_ibuf [dreg:s22], $0x6FFFF;
	_ =	strace $0x90000052  }
0xc8: {  	s29 =	simm.s32 $0xA;
	_ =	strace $0x80000054  }
0xc9: {  	_ =	swait.ge [sflag:s29], $0x1  }
0xca: {  	[sflag:s29] =	ssyncadd.s32 $0xFFFFFFFF  }
0xcb: {  	_ =	strace $0x90000054  }
0xcc: {  	_ =	sfence  }
0xcd: {  	s30 =	sld [smem:$0x0];
	_ =	sdelay $0x2  }
0xce: {  	s31 =	sshll.u32 s1, $0xD;
	s1 =	sshrl.u32 s1, $0x2  }
0xcf: {  	s4 =	sand.u32 $0x4000, s31;
	s1 =	sadd.s32 s1, s30  }
0xd0: {  	s0 =	sor.u32 s4, s0;
	s1 =	sshll.u32 s1, $0x11  }
0xd1: {  	s0 =	sor.u32 s1, s0  }
0xd2: {  	s0 =	sadd.s32 $0x8F2B, s0  }
0xd3: {  	[sflag:s0] =	ssyncadd.remote.s32 $0x1  }
0xd4: {  	_ =	sfence.sel $0xFFFF  }
0xd5: {  	[dreg:$0x0] =	wrdreg $0xFFFFFFFF;
	(pc) =	sbr.abs _section_cstart, $3  }
0xd6: {  	[dreg:$0x1] =	wrdreg $0xFFFFFFFF  }
0xd7: {  	_ =	task.clear_ibuf [dreg:s22], $0x2FFFF;
	_ =	strace $0x9FFFFFFF  }
0xd8: {  	(tm) =	ssettm $0x7FFFFFFF  }
0xd9: {  	_ =	shalt  }
tec
execute0_lowered:
.L_overlay_start_1:
0x0: {  	(tag) =	ssettag $0x1  }
0x1: {  	s5 =	rddreg [dreg:$0x0]  }
0x2: {  	s7 =	rddreg [dreg:$0x1]  }
0x3: {  	s2 =	rddreg [dreg:$0x2]  }
0x4: {  	s0 =	rddreg [dreg:$0x3];
	s3 =	simm.s32 $0x0;
	s1 =	stileid.u32  }
0x5: {  	s4 =	srdreg.scid;
	s15 =	simm.s32 $0x1;
	s6 =	smul.u32 $0x186A, s1  }
0x6: {  	s16 =	simm.s32 $0x0;
	[smem:$0x7FF] =	sst s3;
	s9 =	smul.u32 $0x30E0, s1  }
0x7: {  	s8 =	sand.u32 $0x1, s4;
	s4 =	sadd.s32 $0x64C00, s5;
	s11 =	smul.u32 $0x61C00, s1  }
0x8: {  	s31 =	sshll.u32 s1, $0x6;
	_ =	strace $0x80000053;
	s13 =	smul.u32 $0x30E00, s8  }
0x9: {  	s10 =	ssub.s32 $0x2, s8;
	s14 =	smul.u32 $0xC350, s8;
	s12 =	sadd.s32 s6, s5  }
0xa: {  	s29 =	sshrl.u32 s10, $0x1;
	s5 =	sadd.s32 $0xC8400, s5;
	s30 =	sshrl.u32 s11, $0x2  }
0xb: {  	s6 =	sor.u32 $0x1C02, s31;
	s10 =	ssub.s32 s10, s29;
	s9 =	sadd.s32 s9, s13  }
0xc: {  	s11 =	sadd.s32 s30, s2;
	s13 =	simm.s32 $0x50;
	v0 =	vmov s14;
	s14 =	simm.s32 $0xA0  }
0xd: {  	s7 =	sadd.s32 s7, s9;
	s8 =	smax.u32 s10, $0x1;
	s9 =	sadd.s32 $0x33C00, s12  }
0xe: {  	s10 =	sadd.s32 $0x1B400, s12;
	s11 =	sshrl.u32 s11, $0x3;
	s12 =	simm.s32 $0x2  }
.LBB2_1:
0xf: {  	[spmem:s11], [sflag:s6] =	dma.local [hbm:s5], $0x30E0  }
0x10: {  	_ =	swait.ge [sflag:s12], $0x30E0  }
0x11: {  	[sflag:s12] =	ssyncset.done $0x0  }
0x12: {  	[sflag:s12] =	ssyncadd.s32 $0xFFFFCF20  }
0x13: {  	s17 =	sadd.s32 $0x0, s10;
	[bflag:$0x0] =	sbarrier.arrive $0xFFFF  }
0x14: {  	[tilespmem:s3], [sflag:$0x2] =	stream.linear.gather [hbm4b:s17+s3], $0x50, $0x38;
	[tilespmem:$0x191A0] =	vst v63  }
0x15: {  	_ =	swait.ge [sflag:s12], $0x50  }
0x16: {  	[sflag:s12] =	ssyncset.done $0x0  }
0x17: {  	s31 =	sadd.s32 $0x0, s9;
	[sflag:s12] =	ssyncadd.s32 $0xFFFFFFB0  }
0x18: {  	[tilespmem:s13], [sflag:$0x2] =	stream.linear.gather [hbm4b:s31+s3], $0x50, $0x38;
	[tilespmem:$0x191A0] =	vst v63  }
0x19: {  	_ =	swait.ge [sflag:s12], $0x50  }
0x1a: {  	[sflag:s12] =	ssyncset.done $0x0  }
0x1b: {  	[sflag:s12] =	ssyncadd.s32 $0xFFFFFFB0  }
0x1c: {  	v1 =	vld [tilespmem:$0x40]  }
0x1d: {  	v2 =	vld [tilespmem:$0x20]  }
0x1e: {  	v3 =	vld [tilespmem:$0x30]  }
0x1f: {  	v4 =	vld [tilespmem:$0x10]  }
0x20: {  	v5 =	vld [tilespmem:$0x0]  }
0x21: {  	v1 =	vadd.s32 v0, v1  }
0x22: {  	v2 =	vadd.s32 v0, v2;
	[tilespmem:$0x40] =	vst v1  }
0x23: {  	[tilespmem:$0x20] =	vst v2;
	v1 =	vadd.s32 v0, v3  }
0x24: {  	v2 =	vadd.s32 v0, v4;
	[tilespmem:$0x30] =	vst v1  }
0x25: {  	v1 =	vadd.s32 v0, v5;
	[tilespmem:$0x10] =	vst v2  }
0x26: {  	[tilespmem:$0x0] =	vst v1  }
0x27: {  	[tilespmem:s14], [sflag:$0x1] =	stream.indirect.gather [hbm4b:s4+s13], $0x20, s3, s13, $0xb8;
	[tilespmem:$0x191A0] =	vst v63  }
0x28: {  	_ =	swait.ge [sflag:s15], $0xA00  }
0x29: {  	s17 =	simm.s32 $0xA;
	[sflag:s15] =	ssyncset.done $0x0  }
.LBB2_2:
0x2a: {  	p0 =	sne.s32 s17, $0x1860  }
0x2b: {  	[sflag:s15] =	ssyncadd.s32 $0xFFFFF600;
	s18 =	smov.u32 s17;
	s17 =	sadd.s32 $0xA, s17  }
0x2c: {  	[spmem:s2] =	stream.indirect.scatter.add.f32 [tilespmem:s14], [sflag:$0x2], $0x20, s13, s13, $0xb8;
	[tilespmem:$0x191A0] =	vst v63  }
0x2d: {  	_ =	swait.ge [sflag:s12], $0xA00  }
0x2e: {  	[sflag:s12] =	ssyncset.done $0x0  }
0x2f: {  	s19 =	sadd.s32 s18, s10;
	[sflag:s12] =	ssyncadd.s32 $0xFFFFF600  }
0x30: {  	[tilespmem:s3], [sflag:$0x2] =	stream.linear.gather [hbm4b:s19+s3], $0x50, $0x38;
	[tilespmem:$0x191A0] =	vst v63  }
0x31: {  	_ =	swait.ge [sflag:s12], $0x50  }
0x32: {  	[sflag:s12] =	ssyncset.done $0x0  }
0x33: {  	s18 =	sadd.s32 s18, s9;
	[sflag:s12] =	ssyncadd.s32 $0xFFFFFFB0  }
0x34: {  	[tilespmem:s13], [sflag:$0x2] =	stream.linear.gather [hbm4b:s18+s3], $0x50, $0x38;
	[tilespmem:$0x191A0] =	vst v63  }
0x35: {  	_ =	swait.ge [sflag:s12], $0x50  }
0x36: {  	[sflag:s12] =	ssyncset.done $0x0  }
0x37: {  	[sflag:s12] =	ssyncadd.s32 $0xFFFFFFB0  }
0x38: {  	v1 =	vld [tilespmem:$0x40]  }
0x39: {  	v2 =	vld [tilespmem:$0x20]  }
0x3a: {  	v3 =	vld [tilespmem:$0x30]  }
0x3b: {  	v4 =	vld [tilespmem:$0x10]  }
0x3c: {  	v5 =	vld [tilespmem:$0x0]  }
0x3d: {  	v1 =	vadd.s32 v0, v1  }
0x3e: {  	v2 =	vadd.s32 v0, v2;
	[tilespmem:$0x40] =	vst v1  }
0x3f: {  	[tilespmem:$0x20] =	vst v2;
	v1 =	vadd.s32 v0, v3  }
0x40: {  	v2 =	vadd.s32 v0, v4;
	[tilespmem:$0x30] =	vst v1  }
.Ltmp0:
0x41: {  	v1 =	vadd.s32 v0, v5;
	[tilespmem:$0x10] =	vst v2;
	(pc) =	sbr.rel @p0 .LBB2_2-.Ltmp0, $4  }
0x42: {  	[tilespmem:$0x0] =	vst v1  }
0x43: {  	[tilespmem:s14], [sflag:$0x1] =	stream.indirect.gather [hbm4b:s4+s13], $0x20, s3, s13, $0xb8;
	[tilespmem:$0x191A0] =	vst v63  }
0x44: {  	_ =	swait.ge [sflag:s15], $0xA00  }
0x45: {  	[sflag:s15] =	ssyncset.done $0x0  }
0x46: {  	[sflag:s15] =	ssyncadd.s32 $0xFFFFF600  }
0x47: {  	[spmem:s2] =	stream.indirect.scatter.add.f32 [tilespmem:s14], [sflag:$0x2], $0x20, s13, s13, $0xb8;
	[tilespmem:$0x191A0] =	vst v63  }
0x48: {  	_ =	swait.ge [sflag:s12], $0xA00  }
0x49: {  	s16 =	sadd.s32 $0x1, s16;
	[sflag:s12] =	ssyncset.done $0x0  }
0x4a: {  	p0 =	sne.s32 s16, s8;
	[sflag:s12] =	ssyncadd.s32 $0xFFFFF600  }
.Ltmp1:
0x4b: {  	[bflag:$0x0] =	sbarrier.arrive $0xFFFF;
	(pc) =	sbr.rel @p0 .LBB2_1-.Ltmp1, $4  }
0x4c: {  	[hbm:s7], [sflag:s6] =	dma.local [spmem:s11], $0x30E0  }
0x4d: {  	_ =	swait.ge [sflag:s12], $0x30E0  }
0x4e: {  	[sflag:s12] =	ssyncset.done $0x0  }
0x4f: {  	[sflag:s12] =	ssyncadd.s32 $0xFFFFCF20  }
0x50: {  	_ =	sfence.sel $0x180000  }
0x51: {  	[bflag:$0x0] =	sbarrier.arrive $0xFFFF  }
0x52: {  	p0 =	sne.s32 s1, $0x0;
	_ =	strace $0x90000053  }
0x53: {  	s0 =	sadd.s32 @!p0 $0x100000, s0;
	[bflag:$0x2] =	sbarrier.arrive $0xFFFF  }
0x54: {  	[sflag:s0] =	ssyncadd.tile.s32 @!p0 $0x1;
	_ =	shalt  }
.Lfunc_end2:
_tile_overlayer_lowered:
.L_overlay_start_2:
0x55: {  	(tag) =	ssettag $0x2  }
0x56: {  	s0 =	rddreg [dreg:$0x0];
	s2 =	stileid.u32  }
0x57: {  	s1 =	rddreg [dreg:$0x1];
	p0 =	sne.s32 s2, $0x0  }
0x58: {  	s3 =	rddreg [dreg:$0x2];
	[bflag:$0x3] =	sbarrier.arrive $0xFFFF;
	s2 =	simm.s32 @!p0 $0x1C02  }
0x59: {  	[timem:s3], [sflag:s2] =	dma.local @!p0 [hbm:s0], s1  }
0x5a: {  	s0 =	simm.s32 @!p0 $0x2  }
0x5b: {  	_ =	swait.ge @!p0 [sflag:s0], s1  }
0x5c: {  	s1 =	ssub.s32 @!p0 $0x0, s1;
	[sflag:s0] =	ssyncset.done @!p0 $0x0  }
0x5d: {  	[sflag:s0] =	ssyncadd.s32 @!p0 s1  }
0x5e: {  	[bflag:$0x3] =	sbarrier.arrive $0xFFFF  }
0x5f: {  	_ =	shalt  }

</sc_bundles>
